<compile_context>
chip_gen: v7x
topology: tpu7x:2x2x1
jax: 0.10.2.dev20260603
libtpu: 0.0.44.dev20260713+nightly
codegen_flags: <defaults>
</compile_context>

<pallas_src>
import functools

import jax
import jax.numpy as jnp
from jax import lax
from jax.experimental import pallas as pl
from jax.experimental.pallas import tpu as pltpu
from jax.experimental.pallas import tpu_sc as plsc

D = 32
SEQ = 200
BATCH = 4096
NW = 32
BB = BATCH // NW


def _mesh():
    return plsc.VectorSubcoreMesh(
        core_axis_name="c", subcore_axis_name="s",
        num_cores=2, num_subcores=16)


def _emb_body(x4_hbm, tok_hbm, pos_hbm, out_hbm,
              idx_v, buf_v, bufT_v, pos_v, g0, g1, g2, g3, w0, w1):
    cid = lax.axis_index("c")
    sid = lax.axis_index("s")
    wid = sid * 2 + cid

    pltpu.sync_copy(x4_hbm.at[:, wid], idx_v)
    pltpu.sync_copy(pos_hbm, pos_v)

    gsems = (g0, g1, g2, g3)
    wsems = (w0, w1)
    er0 = lax.iota(jnp.int32, 16)
    er1 = er0 + 16
    z16 = er0 * 0

    def fire_gather(s, b):
        pltpu.async_copy(
            tok_hbm.at[idx_v.at[s // 8, s % 8]],
            buf_v.at[b],
            gsems[b])

    def wait_gather(b):
        pltpu.make_async_copy(
            tok_hbm.at[idx_v.at[0, 0]], buf_v.at[b], gsems[b]).wait()

    def fire_writes(s, b):
        for eb in range(4):
            pltpu.async_copy(
                bufT_v.at[b, pl.ds(eb * 8, 8), pl.ds(0, 128)],
                out_hbm.at[s, eb, wid],
                wsems[b])

    def wait_writes(b):
        for eb in range(4):
            pltpu.make_async_copy(
                bufT_v.at[b, pl.ds(eb * 8, 8), pl.ds(0, 128)],
                out_hbm.at[0, eb, 0], wsems[b]).wait()

    def transform(s, b, tb):
        p0 = pos_v[s, pl.ds(0, 16)]
        p1 = pos_v[s, pl.ds(16, 16)]

        @plsc.parallel_loop(0, BB, 1, unroll=8)
        def _(bp):
            r0 = buf_v[b, bp, pl.ds(0, 16)] + p0
            r1 = buf_v[b, bp, pl.ds(16, 16)] + p1
            col = z16 + bp
            plsc.store_scatter(bufT_v.at[tb], [er0, col], r0)
            plsc.store_scatter(bufT_v.at[tb], [er1, col], r1)

    fire_gather(0, 0)
    fire_gather(1, 1)
    fire_gather(2, 2)

    @pl.loop(0, SEQ // 4)
    def _(ci):
        for b in range(4):
            s = ci * 4 + b

            @pl.when(s + 3 < SEQ)
            def _():
                fire_gather(s + 3, (b + 3) % 4)

            wait_gather(b)

            @pl.when(s >= 2)
            def _():
                wait_writes(b % 2)

            transform(s, b, b % 2)
            fire_writes(s, b % 2)

    wait_writes(0)
    wait_writes(1)


def kernel(x, token_table, pos_table):
    x4 = (x.astype(jnp.int32).T
          .reshape(SEQ // 8, 8, NW, BB)
          .transpose(0, 2, 1, 3))

    kern = functools.partial(
        pl.kernel,
        out_type=jax.ShapeDtypeStruct((SEQ, 4, NW, 8, BB), jnp.float32),
        mesh=_mesh(),
        compiler_params=pltpu.CompilerParams(
            use_tc_tiling_on_sc=False, needs_layout_passes=False),
        scratch_types=[
            pltpu.VMEM((SEQ // 8, 8, BB), jnp.int32),
            pltpu.VMEM((4, BB, D), jnp.float32),
            pltpu.VMEM((2, 32, 129), jnp.float32),
            pltpu.VMEM((SEQ, D), jnp.float32),
            pltpu.SemaphoreType.DMA,
            pltpu.SemaphoreType.DMA,
            pltpu.SemaphoreType.DMA,
            pltpu.SemaphoreType.DMA,
            pltpu.SemaphoreType.DMA,
            pltpu.SemaphoreType.DMA,
        ],
    )(_emb_body)

    out5 = kern(x4, token_table, pos_table)
    return (out5.transpose(2, 4, 0, 1, 3)
            .reshape(BATCH, SEQ, D))

# --- scband reference (transcript-rebuilt; emitter-appended) ---
"""Pipeline reference for scband-token-and-position-embedding-37606733644192 (READ-ONLY COPY).

The authoritative reference and input builder live on the scoring server;
editing this copy changes nothing except your own understanding.
"""

import jax, jax.numpy as jnp
import numpy as np

VOCAB = 1000000
MAXLEN = 200
EMBED_DIM = 32
BATCH = 4096
SEQ = 200

def setup_inputs(seed: int = 0) -> dict:
    key = jax.random.key(seed)
    k1, k2, k3 = jax.random.split(key, 3)
    x = jax.random.randint(k1, (BATCH, SEQ), 0, VOCAB, dtype=jnp.int64 if jax.config.jax_enable_x64 else jnp.int32)
    token_table = jax.random.normal(k2, (VOCAB, EMBED_DIM), dtype=jnp.float32) * 0.02
    pos_table = jax.random.normal(k3, (MAXLEN, EMBED_DIM), dtype=jnp.float32) * 0.02
    return {"x": x, "token_table": token_table, "pos_table": pos_table}

def reference(x, token_table, pos_table):
    # TokenAndPositionEmbedding.call: token lookup + positional lookup broadcast over batch
    seqlen = x.shape[-1]
    positions = jnp.arange(seqlen)
    pos_emb = jnp.take(pos_table, positions, axis=0)           # [S, D]
    tok_emb = jnp.take(token_table, x, axis=0)                 # [B, S, D]
    return tok_emb + pos_emb[None, :, :]

if __name__ == "__main__":
    import jax
    _d = setup_inputs()
    print(jax.jit(kernel)(*tuple(_d.values())))

</pallas_src>

<mosaic_0001>
#map = affine_map<(d0, d1) -> (0, 0, 0, 0)>
#map1 = affine_map<(d0, d1) -> (0, 0)>
#map2 = affine_map<(d0, d1) -> (0, 0, 0, 0, 0)>
module attributes {stable_mosaic.version = 14 : i64} {
  func.func @_emb_body(%arg0: i32, %arg1: i32, %arg2: memref<25x32x8x128xi32, #tpu.memory_space<hbm>>, %arg3: memref<1000000x32xf32, #tpu.memory_space<hbm>>, %arg4: memref<200x32xf32, #tpu.memory_space<hbm>>, %arg5: memref<200x4x32x8x128xf32, #tpu.memory_space<hbm>>, %arg6: memref<25x8x128xi32, #tpu.memory_space<vmem>>, %arg7: memref<4x128x32xf32, #tpu.memory_space<vmem>>, %arg8: memref<2x32x129xf32, #tpu.memory_space<vmem>>, %arg9: memref<200x32xf32, #tpu.memory_space<vmem>>, %arg10: memref<!tpu.dma_semaphore, #tpu.memory_space<semaphore_mem>>, %arg11: memref<!tpu.dma_semaphore, #tpu.memory_space<semaphore_mem>>, %arg12: memref<!tpu.dma_semaphore, #tpu.memory_space<semaphore_mem>>, %arg13: memref<!tpu.dma_semaphore, #tpu.memory_space<semaphore_mem>>, %arg14: memref<!tpu.dma_semaphore, #tpu.memory_space<semaphore_mem>>, %arg15: memref<!tpu.dma_semaphore, #tpu.memory_space<semaphore_mem>>) attributes {dimension_semantics = [#tpu.dimension_semantics<core_parallel>, #tpu.dimension_semantics<subcore_parallel>], iteration_bounds = array<i64: 2, 16>, scalar_prefetch = 0 : i64, scratch_operands = 10 : i64, tpu.core_type = #tpu.core_type<sc_vector_subcore>, window_params = [{transform_indices = #map}, {transform_indices = #map1}, {transform_indices = #map1}, {transform_indices = #map2}]} {
    %mul3A = arith.constant 2 : i32
    %mul3A_0 = arith.muli %arg1, %mul3A : i32
    %add3A = arith.addi %mul3A_0, %arg0 : i32
    "tpu.region"() ({
      %run_scoped3A = tpu.sem_alloc : memref<!tpu.dma_semaphore, #tpu.memory_space<semaphore_mem>>
      %dma_start3A_208 = arith.constant 0 : i32
      %dma_start3A_209 = arith.constant 0 : i32
      %dma_start3A_210 = arith.constant 0 : i32
      %dma_start3A_211 = tpu.memref_slice %arg2[%dma_start3A_208, %add3A, %dma_start3A_209, %dma_start3A_210] : memref<25x32x8x128xi32, #tpu.memory_space<hbm>> -> memref<25x1x8x128xi32, #tpu.memory_space<hbm>>
      %dma_start3A_212 = tpu.memref_squeeze %dma_start3A_211 : memref<25x1x8x128xi32, #tpu.memory_space<hbm>> -> memref<25x8x128xi32, #tpu.memory_space<hbm>>
      %dma_start3A_213 = arith.constant 0 : i32
      %dma_start3A_214 = arith.constant 0 : i32
      %dma_start3A_215 = arith.constant 0 : i32
      %dma_start3A_216 = tpu.memref_slice %arg2[%dma_start3A_213, %add3A, %dma_start3A_214, %dma_start3A_215] : memref<25x32x8x128xi32, #tpu.memory_space<hbm>> -> memref<25x1x8x128xi32, #tpu.memory_space<hbm>>
      %dma_start3A_217 = tpu.memref_squeeze %dma_start3A_216 : memref<25x1x8x128xi32, #tpu.memory_space<hbm>> -> memref<25x8x128xi32, #tpu.memory_space<hbm>>
      tpu.enqueue_dma source(%dma_start3A_217 : memref<25x8x128xi32, #tpu.memory_space<hbm>>) target(%arg6 : memref<25x8x128xi32, #tpu.memory_space<vmem>>) target_semaphore(%run_scoped3A : memref<!tpu.dma_semaphore, #tpu.memory_space<semaphore_mem>>)
      %dma_wait3A_218 = arith.constant 0 : i32
      %dma_wait3A_219 = arith.constant 0 : i32
      %dma_wait3A_220 = arith.constant 0 : i32
      %dma_wait3A_221 = tpu.memref_slice %arg2[%dma_wait3A_218, %add3A, %dma_wait3A_219, %dma_wait3A_220] : memref<25x32x8x128xi32, #tpu.memory_space<hbm>> -> memref<25x1x8x128xi32, #tpu.memory_space<hbm>>
      %dma_wait3A_222 = tpu.memref_squeeze %dma_wait3A_221 : memref<25x1x8x128xi32, #tpu.memory_space<hbm>> -> memref<25x8x128xi32, #tpu.memory_space<hbm>>
      %dma_wait3A_223 = arith.constant 0 : i32
      %dma_wait3A_224 = arith.constant 0 : i32
      %dma_wait3A_225 = arith.constant 0 : i32
      %dma_wait3A_226 = tpu.memref_slice %arg2[%dma_wait3A_223, %add3A, %dma_wait3A_224, %dma_wait3A_225] : memref<25x32x8x128xi32, #tpu.memory_space<hbm>> -> memref<25x1x8x128xi32, #tpu.memory_space<hbm>>
      %dma_wait3A_227 = tpu.memref_squeeze %dma_wait3A_226 : memref<25x1x8x128xi32, #tpu.memory_space<hbm>> -> memref<25x8x128xi32, #tpu.memory_space<hbm>>
      tpu.wait_dma2 semaphore(%run_scoped3A : memref<!tpu.dma_semaphore, #tpu.memory_space<semaphore_mem>>) src(%dma_wait3A_227 : memref<25x8x128xi32, #tpu.memory_space<hbm>>) dst(%arg6 : memref<25x8x128xi32, #tpu.memory_space<vmem>>)
      tpu.yield
    }) : () -> ()
    "tpu.region"() ({
      %run_scoped3A = tpu.sem_alloc : memref<!tpu.dma_semaphore, #tpu.memory_space<semaphore_mem>>
      tpu.enqueue_dma source(%arg4 : memref<200x32xf32, #tpu.memory_space<hbm>>) target(%arg9 : memref<200x32xf32, #tpu.memory_space<vmem>>) target_semaphore(%run_scoped3A : memref<!tpu.dma_semaphore, #tpu.memory_space<semaphore_mem>>)
      tpu.wait_dma2 semaphore(%run_scoped3A : memref<!tpu.dma_semaphore, #tpu.memory_space<semaphore_mem>>) src(%arg4 : memref<200x32xf32, #tpu.memory_space<hbm>>) dst(%arg9 : memref<200x32xf32, #tpu.memory_space<vmem>>)
      tpu.yield
    }) : () -> ()
    %iota3A = tpu.iota {dimensions = array<i32: 0>} : vector<16xi32>
    %add3A_1 = arith.constant 16 : i32
    %add3A_2 = vector.broadcast %add3A_1 : i32 to vector<16xi32>
    %add3A_3 = arith.addi %iota3A, %add3A_2 : vector<16xi32>
    %mul3A_4 = arith.constant 0 : i32
    %mul3A_5 = vector.broadcast %mul3A_4 : i32 to vector<16xi32>
    %mul3A_6 = arith.muli %iota3A, %mul3A_5 : vector<16xi32>
    %dma_start3A = arith.constant 0 : i32
    %dma_start3A_7 = arith.constant 0 : i32
    %dma_start3A_8 = arith.constant 0 : i32
    %dma_start3A_9 = arith.constant 0 : i32
    %dma_start3A_10 = arith.constant 0 : i32
    %dma_start3A_11 = tpu.memref_slice %arg7[%dma_start3A_8, %dma_start3A_9, %dma_start3A_10] : memref<4x128x32xf32, #tpu.memory_space<vmem>> -> memref<1x128x32xf32, #tpu.memory_space<vmem>>
    %dma_start3A_12 = tpu.memref_squeeze %dma_start3A_11 : memref<1x128x32xf32, #tpu.memory_space<vmem>> -> memref<128x32xf32, #tpu.memory_space<vmem>>
    %dma_start3A_13 = arith.constant 0 : i32
    %dma_start3A_14 = tpu.memref_slice %arg6[%dma_start3A, %dma_start3A_7, %dma_start3A_13] : memref<25x8x128xi32, #tpu.memory_space<vmem>> -> memref<1x1x128xi32, #tpu.memory_space<vmem>>
    %dma_start3A_15 = tpu.memref_squeeze %dma_start3A_14 : memref<1x1x128xi32, #tpu.memory_space<vmem>> -> memref<128xi32, #tpu.memory_space<vmem>>
    %dma_start3A_16 = arith.constant 0 : i32
    %dma_start3A_17 = arith.constant 0 : i32
    %dma_start3A_18 = tpu.memref_slice %arg3[%dma_start3A_16, %dma_start3A_17] : memref<1000000x32xf32, #tpu.memory_space<hbm>> -> memref<1000000x32xf32, #tpu.memory_space<hbm>>
    tpu.enqueue_indirect_dma source(%dma_start3A_18 : memref<1000000x32xf32, #tpu.memory_space<hbm>>) target(%dma_start3A_12 : memref<128x32xf32, #tpu.memory_space<vmem>>) offsets(%dma_start3A_15 : memref<128xi32, #tpu.memory_space<vmem>>) semaphore(%arg10 : memref<!tpu.dma_semaphore, #tpu.memory_space<semaphore_mem>>)
    %dma_start3A_19 = arith.constant 0 : i32
    %dma_start3A_20 = arith.constant 1 : i32
    %dma_start3A_21 = arith.constant 1 : i32
    %dma_start3A_22 = arith.constant 0 : i32
    %dma_start3A_23 = arith.constant 0 : i32
    %dma_start3A_24 = tpu.memref_slice %arg7[%dma_start3A_21, %dma_start3A_22, %dma_start3A_23] : memref<4x128x32xf32, #tpu.memory_space<vmem>> -> memref<1x128x32xf32, #tpu.memory_space<vmem>>
    %dma_start3A_25 = tpu.memref_squeeze %dma_start3A_24 : memref<1x128x32xf32, #tpu.memory_space<vmem>> -> memref<128x32xf32, #tpu.memory_space<vmem>>
    %dma_start3A_26 = arith.constant 0 : i32
    %dma_start3A_27 = tpu.memref_slice %arg6[%dma_start3A_19, %dma_start3A_20, %dma_start3A_26] : memref<25x8x128xi32, #tpu.memory_space<vmem>> -> memref<1x1x128xi32, #tpu.memory_space<vmem>>
    %dma_start3A_28 = tpu.memref_squeeze %dma_start3A_27 : memref<1x1x128xi32, #tpu.memory_space<vmem>> -> memref<128xi32, #tpu.memory_space<vmem>>
    %dma_start3A_29 = arith.constant 0 : i32
    %dma_start3A_30 = arith.constant 0 : i32
    %dma_start3A_31 = tpu.memref_slice %arg3[%dma_start3A_29, %dma_start3A_30] : memref<1000000x32xf32, #tpu.memory_space<hbm>> -> memref<1000000x32xf32, #tpu.memory_space<hbm>>
    tpu.enqueue_indirect_dma source(%dma_start3A_31 : memref<1000000x32xf32, #tpu.memory_space<hbm>>) target(%dma_start3A_25 : memref<128x32xf32, #tpu.memory_space<vmem>>) offsets(%dma_start3A_28 : memref<128xi32, #tpu.memory_space<vmem>>) semaphore(%arg11 : memref<!tpu.dma_semaphore, #tpu.memory_space<semaphore_mem>>)
    %dma_start3A_32 = arith.constant 0 : i32
    %dma_start3A_33 = arith.constant 2 : i32
    %dma_start3A_34 = arith.constant 2 : i32
    %dma_start3A_35 = arith.constant 0 : i32
    %dma_start3A_36 = arith.constant 0 : i32
    %dma_start3A_37 = tpu.memref_slice %arg7[%dma_start3A_34, %dma_start3A_35, %dma_start3A_36] : memref<4x128x32xf32, #tpu.memory_space<vmem>> -> memref<1x128x32xf32, #tpu.memory_space<vmem>>
    %dma_start3A_38 = tpu.memref_squeeze %dma_start3A_37 : memref<1x128x32xf32, #tpu.memory_space<vmem>> -> memref<128x32xf32, #tpu.memory_space<vmem>>
    %dma_start3A_39 = arith.constant 0 : i32
    %dma_start3A_40 = tpu.memref_slice %arg6[%dma_start3A_32, %dma_start3A_33, %dma_start3A_39] : memref<25x8x128xi32, #tpu.memory_space<vmem>> -> memref<1x1x128xi32, #tpu.memory_space<vmem>>
    %dma_start3A_41 = tpu.memref_squeeze %dma_start3A_40 : memref<1x1x128xi32, #tpu.memory_space<vmem>> -> memref<128xi32, #tpu.memory_space<vmem>>
    %dma_start3A_42 = arith.constant 0 : i32
    %dma_start3A_43 = arith.constant 0 : i32
    %dma_start3A_44 = tpu.memref_slice %arg3[%dma_start3A_42, %dma_start3A_43] : memref<1000000x32xf32, #tpu.memory_space<hbm>> -> memref<1000000x32xf32, #tpu.memory_space<hbm>>
    tpu.enqueue_indirect_dma source(%dma_start3A_44 : memref<1000000x32xf32, #tpu.memory_space<hbm>>) target(%dma_start3A_38 : memref<128x32xf32, #tpu.memory_space<vmem>>) offsets(%dma_start3A_41 : memref<128xi32, #tpu.memory_space<vmem>>) semaphore(%arg12 : memref<!tpu.dma_semaphore, #tpu.memory_space<semaphore_mem>>)
    %scan3A = arith.constant 0 : i32
    %scan3A_45 = arith.constant 50 : i32
    %scan3A_46 = arith.addi %scan3A, %scan3A_45 : i32
    %scan3A_47 = arith.constant 1 : i32
    scf.for %scan3A_208 = %scan3A to %scan3A_46 step %scan3A_47  : i32 {
      %mul3A_209 = arith.constant 1 : i32
      %mul3A_210 = arith.muli %scan3A_208, %mul3A_209 : i32
      %add3A_211 = arith.constant 0 : i32
      %add3A_212 = arith.addi %add3A_211, %mul3A_210 : i32
      %mul3A_213 = arith.constant 4 : i32
      %mul3A_214 = arith.muli %add3A_212, %mul3A_213 : i32
      %add3A_215 = arith.constant 0 : i32
      %add3A_216 = arith.addi %mul3A_214, %add3A_215 : i32
      %add3A_217 = arith.constant 3 : i32
      %add3A_218 = arith.addi %add3A_216, %add3A_217 : i32
      %lt3A = arith.constant 200 : i32
      %lt3A_219 = arith.cmpi slt, %add3A_218, %lt3A : i32
      %convert_element_type3A = arith.extui %lt3A_219 : i1 to i32
      %cond3A = arith.constant 0 : i32
      %cond3A_220 = arith.cmpi ne, %convert_element_type3A, %cond3A : i32
      scf.if %cond3A_220 {
        %add3A_647 = arith.constant 3 : i32
        %add3A_648 = arith.addi %add3A_216, %add3A_647 : i32
        %jit3A = arith.constant 8 : i32
        %div3A = arith.divsi %add3A_648, %jit3A : i32
        %sign3A = arith.constant 0 : i32
        %sign3A_649 = arith.cmpi sgt, %add3A_648, %sign3A : i32
        %sign3A_650 = arith.extui %sign3A_649 : i1 to i32
        %sign3A_651 = arith.constant 0 : i32
        %sign3A_652 = arith.cmpi slt, %add3A_648, %sign3A_651 : i32
        %sign3A_653 = arith.extui %sign3A_652 : i1 to i32
        %sign3A_654 = arith.subi %sign3A_650, %sign3A_653 : i32
        %sign3A_655 = arith.constant 0 : i32
        %sign3A_656 = arith.cmpi sgt, %jit3A, %sign3A_655 : i32
        %sign3A_657 = arith.extui %sign3A_656 : i1 to i32
        %sign3A_658 = arith.constant 0 : i32
        %sign3A_659 = arith.cmpi slt, %jit3A, %sign3A_658 : i32
        %sign3A_660 = arith.extui %sign3A_659 : i1 to i32
        %sign3A_661 = arith.subi %sign3A_657, %sign3A_660 : i32
        %ne3A = arith.cmpi ne, %sign3A_654, %sign3A_661 : i32
        %rem3A = arith.remsi %add3A_648, %jit3A : i32
        %ne3A_662 = arith.constant 0 : i32
        %ne3A_663 = arith.cmpi ne, %rem3A, %ne3A_662 : i32
        %and3A = arith.andi %ne3A, %ne3A_663 : i1
        %sub3A = arith.constant 1 : i32
        %sub3A_664 = arith.subi %div3A, %sub3A : i32
        %select_n3A = arith.select %and3A, %sub3A_664, %div3A : i32
        %jit3A_665 = arith.constant 8 : i32
        %eq3A = arith.constant 0 : i32
        %eq3A_666 = arith.cmpi eq, %jit3A_665, %eq3A : i32
        %jit3A_667 = arith.constant 1 : i32
        %select_n3A_668 = arith.select %eq3A_666, %jit3A_667, %jit3A_665 : i32
        %rem3A_669 = arith.remsi %add3A_648, %select_n3A_668 : i32
        %ne3A_670 = arith.constant 0 : i32
        %ne3A_671 = arith.cmpi ne, %rem3A_669, %ne3A_670 : i32
        %lt3A_672 = arith.constant 0 : i32
        %lt3A_673 = arith.cmpi slt, %rem3A_669, %lt3A_672 : i32
        %lt3A_674 = arith.constant 0 : i32
        %lt3A_675 = arith.cmpi slt, %select_n3A_668, %lt3A_674 : i32
        %ne3A_676 = arith.xori %lt3A_673, %lt3A_675 : i1
        %and3A_677 = arith.andi %ne3A_676, %ne3A_671 : i1
        %add3A_678 = arith.addi %rem3A_669, %select_n3A_668 : i32
        %select_n3A_679 = arith.select %and3A_677, %add3A_678, %rem3A_669 : i32
        %dma_start3A_680 = arith.constant 3 : i32
        %dma_start3A_681 = arith.constant 0 : i32
        %dma_start3A_682 = arith.constant 0 : i32
        %dma_start3A_683 = tpu.memref_slice %arg7[%dma_start3A_680, %dma_start3A_681, %dma_start3A_682] : memref<4x128x32xf32, #tpu.memory_space<vmem>> -> memref<1x128x32xf32, #tpu.memory_space<vmem>>
        %dma_start3A_684 = tpu.memref_squeeze %dma_start3A_683 : memref<1x128x32xf32, #tpu.memory_space<vmem>> -> memref<128x32xf32, #tpu.memory_space<vmem>>
        %dma_start3A_685 = arith.constant 0 : i32
        %dma_start3A_686 = tpu.memref_slice %arg6[%select_n3A, %select_n3A_679, %dma_start3A_685] : memref<25x8x128xi32, #tpu.memory_space<vmem>> -> memref<1x1x128xi32, #tpu.memory_space<vmem>>
        %dma_start3A_687 = tpu.memref_squeeze %dma_start3A_686 : memref<1x1x128xi32, #tpu.memory_space<vmem>> -> memref<128xi32, #tpu.memory_space<vmem>>
        %dma_start3A_688 = arith.constant 0 : i32
        %dma_start3A_689 = arith.constant 0 : i32
        %dma_start3A_690 = tpu.memref_slice %arg3[%dma_start3A_688, %dma_start3A_689] : memref<1000000x32xf32, #tpu.memory_space<hbm>> -> memref<1000000x32xf32, #tpu.memory_space<hbm>>
        tpu.enqueue_indirect_dma source(%dma_start3A_690 : memref<1000000x32xf32, #tpu.memory_space<hbm>>) target(%dma_start3A_684 : memref<128x32xf32, #tpu.memory_space<vmem>>) offsets(%dma_start3A_687 : memref<128xi32, #tpu.memory_space<vmem>>) semaphore(%arg13 : memref<!tpu.dma_semaphore, #tpu.memory_space<semaphore_mem>>)
      } else {
      }
      %dma_wait3A_221 = arith.constant 0 : i32
      %dma_wait3A_222 = arith.constant 0 : i32
      %dma_wait3A_223 = arith.constant 0 : i32
      %dma_wait3A_224 = arith.constant 0 : i32
      %dma_wait3A_225 = arith.constant 0 : i32
      %dma_wait3A_226 = tpu.memref_slice %arg7[%dma_wait3A_223, %dma_wait3A_224, %dma_wait3A_225] : memref<4x128x32xf32, #tpu.memory_space<vmem>> -> memref<1x128x32xf32, #tpu.memory_space<vmem>>
      %dma_wait3A_227 = tpu.memref_squeeze %dma_wait3A_226 : memref<1x128x32xf32, #tpu.memory_space<vmem>> -> memref<128x32xf32, #tpu.memory_space<vmem>>
      %dma_wait3A_228 = arith.constant 0 : i32
      %dma_wait3A_229 = tpu.memref_slice %arg6[%dma_wait3A_221, %dma_wait3A_222, %dma_wait3A_228] : memref<25x8x128xi32, #tpu.memory_space<vmem>> -> memref<1x1x128xi32, #tpu.memory_space<vmem>>
      %dma_wait3A_230 = tpu.memref_squeeze %dma_wait3A_229 : memref<1x1x128xi32, #tpu.memory_space<vmem>> -> memref<128xi32, #tpu.memory_space<vmem>>
      %dma_wait3A_231 = arith.constant 0 : i32
      %dma_wait3A_232 = arith.constant 0 : i32
      %dma_wait3A_233 = tpu.memref_slice %arg3[%dma_wait3A_231, %dma_wait3A_232] : memref<1000000x32xf32, #tpu.memory_space<hbm>> -> memref<1000000x32xf32, #tpu.memory_space<hbm>>
      tpu.wait_indirect_dma semaphore(%arg10 : memref<!tpu.dma_semaphore, #tpu.memory_space<semaphore_mem>>) src(%dma_wait3A_233 : memref<1000000x32xf32, #tpu.memory_space<hbm>>) dst(%dma_wait3A_227 : memref<128x32xf32, #tpu.memory_space<vmem>>)
      %ge3A = arith.constant 2 : i32
      %ge3A_234 = arith.cmpi sge, %add3A_216, %ge3A : i32
      %convert_element_type3A_235 = arith.extui %ge3A_234 : i1 to i32
      %cond3A_236 = arith.constant 0 : i32
      %cond3A_237 = arith.cmpi ne, %convert_element_type3A_235, %cond3A_236 : i32
      scf.if %cond3A_237 {
        %dma_wait3A_647 = arith.constant 0 : i32
        %dma_wait3A_648 = arith.constant 0 : i32
        %dma_wait3A_649 = arith.constant 0 : i32
        %dma_wait3A_650 = arith.constant 0 : i32
        %dma_wait3A_651 = arith.constant 0 : i32
        %dma_wait3A_652 = arith.constant 0 : i32
        %dma_wait3A_653 = tpu.memref_slice %arg8[%dma_wait3A_647, %dma_wait3A_651, %dma_wait3A_652] : memref<2x32x129xf32, #tpu.memory_space<vmem>> -> memref<1x8x128xf32, #tpu.memory_space<vmem>>
        %dma_wait3A_654 = tpu.memref_squeeze %dma_wait3A_653 : memref<1x8x128xf32, #tpu.memory_space<vmem>> -> memref<8x128xf32, #tpu.memory_space<vmem>>
        %dma_wait3A_655 = arith.constant 0 : i32
        %dma_wait3A_656 = arith.constant 0 : i32
        %dma_wait3A_657 = tpu.memref_slice %arg5[%dma_wait3A_648, %dma_wait3A_649, %dma_wait3A_650, %dma_wait3A_655, %dma_wait3A_656] : memref<200x4x32x8x128xf32, #tpu.memory_space<hbm>> -> memref<1x1x1x8x128xf32, #tpu.memory_space<hbm>>
        %dma_wait3A_658 = tpu.memref_squeeze %dma_wait3A_657 : memref<1x1x1x8x128xf32, #tpu.memory_space<hbm>> -> memref<8x128xf32, #tpu.memory_space<hbm>>
        %dma_wait3A_659 = arith.constant 0 : i32
        %dma_wait3A_660 = arith.constant 0 : i32
        %dma_wait3A_661 = tpu.memref_slice %arg5[%dma_wait3A_648, %dma_wait3A_649, %dma_wait3A_650, %dma_wait3A_659, %dma_wait3A_660] : memref<200x4x32x8x128xf32, #tpu.memory_space<hbm>> -> memref<1x1x1x8x128xf32, #tpu.memory_space<hbm>>
        %dma_wait3A_662 = tpu.memref_squeeze %dma_wait3A_661 : memref<1x1x1x8x128xf32, #tpu.memory_space<hbm>> -> memref<8x128xf32, #tpu.memory_space<hbm>>
        %dma_wait3A_663 = arith.constant 0 : i32
        %dma_wait3A_664 = arith.constant 0 : i32
        %dma_wait3A_665 = tpu.memref_slice %arg8[%dma_wait3A_647, %dma_wait3A_663, %dma_wait3A_664] : memref<2x32x129xf32, #tpu.memory_space<vmem>> -> memref<1x8x128xf32, #tpu.memory_space<vmem>>
        %dma_wait3A_666 = tpu.memref_squeeze %dma_wait3A_665 : memref<1x8x128xf32, #tpu.memory_space<vmem>> -> memref<8x128xf32, #tpu.memory_space<vmem>>
        tpu.wait_dma2 semaphore(%arg14 : memref<!tpu.dma_semaphore, #tpu.memory_space<semaphore_mem>>) src(%dma_wait3A_666 : memref<8x128xf32, #tpu.memory_space<vmem>>) dst(%dma_wait3A_662 : memref<8x128xf32, #tpu.memory_space<hbm>>)
        %dma_wait3A_667 = arith.constant 0 : i32
        %dma_wait3A_668 = arith.constant 0 : i32
        %dma_wait3A_669 = arith.constant 1 : i32
        %dma_wait3A_670 = arith.constant 0 : i32
        %dma_wait3A_671 = arith.constant 8 : i32
        %dma_wait3A_672 = arith.constant 0 : i32
        %dma_wait3A_673 = tpu.memref_slice %arg8[%dma_wait3A_667, %dma_wait3A_671, %dma_wait3A_672] : memref<2x32x129xf32, #tpu.memory_space<vmem>> -> memref<1x8x128xf32, #tpu.memory_space<vmem>>
        %dma_wait3A_674 = tpu.memref_squeeze %dma_wait3A_673 : memref<1x8x128xf32, #tpu.memory_space<vmem>> -> memref<8x128xf32, #tpu.memory_space<vmem>>
        %dma_wait3A_675 = arith.constant 0 : i32
        %dma_wait3A_676 = arith.constant 0 : i32
        %dma_wait3A_677 = tpu.memref_slice %arg5[%dma_wait3A_668, %dma_wait3A_669, %dma_wait3A_670, %dma_wait3A_675, %dma_wait3A_676] : memref<200x4x32x8x128xf32, #tpu.memory_space<hbm>> -> memref<1x1x1x8x128xf32, #tpu.memory_space<hbm>>
        %dma_wait3A_678 = tpu.memref_squeeze %dma_wait3A_677 : memref<1x1x1x8x128xf32, #tpu.memory_space<hbm>> -> memref<8x128xf32, #tpu.memory_space<hbm>>
        %dma_wait3A_679 = arith.constant 0 : i32
        %dma_wait3A_680 = arith.constant 0 : i32
        %dma_wait3A_681 = tpu.memref_slice %arg5[%dma_wait3A_668, %dma_wait3A_669, %dma_wait3A_670, %dma_wait3A_679, %dma_wait3A_680] : memref<200x4x32x8x128xf32, #tpu.memory_space<hbm>> -> memref<1x1x1x8x128xf32, #tpu.memory_space<hbm>>
        %dma_wait3A_682 = tpu.memref_squeeze %dma_wait3A_681 : memref<1x1x1x8x128xf32, #tpu.memory_space<hbm>> -> memref<8x128xf32, #tpu.memory_space<hbm>>
        %dma_wait3A_683 = arith.constant 8 : i32
        %dma_wait3A_684 = arith.constant 0 : i32
        %dma_wait3A_685 = tpu.memref_slice %arg8[%dma_wait3A_667, %dma_wait3A_683, %dma_wait3A_684] : memref<2x32x129xf32, #tpu.memory_space<vmem>> -> memref<1x8x128xf32, #tpu.memory_space<vmem>>
        %dma_wait3A_686 = tpu.memref_squeeze %dma_wait3A_685 : memref<1x8x128xf32, #tpu.memory_space<vmem>> -> memref<8x128xf32, #tpu.memory_space<vmem>>
        tpu.wait_dma2 semaphore(%arg14 : memref<!tpu.dma_semaphore, #tpu.memory_space<semaphore_mem>>) src(%dma_wait3A_686 : memref<8x128xf32, #tpu.memory_space<vmem>>) dst(%dma_wait3A_682 : memref<8x128xf32, #tpu.memory_space<hbm>>)
        %dma_wait3A_687 = arith.constant 0 : i32
        %dma_wait3A_688 = arith.constant 0 : i32
        %dma_wait3A_689 = arith.constant 2 : i32
        %dma_wait3A_690 = arith.constant 0 : i32
        %dma_wait3A_691 = arith.constant 16 : i32
        %dma_wait3A_692 = arith.constant 0 : i32
        %dma_wait3A_693 = tpu.memref_slice %arg8[%dma_wait3A_687, %dma_wait3A_691, %dma_wait3A_692] : memref<2x32x129xf32, #tpu.memory_space<vmem>> -> memref<1x8x128xf32, #tpu.memory_space<vmem>>
        %dma_wait3A_694 = tpu.memref_squeeze %dma_wait3A_693 : memref<1x8x128xf32, #tpu.memory_space<vmem>> -> memref<8x128xf32, #tpu.memory_space<vmem>>
        %dma_wait3A_695 = arith.constant 0 : i32
        %dma_wait3A_696 = arith.constant 0 : i32
        %dma_wait3A_697 = tpu.memref_slice %arg5[%dma_wait3A_688, %dma_wait3A_689, %dma_wait3A_690, %dma_wait3A_695, %dma_wait3A_696] : memref<200x4x32x8x128xf32, #tpu.memory_space<hbm>> -> memref<1x1x1x8x128xf32, #tpu.memory_space<hbm>>
        %dma_wait3A_698 = tpu.memref_squeeze %dma_wait3A_697 : memref<1x1x1x8x128xf32, #tpu.memory_space<hbm>> -> memref<8x128xf32, #tpu.memory_space<hbm>>
        %dma_wait3A_699 = arith.constant 0 : i32
        %dma_wait3A_700 = arith.constant 0 : i32
        %dma_wait3A_701 = tpu.memref_slice %arg5[%dma_wait3A_688, %dma_wait3A_689, %dma_wait3A_690, %dma_wait3A_699, %dma_wait3A_700] : memref<200x4x32x8x128xf32, #tpu.memory_space<hbm>> -> memref<1x1x1x8x128xf32, #tpu.memory_space<hbm>>
        %dma_wait3A_702 = tpu.memref_squeeze %dma_wait3A_701 : memref<1x1x1x8x128xf32, #tpu.memory_space<hbm>> -> memref<8x128xf32, #tpu.memory_space<hbm>>
        %dma_wait3A_703 = arith.constant 16 : i32
        %dma_wait3A_704 = arith.constant 0 : i32
        %dma_wait3A_705 = tpu.memref_slice %arg8[%dma_wait3A_687, %dma_wait3A_703, %dma_wait3A_704] : memref<2x32x129xf32, #tpu.memory_space<vmem>> -> memref<1x8x128xf32, #tpu.memory_space<vmem>>
        %dma_wait3A_706 = tpu.memref_squeeze %dma_wait3A_705 : memref<1x8x128xf32, #tpu.memory_space<vmem>> -> memref<8x128xf32, #tpu.memory_space<vmem>>
        tpu.wait_dma2 semaphore(%arg14 : memref<!tpu.dma_semaphore, #tpu.memory_space<semaphore_mem>>) src(%dma_wait3A_706 : memref<8x128xf32, #tpu.memory_space<vmem>>) dst(%dma_wait3A_702 : memref<8x128xf32, #tpu.memory_space<hbm>>)
        %dma_wait3A_707 = arith.constant 0 : i32
        %dma_wait3A_708 = arith.constant 0 : i32
        %dma_wait3A_709 = arith.constant 3 : i32
        %dma_wait3A_710 = arith.constant 0 : i32
        %dma_wait3A_711 = arith.constant 24 : i32
        %dma_wait3A_712 = arith.constant 0 : i32
        %dma_wait3A_713 = tpu.memref_slice %arg8[%dma_wait3A_707, %dma_wait3A_711, %dma_wait3A_712] : memref<2x32x129xf32, #tpu.memory_space<vmem>> -> memref<1x8x128xf32, #tpu.memory_space<vmem>>
        %dma_wait3A_714 = tpu.memref_squeeze %dma_wait3A_713 : memref<1x8x128xf32, #tpu.memory_space<vmem>> -> memref<8x128xf32, #tpu.memory_space<vmem>>
        %dma_wait3A_715 = arith.constant 0 : i32
        %dma_wait3A_716 = arith.constant 0 : i32
        %dma_wait3A_717 = tpu.memref_slice %arg5[%dma_wait3A_708, %dma_wait3A_709, %dma_wait3A_710, %dma_wait3A_715, %dma_wait3A_716] : memref<200x4x32x8x128xf32, #tpu.memory_space<hbm>> -> memref<1x1x1x8x128xf32, #tpu.memory_space<hbm>>
        %dma_wait3A_718 = tpu.memref_squeeze %dma_wait3A_717 : memref<1x1x1x8x128xf32, #tpu.memory_space<hbm>> -> memref<8x128xf32, #tpu.memory_space<hbm>>
        %dma_wait3A_719 = arith.constant 0 : i32
        %dma_wait3A_720 = arith.constant 0 : i32
        %dma_wait3A_721 = tpu.memref_slice %arg5[%dma_wait3A_708, %dma_wait3A_709, %dma_wait3A_710, %dma_wait3A_719, %dma_wait3A_720] : memref<200x4x32x8x128xf32, #tpu.memory_space<hbm>> -> memref<1x1x1x8x128xf32, #tpu.memory_space<hbm>>
        %dma_wait3A_722 = tpu.memref_squeeze %dma_wait3A_721 : memref<1x1x1x8x128xf32, #tpu.memory_space<hbm>> -> memref<8x128xf32, #tpu.memory_space<hbm>>
        %dma_wait3A_723 = arith.constant 24 : i32
        %dma_wait3A_724 = arith.constant 0 : i32
        %dma_wait3A_725 = tpu.memref_slice %arg8[%dma_wait3A_707, %dma_wait3A_723, %dma_wait3A_724] : memref<2x32x129xf32, #tpu.memory_space<vmem>> -> memref<1x8x128xf32, #tpu.memory_space<vmem>>
        %dma_wait3A_726 = tpu.memref_squeeze %dma_wait3A_725 : memref<1x8x128xf32, #tpu.memory_space<vmem>> -> memref<8x128xf32, #tpu.memory_space<vmem>>
        tpu.wait_dma2 semaphore(%arg14 : memref<!tpu.dma_semaphore, #tpu.memory_space<semaphore_mem>>) src(%dma_wait3A_726 : memref<8x128xf32, #tpu.memory_space<vmem>>) dst(%dma_wait3A_722 : memref<8x128xf32, #tpu.memory_space<hbm>>)
      } else {
      }
      %get3A = arith.index_cast %add3A_216 : i32 to index
      %get3A_238 = arith.constant 0 : index
      %get3A_239 = tpu.vector_load %arg9[%get3A, %get3A_238] {strides = array<i32>} : memref<200x32xf32, #tpu.memory_space<vmem>>, vector<16xf32>,
      %get3A_240 = arith.index_cast %add3A_216 : i32 to index
      %get3A_241 = arith.constant 16 : index
      %get3A_242 = tpu.vector_load %arg9[%get3A_240, %get3A_241] {strides = array<i32>} : memref<200x32xf32, #tpu.memory_space<vmem>>, vector<16xf32>,
      %parallel_loop3A = arith.constant 0 : i32
      %parallel_loop3A_243 = arith.constant 128 : i32
      %parallel_loop3A_244 = arith.constant 1 : i32
      scf.for %parallel_loop3A_647 = %parallel_loop3A to %parallel_loop3A_243 step %parallel_loop3A_244  : i32 {
        %parallel_loop3A_648 = arith.constant 0 : i32
        %parallel_loop3A_649 = arith.index_cast %parallel_loop3A_648 : i32 to index
        %parallel_loop3A_650 = arith.index_cast %parallel_loop3A_647 : i32 to index
        %parallel_loop3A_651 = arith.constant 0 : index
        %parallel_loop3A_652 = tpu.vector_load %arg7[%parallel_loop3A_649, %parallel_loop3A_650, %parallel_loop3A_651] {strides = array<i32>} : memref<4x128x32xf32, #tpu.memory_space<vmem>>, vector<16xf32>,
        %parallel_loop3A_653 = arith.addf %parallel_loop3A_652, %get3A_239 : vector<16xf32>
        %parallel_loop3A_654 = arith.constant 0 : i32
        %parallel_loop3A_655 = arith.index_cast %parallel_loop3A_654 : i32 to index
        %parallel_loop3A_656 = arith.index_cast %parallel_loop3A_647 : i32 to index
        %parallel_loop3A_657 = arith.constant 16 : index
        %parallel_loop3A_658 = tpu.vector_load %arg7[%parallel_loop3A_655, %parallel_loop3A_656, %parallel_loop3A_657] {strides = array<i32>} : memref<4x128x32xf32, #tpu.memory_space<vmem>>, vector<16xf32>,
        %parallel_loop3A_659 = arith.addf %parallel_loop3A_658, %get3A_242 : vector<16xf32>
        %parallel_loop3A_660 = vector.broadcast %parallel_loop3A_647 : i32 to vector<16xi32>
        %parallel_loop3A_661 = arith.addi %mul3A_6, %parallel_loop3A_660 : vector<16xi32>
        %parallel_loop3A_662 = arith.constant 0 : i32
        %parallel_loop3A_663 = arith.constant 0 : i32
        %parallel_loop3A_664 = arith.constant 0 : i32
        %parallel_loop3A_665 = tpu.memref_slice %arg8[%parallel_loop3A_662, %parallel_loop3A_663, %parallel_loop3A_664] : memref<2x32x129xf32, #tpu.memory_space<vmem>> -> memref<1x32x129xf32, #tpu.memory_space<vmem>>
        %parallel_loop3A_666 = tpu.memref_squeeze %parallel_loop3A_665 : memref<1x32x129xf32, #tpu.memory_space<vmem>> -> memref<32x129xf32, #tpu.memory_space<vmem>>
        tpu.vector_store_idx %parallel_loop3A_666[%iota3A, %parallel_loop3A_661], %parallel_loop3A_653 : memref<32x129xf32, #tpu.memory_space<vmem>>[vector<16xi32>, vector<16xi32>], vector<16xf32>,
        %parallel_loop3A_667 = arith.constant 0 : i32
        %parallel_loop3A_668 = arith.constant 0 : i32
        %parallel_loop3A_669 = arith.constant 0 : i32
        %parallel_loop3A_670 = tpu.memref_slice %arg8[%parallel_loop3A_667, %parallel_loop3A_668, %parallel_loop3A_669] : memref<2x32x129xf32, #tpu.memory_space<vmem>> -> memref<1x32x129xf32, #tpu.memory_space<vmem>>
        %parallel_loop3A_671 = tpu.memref_squeeze %parallel_loop3A_670 : memref<1x32x129xf32, #tpu.memory_space<vmem>> -> memref<32x129xf32, #tpu.memory_space<vmem>>
        tpu.vector_store_idx %parallel_loop3A_671[%add3A_3, %parallel_loop3A_661], %parallel_loop3A_659 : memref<32x129xf32, #tpu.memory_space<vmem>>[vector<16xi32>, vector<16xi32>], vector<16xf32>,
      } {sc.loop_unroll_factor = 8 : i64, sc.parallel_access}
      %dma_start3A_245 = arith.constant 0 : i32
      %dma_start3A_246 = arith.constant 0 : i32
      %dma_start3A_247 = arith.constant 0 : i32
      %dma_start3A_248 = arith.constant 0 : i32
      %dma_start3A_249 = tpu.memref_slice %arg8[%dma_start3A_245, %dma_start3A_247, %dma_start3A_248] : memref<2x32x129xf32, #tpu.memory_space<vmem>> -> memref<1x8x128xf32, #tpu.memory_space<vmem>>
      %dma_start3A_250 = tpu.memref_squeeze %dma_start3A_249 : memref<1x8x128xf32, #tpu.memory_space<vmem>> -> memref<8x128xf32, #tpu.memory_space<vmem>>
      %dma_start3A_251 = arith.constant 0 : i32
      %dma_start3A_252 = arith.constant 0 : i32
      %dma_start3A_253 = tpu.memref_slice %arg5[%add3A_216, %dma_start3A_246, %add3A, %dma_start3A_251, %dma_start3A_252] : memref<200x4x32x8x128xf32, #tpu.memory_space<hbm>> -> memref<1x1x1x8x128xf32, #tpu.memory_space<hbm>>
      %dma_start3A_254 = tpu.memref_squeeze %dma_start3A_253 : memref<1x1x1x8x128xf32, #tpu.memory_space<hbm>> -> memref<8x128xf32, #tpu.memory_space<hbm>>
      %dma_start3A_255 = arith.constant 0 : i32
      %dma_start3A_256 = arith.constant 0 : i32
      %dma_start3A_257 = tpu.memref_slice %arg5[%add3A_216, %dma_start3A_246, %add3A, %dma_start3A_255, %dma_start3A_256] : memref<200x4x32x8x128xf32, #tpu.memory_space<hbm>> -> memref<1x1x1x8x128xf32, #tpu.memory_space<hbm>>
      %dma_start3A_258 = tpu.memref_squeeze %dma_start3A_257 : memref<1x1x1x8x128xf32, #tpu.memory_space<hbm>> -> memref<8x128xf32, #tpu.memory_space<hbm>>
      %dma_start3A_259 = arith.constant 0 : i32
      %dma_start3A_260 = arith.constant 0 : i32
      %dma_start3A_261 = tpu.memref_slice %arg8[%dma_start3A_245, %dma_start3A_259, %dma_start3A_260] : memref<2x32x129xf32, #tpu.memory_space<vmem>> -> memref<1x8x128xf32, #tpu.memory_space<vmem>>
      %dma_start3A_262 = tpu.memref_squeeze %dma_start3A_261 : memref<1x8x128xf32, #tpu.memory_space<vmem>> -> memref<8x128xf32, #tpu.memory_space<vmem>>
      tpu.enqueue_dma source(%dma_start3A_262 : memref<8x128xf32, #tpu.memory_space<vmem>>) target(%dma_start3A_258 : memref<8x128xf32, #tpu.memory_space<hbm>>) target_semaphore(%arg14 : memref<!tpu.dma_semaphore, #tpu.memory_space<semaphore_mem>>)
      %dma_start3A_263 = arith.constant 0 : i32
      %dma_start3A_264 = arith.constant 1 : i32
      %dma_start3A_265 = arith.constant 8 : i32
      %dma_start3A_266 = arith.constant 0 : i32
      %dma_start3A_267 = tpu.memref_slice %arg8[%dma_start3A_263, %dma_start3A_265, %dma_start3A_266] : memref<2x32x129xf32, #tpu.memory_space<vmem>> -> memref<1x8x128xf32, #tpu.memory_space<vmem>>
      %dma_start3A_268 = tpu.memref_squeeze %dma_start3A_267 : memref<1x8x128xf32, #tpu.memory_space<vmem>> -> memref<8x128xf32, #tpu.memory_space<vmem>>
      %dma_start3A_269 = arith.constant 0 : i32
      %dma_start3A_270 = arith.constant 0 : i32
      %dma_start3A_271 = tpu.memref_slice %arg5[%add3A_216, %dma_start3A_264, %add3A, %dma_start3A_269, %dma_start3A_270] : memref<200x4x32x8x128xf32, #tpu.memory_space<hbm>> -> memref<1x1x1x8x128xf32, #tpu.memory_space<hbm>>
      %dma_start3A_272 = tpu.memref_squeeze %dma_start3A_271 : memref<1x1x1x8x128xf32, #tpu.memory_space<hbm>> -> memref<8x128xf32, #tpu.memory_space<hbm>>
      %dma_start3A_273 = arith.constant 0 : i32
      %dma_start3A_274 = arith.constant 0 : i32
      %dma_start3A_275 = tpu.memref_slice %arg5[%add3A_216, %dma_start3A_264, %add3A, %dma_start3A_273, %dma_start3A_274] : memref<200x4x32x8x128xf32, #tpu.memory_space<hbm>> -> memref<1x1x1x8x128xf32, #tpu.memory_space<hbm>>
      %dma_start3A_276 = tpu.memref_squeeze %dma_start3A_275 : memref<1x1x1x8x128xf32, #tpu.memory_space<hbm>> -> memref<8x128xf32, #tpu.memory_space<hbm>>
      %dma_start3A_277 = arith.constant 8 : i32
      %dma_start3A_278 = arith.constant 0 : i32
      %dma_start3A_279 = tpu.memref_slice %arg8[%dma_start3A_263, %dma_start3A_277, %dma_start3A_278] : memref<2x32x129xf32, #tpu.memory_space<vmem>> -> memref<1x8x128xf32, #tpu.memory_space<vmem>>
      %dma_start3A_280 = tpu.memref_squeeze %dma_start3A_279 : memref<1x8x128xf32, #tpu.memory_space<vmem>> -> memref<8x128xf32, #tpu.memory_space<vmem>>
      tpu.enqueue_dma source(%dma_start3A_280 : memref<8x128xf32, #tpu.memory_space<vmem>>) target(%dma_start3A_276 : memref<8x128xf32, #tpu.memory_space<hbm>>) target_semaphore(%arg14 : memref<!tpu.dma_semaphore, #tpu.memory_space<semaphore_mem>>)
      %dma_start3A_281 = arith.constant 0 : i32
      %dma_start3A_282 = arith.constant 2 : i32
      %dma_start3A_283 = arith.constant 16 : i32
      %dma_start3A_284 = arith.constant 0 : i32
      %dma_start3A_285 = tpu.memref_slice %arg8[%dma_start3A_281, %dma_start3A_283, %dma_start3A_284] : memref<2x32x129xf32, #tpu.memory_space<vmem>> -> memref<1x8x128xf32, #tpu.memory_space<vmem>>
      %dma_start3A_286 = tpu.memref_squeeze %dma_start3A_285 : memref<1x8x128xf32, #tpu.memory_space<vmem>> -> memref<8x128xf32, #tpu.memory_space<vmem>>
      %dma_start3A_287 = arith.constant 0 : i32
      %dma_start3A_288 = arith.constant 0 : i32
      %dma_start3A_289 = tpu.memref_slice %arg5[%add3A_216, %dma_start3A_282, %add3A, %dma_start3A_287, %dma_start3A_288] : memref<200x4x32x8x128xf32, #tpu.memory_space<hbm>> -> memref<1x1x1x8x128xf32, #tpu.memory_space<hbm>>
      %dma_start3A_290 = tpu.memref_squeeze %dma_start3A_289 : memref<1x1x1x8x128xf32, #tpu.memory_space<hbm>> -> memref<8x128xf32, #tpu.memory_space<hbm>>
      %dma_start3A_291 = arith.constant 0 : i32
      %dma_start3A_292 = arith.constant 0 : i32
      %dma_start3A_293 = tpu.memref_slice %arg5[%add3A_216, %dma_start3A_282, %add3A, %dma_start3A_291, %dma_start3A_292] : memref<200x4x32x8x128xf32, #tpu.memory_space<hbm>> -> memref<1x1x1x8x128xf32, #tpu.memory_space<hbm>>
      %dma_start3A_294 = tpu.memref_squeeze %dma_start3A_293 : memref<1x1x1x8x128xf32, #tpu.memory_space<hbm>> -> memref<8x128xf32, #tpu.memory_space<hbm>>
      %dma_start3A_295 = arith.constant 16 : i32
      %dma_start3A_296 = arith.constant 0 : i32
      %dma_start3A_297 = tpu.memref_slice %arg8[%dma_start3A_281, %dma_start3A_295, %dma_start3A_296] : memref<2x32x129xf32, #tpu.memory_space<vmem>> -> memref<1x8x128xf32, #tpu.memory_space<vmem>>
      %dma_start3A_298 = tpu.memref_squeeze %dma_start3A_297 : memref<1x8x128xf32, #tpu.memory_space<vmem>> -> memref<8x128xf32, #tpu.memory_space<vmem>>
      tpu.enqueue_dma source(%dma_start3A_298 : memref<8x128xf32, #tpu.memory_space<vmem>>) target(%dma_start3A_294 : memref<8x128xf32, #tpu.memory_space<hbm>>) target_semaphore(%arg14 : memref<!tpu.dma_semaphore, #tpu.memory_space<semaphore_mem>>)
      %dma_start3A_299 = arith.constant 0 : i32
      %dma_start3A_300 = arith.constant 3 : i32
      %dma_start3A_301 = arith.constant 24 : i32
      %dma_start3A_302 = arith.constant 0 : i32
      %dma_start3A_303 = tpu.memref_slice %arg8[%dma_start3A_299, %dma_start3A_301, %dma_start3A_302] : memref<2x32x129xf32, #tpu.memory_space<vmem>> -> memref<1x8x128xf32, #tpu.memory_space<vmem>>
      %dma_start3A_304 = tpu.memref_squeeze %dma_start3A_303 : memref<1x8x128xf32, #tpu.memory_space<vmem>> -> memref<8x128xf32, #tpu.memory_space<vmem>>
      %dma_start3A_305 = arith.constant 0 : i32
      %dma_start3A_306 = arith.constant 0 : i32
      %dma_start3A_307 = tpu.memref_slice %arg5[%add3A_216, %dma_start3A_300, %add3A, %dma_start3A_305, %dma_start3A_306] : memref<200x4x32x8x128xf32, #tpu.memory_space<hbm>> -> memref<1x1x1x8x128xf32, #tpu.memory_space<hbm>>
      %dma_start3A_308 = tpu.memref_squeeze %dma_start3A_307 : memref<1x1x1x8x128xf32, #tpu.memory_space<hbm>> -> memref<8x128xf32, #tpu.memory_space<hbm>>
      %dma_start3A_309 = arith.constant 0 : i32
      %dma_start3A_310 = arith.constant 0 : i32
      %dma_start3A_311 = tpu.memref_slice %arg5[%add3A_216, %dma_start3A_300, %add3A, %dma_start3A_309, %dma_start3A_310] : memref<200x4x32x8x128xf32, #tpu.memory_space<hbm>> -> memref<1x1x1x8x128xf32, #tpu.memory_space<hbm>>
      %dma_start3A_312 = tpu.memref_squeeze %dma_start3A_311 : memref<1x1x1x8x128xf32, #tpu.memory_space<hbm>> -> memref<8x128xf32, #tpu.memory_space<hbm>>
      %dma_start3A_313 = arith.constant 24 : i32
      %dma_start3A_314 = arith.constant 0 : i32
      %dma_start3A_315 = tpu.memref_slice %arg8[%dma_start3A_299, %dma_start3A_313, %dma_start3A_314] : memref<2x32x129xf32, #tpu.memory_space<vmem>> -> memref<1x8x128xf32, #tpu.memory_space<vmem>>
      %dma_start3A_316 = tpu.memref_squeeze %dma_start3A_315 : memref<1x8x128xf32, #tpu.memory_space<vmem>> -> memref<8x128xf32, #tpu.memory_space<vmem>>
      tpu.enqueue_dma source(%dma_start3A_316 : memref<8x128xf32, #tpu.memory_space<vmem>>) target(%dma_start3A_312 : memref<8x128xf32, #tpu.memory_space<hbm>>) target_semaphore(%arg14 : memref<!tpu.dma_semaphore, #tpu.memory_space<semaphore_mem>>)
      %mul3A_317 = arith.constant 4 : i32
      %mul3A_318 = arith.muli %add3A_212, %mul3A_317 : i32
      %add3A_319 = arith.constant 1 : i32
      %add3A_320 = arith.addi %mul3A_318, %add3A_319 : i32
      %add3A_321 = arith.constant 3 : i32
      %add3A_322 = arith.addi %add3A_320, %add3A_321 : i32
      %lt3A_323 = arith.constant 200 : i32
      %lt3A_324 = arith.cmpi slt, %add3A_322, %lt3A_323 : i32
      %convert_element_type3A_325 = arith.extui %lt3A_324 : i1 to i32
      %cond3A_326 = arith.constant 0 : i32
      %cond3A_327 = arith.cmpi ne, %convert_element_type3A_325, %cond3A_326 : i32
      scf.if %cond3A_327 {
        %add3A_647 = arith.constant 3 : i32
        %add3A_648 = arith.addi %add3A_320, %add3A_647 : i32
        %jit3A = arith.constant 8 : i32
        %div3A = arith.divsi %add3A_648, %jit3A : i32
        %sign3A = arith.constant 0 : i32
        %sign3A_649 = arith.cmpi sgt, %add3A_648, %sign3A : i32
        %sign3A_650 = arith.extui %sign3A_649 : i1 to i32
        %sign3A_651 = arith.constant 0 : i32
        %sign3A_652 = arith.cmpi slt, %add3A_648, %sign3A_651 : i32
        %sign3A_653 = arith.extui %sign3A_652 : i1 to i32
        %sign3A_654 = arith.subi %sign3A_650, %sign3A_653 : i32
        %sign3A_655 = arith.constant 0 : i32
        %sign3A_656 = arith.cmpi sgt, %jit3A, %sign3A_655 : i32
        %sign3A_657 = arith.extui %sign3A_656 : i1 to i32
        %sign3A_658 = arith.constant 0 : i32
        %sign3A_659 = arith.cmpi slt, %jit3A, %sign3A_658 : i32
        %sign3A_660 = arith.extui %sign3A_659 : i1 to i32
        %sign3A_661 = arith.subi %sign3A_657, %sign3A_660 : i32
        %ne3A = arith.cmpi ne, %sign3A_654, %sign3A_661 : i32
        %rem3A = arith.remsi %add3A_648, %jit3A : i32
        %ne3A_662 = arith.constant 0 : i32
        %ne3A_663 = arith.cmpi ne, %rem3A, %ne3A_662 : i32
        %and3A = arith.andi %ne3A, %ne3A_663 : i1
        %sub3A = arith.constant 1 : i32
        %sub3A_664 = arith.subi %div3A, %sub3A : i32
        %select_n3A = arith.select %and3A, %sub3A_664, %div3A : i32
        %jit3A_665 = arith.constant 8 : i32
        %eq3A = arith.constant 0 : i32
        %eq3A_666 = arith.cmpi eq, %jit3A_665, %eq3A : i32
        %jit3A_667 = arith.constant 1 : i32
        %select_n3A_668 = arith.select %eq3A_666, %jit3A_667, %jit3A_665 : i32
        %rem3A_669 = arith.remsi %add3A_648, %select_n3A_668 : i32
        %ne3A_670 = arith.constant 0 : i32
        %ne3A_671 = arith.cmpi ne, %rem3A_669, %ne3A_670 : i32
        %lt3A_672 = arith.constant 0 : i32
        %lt3A_673 = arith.cmpi slt, %rem3A_669, %lt3A_672 : i32
        %lt3A_674 = arith.constant 0 : i32
        %lt3A_675 = arith.cmpi slt, %select_n3A_668, %lt3A_674 : i32
        %ne3A_676 = arith.xori %lt3A_673, %lt3A_675 : i1
        %and3A_677 = arith.andi %ne3A_676, %ne3A_671 : i1
        %add3A_678 = arith.addi %rem3A_669, %select_n3A_668 : i32
        %select_n3A_679 = arith.select %and3A_677, %add3A_678, %rem3A_669 : i32
        %dma_start3A_680 = arith.constant 0 : i32
        %dma_start3A_681 = arith.constant 0 : i32
        %dma_start3A_682 = arith.constant 0 : i32
        %dma_start3A_683 = tpu.memref_slice %arg7[%dma_start3A_680, %dma_start3A_681, %dma_start3A_682] : memref<4x128x32xf32, #tpu.memory_space<vmem>> -> memref<1x128x32xf32, #tpu.memory_space<vmem>>
        %dma_start3A_684 = tpu.memref_squeeze %dma_start3A_683 : memref<1x128x32xf32, #tpu.memory_space<vmem>> -> memref<128x32xf32, #tpu.memory_space<vmem>>
        %dma_start3A_685 = arith.constant 0 : i32
        %dma_start3A_686 = tpu.memref_slice %arg6[%select_n3A, %select_n3A_679, %dma_start3A_685] : memref<25x8x128xi32, #tpu.memory_space<vmem>> -> memref<1x1x128xi32, #tpu.memory_space<vmem>>
        %dma_start3A_687 = tpu.memref_squeeze %dma_start3A_686 : memref<1x1x128xi32, #tpu.memory_space<vmem>> -> memref<128xi32, #tpu.memory_space<vmem>>
        %dma_start3A_688 = arith.constant 0 : i32
        %dma_start3A_689 = arith.constant 0 : i32
        %dma_start3A_690 = tpu.memref_slice %arg3[%dma_start3A_688, %dma_start3A_689] : memref<1000000x32xf32, #tpu.memory_space<hbm>> -> memref<1000000x32xf32, #tpu.memory_space<hbm>>
        tpu.enqueue_indirect_dma source(%dma_start3A_690 : memref<1000000x32xf32, #tpu.memory_space<hbm>>) target(%dma_start3A_684 : memref<128x32xf32, #tpu.memory_space<vmem>>) offsets(%dma_start3A_687 : memref<128xi32, #tpu.memory_space<vmem>>) semaphore(%arg10 : memref<!tpu.dma_semaphore, #tpu.memory_space<semaphore_mem>>)
      } else {
      }
      %dma_wait3A_328 = arith.constant 0 : i32
      %dma_wait3A_329 = arith.constant 0 : i32
      %dma_wait3A_330 = arith.constant 1 : i32
      %dma_wait3A_331 = arith.constant 0 : i32
      %dma_wait3A_332 = arith.constant 0 : i32
      %dma_wait3A_333 = tpu.memref_slice %arg7[%dma_wait3A_330, %dma_wait3A_331, %dma_wait3A_332] : memref<4x128x32xf32, #tpu.memory_space<vmem>> -> memref<1x128x32xf32, #tpu.memory_space<vmem>>
      %dma_wait3A_334 = tpu.memref_squeeze %dma_wait3A_333 : memref<1x128x32xf32, #tpu.memory_space<vmem>> -> memref<128x32xf32, #tpu.memory_space<vmem>>
      %dma_wait3A_335 = arith.constant 0 : i32
      %dma_wait3A_336 = tpu.memref_slice %arg6[%dma_wait3A_328, %dma_wait3A_329, %dma_wait3A_335] : memref<25x8x128xi32, #tpu.memory_space<vmem>> -> memref<1x1x128xi32, #tpu.memory_space<vmem>>
      %dma_wait3A_337 = tpu.memref_squeeze %dma_wait3A_336 : memref<1x1x128xi32, #tpu.memory_space<vmem>> -> memref<128xi32, #tpu.memory_space<vmem>>
      %dma_wait3A_338 = arith.constant 0 : i32
      %dma_wait3A_339 = arith.constant 0 : i32
      %dma_wait3A_340 = tpu.memref_slice %arg3[%dma_wait3A_338, %dma_wait3A_339] : memref<1000000x32xf32, #tpu.memory_space<hbm>> -> memref<1000000x32xf32, #tpu.memory_space<hbm>>
      tpu.wait_indirect_dma semaphore(%arg11 : memref<!tpu.dma_semaphore, #tpu.memory_space<semaphore_mem>>) src(%dma_wait3A_340 : memref<1000000x32xf32, #tpu.memory_space<hbm>>) dst(%dma_wait3A_334 : memref<128x32xf32, #tpu.memory_space<vmem>>)
      %ge3A_341 = arith.constant 2 : i32
      %ge3A_342 = arith.cmpi sge, %add3A_320, %ge3A_341 : i32
      %convert_element_type3A_343 = arith.extui %ge3A_342 : i1 to i32
      %cond3A_344 = arith.constant 0 : i32
      %cond3A_345 = arith.cmpi ne, %convert_element_type3A_343, %cond3A_344 : i32
      scf.if %cond3A_345 {
        %dma_wait3A_647 = arith.constant 1 : i32
        %dma_wait3A_648 = arith.constant 0 : i32
        %dma_wait3A_649 = arith.constant 0 : i32
        %dma_wait3A_650 = arith.constant 0 : i32
        %dma_wait3A_651 = arith.constant 0 : i32
        %dma_wait3A_652 = arith.constant 0 : i32
        %dma_wait3A_653 = tpu.memref_slice %arg8[%dma_wait3A_647, %dma_wait3A_651, %dma_wait3A_652] : memref<2x32x129xf32, #tpu.memory_space<vmem>> -> memref<1x8x128xf32, #tpu.memory_space<vmem>>
        %dma_wait3A_654 = tpu.memref_squeeze %dma_wait3A_653 : memref<1x8x128xf32, #tpu.memory_space<vmem>> -> memref<8x128xf32, #tpu.memory_space<vmem>>
        %dma_wait3A_655 = arith.constant 0 : i32
        %dma_wait3A_656 = arith.constant 0 : i32
        %dma_wait3A_657 = tpu.memref_slice %arg5[%dma_wait3A_648, %dma_wait3A_649, %dma_wait3A_650, %dma_wait3A_655, %dma_wait3A_656] : memref<200x4x32x8x128xf32, #tpu.memory_space<hbm>> -> memref<1x1x1x8x128xf32, #tpu.memory_space<hbm>>
        %dma_wait3A_658 = tpu.memref_squeeze %dma_wait3A_657 : memref<1x1x1x8x128xf32, #tpu.memory_space<hbm>> -> memref<8x128xf32, #tpu.memory_space<hbm>>
        %dma_wait3A_659 = arith.constant 0 : i32
        %dma_wait3A_660 = arith.constant 0 : i32
        %dma_wait3A_661 = tpu.memref_slice %arg5[%dma_wait3A_648, %dma_wait3A_649, %dma_wait3A_650, %dma_wait3A_659, %dma_wait3A_660] : memref<200x4x32x8x128xf32, #tpu.memory_space<hbm>> -> memref<1x1x1x8x128xf32, #tpu.memory_space<hbm>>
        %dma_wait3A_662 = tpu.memref_squeeze %dma_wait3A_661 : memref<1x1x1x8x128xf32, #tpu.memory_space<hbm>> -> memref<8x128xf32, #tpu.memory_space<hbm>>
        %dma_wait3A_663 = arith.constant 0 : i32
        %dma_wait3A_664 = arith.constant 0 : i32
        %dma_wait3A_665 = tpu.memref_slice %arg8[%dma_wait3A_647, %dma_wait3A_663, %dma_wait3A_664] : memref<2x32x129xf32, #tpu.memory_space<vmem>> -> memref<1x8x128xf32, #tpu.memory_space<vmem>>
        %dma_wait3A_666 = tpu.memref_squeeze %dma_wait3A_665 : memref<1x8x128xf32, #tpu.memory_space<vmem>> -> memref<8x128xf32, #tpu.memory_space<vmem>>
        tpu.wait_dma2 semaphore(%arg15 : memref<!tpu.dma_semaphore, #tpu.memory_space<semaphore_mem>>) src(%dma_wait3A_666 : memref<8x128xf32, #tpu.memory_space<vmem>>) dst(%dma_wait3A_662 : memref<8x128xf32, #tpu.memory_space<hbm>>)
        %dma_wait3A_667 = arith.constant 1 : i32
        %dma_wait3A_668 = arith.constant 0 : i32
        %dma_wait3A_669 = arith.constant 1 : i32
        %dma_wait3A_670 = arith.constant 0 : i32
        %dma_wait3A_671 = arith.constant 8 : i32
        %dma_wait3A_672 = arith.constant 0 : i32
        %dma_wait3A_673 = tpu.memref_slice %arg8[%dma_wait3A_667, %dma_wait3A_671, %dma_wait3A_672] : memref<2x32x129xf32, #tpu.memory_space<vmem>> -> memref<1x8x128xf32, #tpu.memory_space<vmem>>
        %dma_wait3A_674 = tpu.memref_squeeze %dma_wait3A_673 : memref<1x8x128xf32, #tpu.memory_space<vmem>> -> memref<8x128xf32, #tpu.memory_space<vmem>>
        %dma_wait3A_675 = arith.constant 0 : i32
        %dma_wait3A_676 = arith.constant 0 : i32
        %dma_wait3A_677 = tpu.memref_slice %arg5[%dma_wait3A_668, %dma_wait3A_669, %dma_wait3A_670, %dma_wait3A_675, %dma_wait3A_676] : memref<200x4x32x8x128xf32, #tpu.memory_space<hbm>> -> memref<1x1x1x8x128xf32, #tpu.memory_space<hbm>>
        %dma_wait3A_678 = tpu.memref_squeeze %dma_wait3A_677 : memref<1x1x1x8x128xf32, #tpu.memory_space<hbm>> -> memref<8x128xf32, #tpu.memory_space<hbm>>
        %dma_wait3A_679 = arith.constant 0 : i32
        %dma_wait3A_680 = arith.constant 0 : i32
        %dma_wait3A_681 = tpu.memref_slice %arg5[%dma_wait3A_668, %dma_wait3A_669, %dma_wait3A_670, %dma_wait3A_679, %dma_wait3A_680] : memref<200x4x32x8x128xf32, #tpu.memory_space<hbm>> -> memref<1x1x1x8x128xf32, #tpu.memory_space<hbm>>
        %dma_wait3A_682 = tpu.memref_squeeze %dma_wait3A_681 : memref<1x1x1x8x128xf32, #tpu.memory_space<hbm>> -> memref<8x128xf32, #tpu.memory_space<hbm>>
        %dma_wait3A_683 = arith.constant 8 : i32
        %dma_wait3A_684 = arith.constant 0 : i32
        %dma_wait3A_685 = tpu.memref_slice %arg8[%dma_wait3A_667, %dma_wait3A_683, %dma_wait3A_684] : memref<2x32x129xf32, #tpu.memory_space<vmem>> -> memref<1x8x128xf32, #tpu.memory_space<vmem>>
        %dma_wait3A_686 = tpu.memref_squeeze %dma_wait3A_685 : memref<1x8x128xf32, #tpu.memory_space<vmem>> -> memref<8x128xf32, #tpu.memory_space<vmem>>
        tpu.wait_dma2 semaphore(%arg15 : memref<!tpu.dma_semaphore, #tpu.memory_space<semaphore_mem>>) src(%dma_wait3A_686 : memref<8x128xf32, #tpu.memory_space<vmem>>) dst(%dma_wait3A_682 : memref<8x128xf32, #tpu.memory_space<hbm>>)
        %dma_wait3A_687 = arith.constant 1 : i32
        %dma_wait3A_688 = arith.constant 0 : i32
        %dma_wait3A_689 = arith.constant 2 : i32
        %dma_wait3A_690 = arith.constant 0 : i32
        %dma_wait3A_691 = arith.constant 16 : i32
        %dma_wait3A_692 = arith.constant 0 : i32
        %dma_wait3A_693 = tpu.memref_slice %arg8[%dma_wait3A_687, %dma_wait3A_691, %dma_wait3A_692] : memref<2x32x129xf32, #tpu.memory_space<vmem>> -> memref<1x8x128xf32, #tpu.memory_space<vmem>>
        %dma_wait3A_694 = tpu.memref_squeeze %dma_wait3A_693 : memref<1x8x128xf32, #tpu.memory_space<vmem>> -> memref<8x128xf32, #tpu.memory_space<vmem>>
        %dma_wait3A_695 = arith.constant 0 : i32
        %dma_wait3A_696 = arith.constant 0 : i32
        %dma_wait3A_697 = tpu.memref_slice %arg5[%dma_wait3A_688, %dma_wait3A_689, %dma_wait3A_690, %dma_wait3A_695, %dma_wait3A_696] : memref<200x4x32x8x128xf32, #tpu.memory_space<hbm>> -> memref<1x1x1x8x128xf32, #tpu.memory_space<hbm>>
        %dma_wait3A_698 = tpu.memref_squeeze %dma_wait3A_697 : memref<1x1x1x8x128xf32, #tpu.memory_space<hbm>> -> memref<8x128xf32, #tpu.memory_space<hbm>>
        %dma_wait3A_699 = arith.constant 0 : i32
        %dma_wait3A_700 = arith.constant 0 : i32
        %dma_wait3A_701 = tpu.memref_slice %arg5[%dma_wait3A_688, %dma_wait3A_689, %dma_wait3A_690, %dma_wait3A_699, %dma_wait3A_700] : memref<200x4x32x8x128xf32, #tpu.memory_space<hbm>> -> memref<1x1x1x8x128xf32, #tpu.memory_space<hbm>>
        %dma_wait3A_702 = tpu.memref_squeeze %dma_wait3A_701 : memref<1x1x1x8x128xf32, #tpu.memory_space<hbm>> -> memref<8x128xf32, #tpu.memory_space<hbm>>
        %dma_wait3A_703 = arith.constant 16 : i32
        %dma_wait3A_704 = arith.constant 0 : i32
        %dma_wait3A_705 = tpu.memref_slice %arg8[%dma_wait3A_687, %dma_wait3A_703, %dma_wait3A_704] : memref<2x32x129xf32, #tpu.memory_space<vmem>> -> memref<1x8x128xf32, #tpu.memory_space<vmem>>
        %dma_wait3A_706 = tpu.memref_squeeze %dma_wait3A_705 : memref<1x8x128xf32, #tpu.memory_space<vmem>> -> memref<8x128xf32, #tpu.memory_space<vmem>>
        tpu.wait_dma2 semaphore(%arg15 : memref<!tpu.dma_semaphore, #tpu.memory_space<semaphore_mem>>) src(%dma_wait3A_706 : memref<8x128xf32, #tpu.memory_space<vmem>>) dst(%dma_wait3A_702 : memref<8x128xf32, #tpu.memory_space<hbm>>)
        %dma_wait3A_707 = arith.constant 1 : i32
        %dma_wait3A_708 = arith.constant 0 : i32
        %dma_wait3A_709 = arith.constant 3 : i32
        %dma_wait3A_710 = arith.constant 0 : i32
        %dma_wait3A_711 = arith.constant 24 : i32
        %dma_wait3A_712 = arith.constant 0 : i32
        %dma_wait3A_713 = tpu.memref_slice %arg8[%dma_wait3A_707, %dma_wait3A_711, %dma_wait3A_712] : memref<2x32x129xf32, #tpu.memory_space<vmem>> -> memref<1x8x128xf32, #tpu.memory_space<vmem>>
        %dma_wait3A_714 = tpu.memref_squeeze %dma_wait3A_713 : memref<1x8x128xf32, #tpu.memory_space<vmem>> -> memref<8x128xf32, #tpu.memory_space<vmem>>
        %dma_wait3A_715 = arith.constant 0 : i32
        %dma_wait3A_716 = arith.constant 0 : i32
        %dma_wait3A_717 = tpu.memref_slice %arg5[%dma_wait3A_708, %dma_wait3A_709, %dma_wait3A_710, %dma_wait3A_715, %dma_wait3A_716] : memref<200x4x32x8x128xf32, #tpu.memory_space<hbm>> -> memref<1x1x1x8x128xf32, #tpu.memory_space<hbm>>
        %dma_wait3A_718 = tpu.memref_squeeze %dma_wait3A_717 : memref<1x1x1x8x128xf32, #tpu.memory_space<hbm>> -> memref<8x128xf32, #tpu.memory_space<hbm>>
        %dma_wait3A_719 = arith.constant 0 : i32
        %dma_wait3A_720 = arith.constant 0 : i32
        %dma_wait3A_721 = tpu.memref_slice %arg5[%dma_wait3A_708, %dma_wait3A_709, %dma_wait3A_710, %dma_wait3A_719, %dma_wait3A_720] : memref<200x4x32x8x128xf32, #tpu.memory_space<hbm>> -> memref<1x1x1x8x128xf32, #tpu.memory_space<hbm>>
        %dma_wait3A_722 = tpu.memref_squeeze %dma_wait3A_721 : memref<1x1x1x8x128xf32, #tpu.memory_space<hbm>> -> memref<8x128xf32, #tpu.memory_space<hbm>>
        %dma_wait3A_723 = arith.constant 24 : i32
        %dma_wait3A_724 = arith.constant 0 : i32
        %dma_wait3A_725 = tpu.memref_slice %arg8[%dma_wait3A_707, %dma_wait3A_723, %dma_wait3A_724] : memref<2x32x129xf32, #tpu.memory_space<vmem>> -> memref<1x8x128xf32, #tpu.memory_space<vmem>>
        %dma_wait3A_726 = tpu.memref_squeeze %dma_wait3A_725 : memref<1x8x128xf32, #tpu.memory_space<vmem>> -> memref<8x128xf32, #tpu.memory_space<vmem>>
        tpu.wait_dma2 semaphore(%arg15 : memref<!tpu.dma_semaphore, #tpu.memory_space<semaphore_mem>>) src(%dma_wait3A_726 : memref<8x128xf32, #tpu.memory_space<vmem>>) dst(%dma_wait3A_722 : memref<8x128xf32, #tpu.memory_space<hbm>>)
      } else {
      }
      %get3A_346 = arith.index_cast %add3A_320 : i32 to index
      %get3A_347 = arith.constant 0 : index
      %get3A_348 = tpu.vector_load %arg9[%get3A_346, %get3A_347] {strides = array<i32>} : memref<200x32xf32, #tpu.memory_space<vmem>>, vector<16xf32>,
      %get3A_349 = arith.index_cast %add3A_320 : i32 to index
      %get3A_350 = arith.constant 16 : index
      %get3A_351 = tpu.vector_load %arg9[%get3A_349, %get3A_350] {strides = array<i32>} : memref<200x32xf32, #tpu.memory_space<vmem>>, vector<16xf32>,
      %parallel_loop3A_352 = arith.constant 0 : i32
      %parallel_loop3A_353 = arith.constant 128 : i32
      %parallel_loop3A_354 = arith.constant 1 : i32
      scf.for %parallel_loop3A_647 = %parallel_loop3A_352 to %parallel_loop3A_353 step %parallel_loop3A_354  : i32 {
        %parallel_loop3A_648 = arith.constant 1 : i32
        %parallel_loop3A_649 = arith.index_cast %parallel_loop3A_648 : i32 to index
        %parallel_loop3A_650 = arith.index_cast %parallel_loop3A_647 : i32 to index
        %parallel_loop3A_651 = arith.constant 0 : index
        %parallel_loop3A_652 = tpu.vector_load %arg7[%parallel_loop3A_649, %parallel_loop3A_650, %parallel_loop3A_651] {strides = array<i32>} : memref<4x128x32xf32, #tpu.memory_space<vmem>>, vector<16xf32>,
        %parallel_loop3A_653 = arith.addf %parallel_loop3A_652, %get3A_348 : vector<16xf32>
        %parallel_loop3A_654 = arith.constant 1 : i32
        %parallel_loop3A_655 = arith.index_cast %parallel_loop3A_654 : i32 to index
        %parallel_loop3A_656 = arith.index_cast %parallel_loop3A_647 : i32 to index
        %parallel_loop3A_657 = arith.constant 16 : index
        %parallel_loop3A_658 = tpu.vector_load %arg7[%parallel_loop3A_655, %parallel_loop3A_656, %parallel_loop3A_657] {strides = array<i32>} : memref<4x128x32xf32, #tpu.memory_space<vmem>>, vector<16xf32>,
        %parallel_loop3A_659 = arith.addf %parallel_loop3A_658, %get3A_351 : vector<16xf32>
        %parallel_loop3A_660 = vector.broadcast %parallel_loop3A_647 : i32 to vector<16xi32>
        %parallel_loop3A_661 = arith.addi %mul3A_6, %parallel_loop3A_660 : vector<16xi32>
        %parallel_loop3A_662 = arith.constant 1 : i32
        %parallel_loop3A_663 = arith.constant 0 : i32
        %parallel_loop3A_664 = arith.constant 0 : i32
        %parallel_loop3A_665 = tpu.memref_slice %arg8[%parallel_loop3A_662, %parallel_loop3A_663, %parallel_loop3A_664] : memref<2x32x129xf32, #tpu.memory_space<vmem>> -> memref<1x32x129xf32, #tpu.memory_space<vmem>>
        %parallel_loop3A_666 = tpu.memref_squeeze %parallel_loop3A_665 : memref<1x32x129xf32, #tpu.memory_space<vmem>> -> memref<32x129xf32, #tpu.memory_space<vmem>>
        tpu.vector_store_idx %parallel_loop3A_666[%iota3A, %parallel_loop3A_661], %parallel_loop3A_653 : memref<32x129xf32, #tpu.memory_space<vmem>>[vector<16xi32>, vector<16xi32>], vector<16xf32>,
        %parallel_loop3A_667 = arith.constant 1 : i32
        %parallel_loop3A_668 = arith.constant 0 : i32
        %parallel_loop3A_669 = arith.constant 0 : i32
        %parallel_loop3A_670 = tpu.memref_slice %arg8[%parallel_loop3A_667, %parallel_loop3A_668, %parallel_loop3A_669] : memref<2x32x129xf32, #tpu.memory_space<vmem>> -> memref<1x32x129xf32, #tpu.memory_space<vmem>>
        %parallel_loop3A_671 = tpu.memref_squeeze %parallel_loop3A_670 : memref<1x32x129xf32, #tpu.memory_space<vmem>> -> memref<32x129xf32, #tpu.memory_space<vmem>>
        tpu.vector_store_idx %parallel_loop3A_671[%add3A_3, %parallel_loop3A_661], %parallel_loop3A_659 : memref<32x129xf32, #tpu.memory_space<vmem>>[vector<16xi32>, vector<16xi32>], vector<16xf32>,
      } {sc.loop_unroll_factor = 8 : i64, sc.parallel_access}
      %dma_start3A_355 = arith.constant 1 : i32
      %dma_start3A_356 = arith.constant 0 : i32
      %dma_start3A_357 = arith.constant 0 : i32
      %dma_start3A_358 = arith.constant 0 : i32
      %dma_start3A_359 = tpu.memref_slice %arg8[%dma_start3A_355, %dma_start3A_357, %dma_start3A_358] : memref<2x32x129xf32, #tpu.memory_space<vmem>> -> memref<1x8x128xf32, #tpu.memory_space<vmem>>
      %dma_start3A_360 = tpu.memref_squeeze %dma_start3A_359 : memref<1x8x128xf32, #tpu.memory_space<vmem>> -> memref<8x128xf32, #tpu.memory_space<vmem>>
      %dma_start3A_361 = arith.constant 0 : i32
      %dma_start3A_362 = arith.constant 0 : i32
      %dma_start3A_363 = tpu.memref_slice %arg5[%add3A_320, %dma_start3A_356, %add3A, %dma_start3A_361, %dma_start3A_362] : memref<200x4x32x8x128xf32, #tpu.memory_space<hbm>> -> memref<1x1x1x8x128xf32, #tpu.memory_space<hbm>>
      %dma_start3A_364 = tpu.memref_squeeze %dma_start3A_363 : memref<1x1x1x8x128xf32, #tpu.memory_space<hbm>> -> memref<8x128xf32, #tpu.memory_space<hbm>>
      %dma_start3A_365 = arith.constant 0 : i32
      %dma_start3A_366 = arith.constant 0 : i32
      %dma_start3A_367 = tpu.memref_slice %arg5[%add3A_320, %dma_start3A_356, %add3A, %dma_start3A_365, %dma_start3A_366] : memref<200x4x32x8x128xf32, #tpu.memory_space<hbm>> -> memref<1x1x1x8x128xf32, #tpu.memory_space<hbm>>
      %dma_start3A_368 = tpu.memref_squeeze %dma_start3A_367 : memref<1x1x1x8x128xf32, #tpu.memory_space<hbm>> -> memref<8x128xf32, #tpu.memory_space<hbm>>
      %dma_start3A_369 = arith.constant 0 : i32
      %dma_start3A_370 = arith.constant 0 : i32
      %dma_start3A_371 = tpu.memref_slice %arg8[%dma_start3A_355, %dma_start3A_369, %dma_start3A_370] : memref<2x32x129xf32, #tpu.memory_space<vmem>> -> memref<1x8x128xf32, #tpu.memory_space<vmem>>
      %dma_start3A_372 = tpu.memref_squeeze %dma_start3A_371 : memref<1x8x128xf32, #tpu.memory_space<vmem>> -> memref<8x128xf32, #tpu.memory_space<vmem>>
      tpu.enqueue_dma source(%dma_start3A_372 : memref<8x128xf32, #tpu.memory_space<vmem>>) target(%dma_start3A_368 : memref<8x128xf32, #tpu.memory_space<hbm>>) target_semaphore(%arg15 : memref<!tpu.dma_semaphore, #tpu.memory_space<semaphore_mem>>)
      %dma_start3A_373 = arith.constant 1 : i32
      %dma_start3A_374 = arith.constant 1 : i32
      %dma_start3A_375 = arith.constant 8 : i32
      %dma_start3A_376 = arith.constant 0 : i32
      %dma_start3A_377 = tpu.memref_slice %arg8[%dma_start3A_373, %dma_start3A_375, %dma_start3A_376] : memref<2x32x129xf32, #tpu.memory_space<vmem>> -> memref<1x8x128xf32, #tpu.memory_space<vmem>>
      %dma_start3A_378 = tpu.memref_squeeze %dma_start3A_377 : memref<1x8x128xf32, #tpu.memory_space<vmem>> -> memref<8x128xf32, #tpu.memory_space<vmem>>
      %dma_start3A_379 = arith.constant 0 : i32
      %dma_start3A_380 = arith.constant 0 : i32
      %dma_start3A_381 = tpu.memref_slice %arg5[%add3A_320, %dma_start3A_374, %add3A, %dma_start3A_379, %dma_start3A_380] : memref<200x4x32x8x128xf32, #tpu.memory_space<hbm>> -> memref<1x1x1x8x128xf32, #tpu.memory_space<hbm>>
      %dma_start3A_382 = tpu.memref_squeeze %dma_start3A_381 : memref<1x1x1x8x128xf32, #tpu.memory_space<hbm>> -> memref<8x128xf32, #tpu.memory_space<hbm>>
      %dma_start3A_383 = arith.constant 0 : i32
      %dma_start3A_384 = arith.constant 0 : i32
      %dma_start3A_385 = tpu.memref_slice %arg5[%add3A_320, %dma_start3A_374, %add3A, %dma_start3A_383, %dma_start3A_384] : memref<200x4x32x8x128xf32, #tpu.memory_space<hbm>> -> memref<1x1x1x8x128xf32, #tpu.memory_space<hbm>>
      %dma_start3A_386 = tpu.memref_squeeze %dma_start3A_385 : memref<1x1x1x8x128xf32, #tpu.memory_space<hbm>> -> memref<8x128xf32, #tpu.memory_space<hbm>>
      %dma_start3A_387 = arith.constant 8 : i32
      %dma_start3A_388 = arith.constant 0 : i32
      %dma_start3A_389 = tpu.memref_slice %arg8[%dma_start3A_373, %dma_start3A_387, %dma_start3A_388] : memref<2x32x129xf32, #tpu.memory_space<vmem>> -> memref<1x8x128xf32, #tpu.memory_space<vmem>>
      %dma_start3A_390 = tpu.memref_squeeze %dma_start3A_389 : memref<1x8x128xf32, #tpu.memory_space<vmem>> -> memref<8x128xf32, #tpu.memory_space<vmem>>
      tpu.enqueue_dma source(%dma_start3A_390 : memref<8x128xf32, #tpu.memory_space<vmem>>) target(%dma_start3A_386 : memref<8x128xf32, #tpu.memory_space<hbm>>) target_semaphore(%arg15 : memref<!tpu.dma_semaphore, #tpu.memory_space<semaphore_mem>>)
      %dma_start3A_391 = arith.constant 1 : i32
      %dma_start3A_392 = arith.constant 2 : i32
      %dma_start3A_393 = arith.constant 16 : i32
      %dma_start3A_394 = arith.constant 0 : i32
      %dma_start3A_395 = tpu.memref_slice %arg8[%dma_start3A_391, %dma_start3A_393, %dma_start3A_394] : memref<2x32x129xf32, #tpu.memory_space<vmem>> -> memref<1x8x128xf32, #tpu.memory_space<vmem>>
      %dma_start3A_396 = tpu.memref_squeeze %dma_start3A_395 : memref<1x8x128xf32, #tpu.memory_space<vmem>> -> memref<8x128xf32, #tpu.memory_space<vmem>>
      %dma_start3A_397 = arith.constant 0 : i32
      %dma_start3A_398 = arith.constant 0 : i32
      %dma_start3A_399 = tpu.memref_slice %arg5[%add3A_320, %dma_start3A_392, %add3A, %dma_start3A_397, %dma_start3A_398] : memref<200x4x32x8x128xf32, #tpu.memory_space<hbm>> -> memref<1x1x1x8x128xf32, #tpu.memory_space<hbm>>
      %dma_start3A_400 = tpu.memref_squeeze %dma_start3A_399 : memref<1x1x1x8x128xf32, #tpu.memory_space<hbm>> -> memref<8x128xf32, #tpu.memory_space<hbm>>
      %dma_start3A_401 = arith.constant 0 : i32
      %dma_start3A_402 = arith.constant 0 : i32
      %dma_start3A_403 = tpu.memref_slice %arg5[%add3A_320, %dma_start3A_392, %add3A, %dma_start3A_401, %dma_start3A_402] : memref<200x4x32x8x128xf32, #tpu.memory_space<hbm>> -> memref<1x1x1x8x128xf32, #tpu.memory_space<hbm>>
      %dma_start3A_404 = tpu.memref_squeeze %dma_start3A_403 : memref<1x1x1x8x128xf32, #tpu.memory_space<hbm>> -> memref<8x128xf32, #tpu.memory_space<hbm>>
      %dma_start3A_405 = arith.constant 16 : i32
      %dma_start3A_406 = arith.constant 0 : i32
      %dma_start3A_407 = tpu.memref_slice %arg8[%dma_start3A_391, %dma_start3A_405, %dma_start3A_406] : memref<2x32x129xf32, #tpu.memory_space<vmem>> -> memref<1x8x128xf32, #tpu.memory_space<vmem>>
      %dma_start3A_408 = tpu.memref_squeeze %dma_start3A_407 : memref<1x8x128xf32, #tpu.memory_space<vmem>> -> memref<8x128xf32, #tpu.memory_space<vmem>>
      tpu.enqueue_dma source(%dma_start3A_408 : memref<8x128xf32, #tpu.memory_space<vmem>>) target(%dma_start3A_404 : memref<8x128xf32, #tpu.memory_space<hbm>>) target_semaphore(%arg15 : memref<!tpu.dma_semaphore, #tpu.memory_space<semaphore_mem>>)
      %dma_start3A_409 = arith.constant 1 : i32
      %dma_start3A_410 = arith.constant 3 : i32
      %dma_start3A_411 = arith.constant 24 : i32
      %dma_start3A_412 = arith.constant 0 : i32
      %dma_start3A_413 = tpu.memref_slice %arg8[%dma_start3A_409, %dma_start3A_411, %dma_start3A_412] : memref<2x32x129xf32, #tpu.memory_space<vmem>> -> memref<1x8x128xf32, #tpu.memory_space<vmem>>
      %dma_start3A_414 = tpu.memref_squeeze %dma_start3A_413 : memref<1x8x128xf32, #tpu.memory_space<vmem>> -> memref<8x128xf32, #tpu.memory_space<vmem>>
      %dma_start3A_415 = arith.constant 0 : i32
      %dma_start3A_416 = arith.constant 0 : i32
      %dma_start3A_417 = tpu.memref_slice %arg5[%add3A_320, %dma_start3A_410, %add3A, %dma_start3A_415, %dma_start3A_416] : memref<200x4x32x8x128xf32, #tpu.memory_space<hbm>> -> memref<1x1x1x8x128xf32, #tpu.memory_space<hbm>>
      %dma_start3A_418 = tpu.memref_squeeze %dma_start3A_417 : memref<1x1x1x8x128xf32, #tpu.memory_space<hbm>> -> memref<8x128xf32, #tpu.memory_space<hbm>>
      %dma_start3A_419 = arith.constant 0 : i32
      %dma_start3A_420 = arith.constant 0 : i32
      %dma_start3A_421 = tpu.memref_slice %arg5[%add3A_320, %dma_start3A_410, %add3A, %dma_start3A_419, %dma_start3A_420] : memref<200x4x32x8x128xf32, #tpu.memory_space<hbm>> -> memref<1x1x1x8x128xf32, #tpu.memory_space<hbm>>
      %dma_start3A_422 = tpu.memref_squeeze %dma_start3A_421 : memref<1x1x1x8x128xf32, #tpu.memory_space<hbm>> -> memref<8x128xf32, #tpu.memory_space<hbm>>
      %dma_start3A_423 = arith.constant 24 : i32
      %dma_start3A_424 = arith.constant 0 : i32
      %dma_start3A_425 = tpu.memref_slice %arg8[%dma_start3A_409, %dma_start3A_423, %dma_start3A_424] : memref<2x32x129xf32, #tpu.memory_space<vmem>> -> memref<1x8x128xf32, #tpu.memory_space<vmem>>
      %dma_start3A_426 = tpu.memref_squeeze %dma_start3A_425 : memref<1x8x128xf32, #tpu.memory_space<vmem>> -> memref<8x128xf32, #tpu.memory_space<vmem>>
      tpu.enqueue_dma source(%dma_start3A_426 : memref<8x128xf32, #tpu.memory_space<vmem>>) target(%dma_start3A_422 : memref<8x128xf32, #tpu.memory_space<hbm>>) target_semaphore(%arg15 : memref<!tpu.dma_semaphore, #tpu.memory_space<semaphore_mem>>)
      %mul3A_427 = arith.constant 4 : i32
      %mul3A_428 = arith.muli %add3A_212, %mul3A_427 : i32
      %add3A_429 = arith.constant 2 : i32
      %add3A_430 = arith.addi %mul3A_428, %add3A_429 : i32
      %add3A_431 = arith.constant 3 : i32
      %add3A_432 = arith.addi %add3A_430, %add3A_431 : i32
      %lt3A_433 = arith.constant 200 : i32
      %lt3A_434 = arith.cmpi slt, %add3A_432, %lt3A_433 : i32
      %convert_element_type3A_435 = arith.extui %lt3A_434 : i1 to i32
      %cond3A_436 = arith.constant 0 : i32
      %cond3A_437 = arith.cmpi ne, %convert_element_type3A_435, %cond3A_436 : i32
      scf.if %cond3A_437 {
        %add3A_647 = arith.constant 3 : i32
        %add3A_648 = arith.addi %add3A_430, %add3A_647 : i32
        %jit3A = arith.constant 8 : i32
        %div3A = arith.divsi %add3A_648, %jit3A : i32
        %sign3A = arith.constant 0 : i32
        %sign3A_649 = arith.cmpi sgt, %add3A_648, %sign3A : i32
        %sign3A_650 = arith.extui %sign3A_649 : i1 to i32
        %sign3A_651 = arith.constant 0 : i32
        %sign3A_652 = arith.cmpi slt, %add3A_648, %sign3A_651 : i32
        %sign3A_653 = arith.extui %sign3A_652 : i1 to i32
        %sign3A_654 = arith.subi %sign3A_650, %sign3A_653 : i32
        %sign3A_655 = arith.constant 0 : i32
        %sign3A_656 = arith.cmpi sgt, %jit3A, %sign3A_655 : i32
        %sign3A_657 = arith.extui %sign3A_656 : i1 to i32
        %sign3A_658 = arith.constant 0 : i32
        %sign3A_659 = arith.cmpi slt, %jit3A, %sign3A_658 : i32
        %sign3A_660 = arith.extui %sign3A_659 : i1 to i32
        %sign3A_661 = arith.subi %sign3A_657, %sign3A_660 : i32
        %ne3A = arith.cmpi ne, %sign3A_654, %sign3A_661 : i32
        %rem3A = arith.remsi %add3A_648, %jit3A : i32
        %ne3A_662 = arith.constant 0 : i32
        %ne3A_663 = arith.cmpi ne, %rem3A, %ne3A_662 : i32
        %and3A = arith.andi %ne3A, %ne3A_663 : i1
        %sub3A = arith.constant 1 : i32
        %sub3A_664 = arith.subi %div3A, %sub3A : i32
        %select_n3A = arith.select %and3A, %sub3A_664, %div3A : i32
        %jit3A_665 = arith.constant 8 : i32
        %eq3A = arith.constant 0 : i32
        %eq3A_666 = arith.cmpi eq, %jit3A_665, %eq3A : i32
        %jit3A_667 = arith.constant 1 : i32
        %select_n3A_668 = arith.select %eq3A_666, %jit3A_667, %jit3A_665 : i32
        %rem3A_669 = arith.remsi %add3A_648, %select_n3A_668 : i32
        %ne3A_670 = arith.constant 0 : i32
        %ne3A_671 = arith.cmpi ne, %rem3A_669, %ne3A_670 : i32
        %lt3A_672 = arith.constant 0 : i32
        %lt3A_673 = arith.cmpi slt, %rem3A_669, %lt3A_672 : i32
        %lt3A_674 = arith.constant 0 : i32
        %lt3A_675 = arith.cmpi slt, %select_n3A_668, %lt3A_674 : i32
        %ne3A_676 = arith.xori %lt3A_673, %lt3A_675 : i1
        %and3A_677 = arith.andi %ne3A_676, %ne3A_671 : i1
        %add3A_678 = arith.addi %rem3A_669, %select_n3A_668 : i32
        %select_n3A_679 = arith.select %and3A_677, %add3A_678, %rem3A_669 : i32
        %dma_start3A_680 = arith.constant 1 : i32
        %dma_start3A_681 = arith.constant 0 : i32
        %dma_start3A_682 = arith.constant 0 : i32
        %dma_start3A_683 = tpu.memref_slice %arg7[%dma_start3A_680, %dma_start3A_681, %dma_start3A_682] : memref<4x128x32xf32, #tpu.memory_space<vmem>> -> memref<1x128x32xf32, #tpu.memory_space<vmem>>
        %dma_start3A_684 = tpu.memref_squeeze %dma_start3A_683 : memref<1x128x32xf32, #tpu.memory_space<vmem>> -> memref<128x32xf32, #tpu.memory_space<vmem>>
        %dma_start3A_685 = arith.constant 0 : i32
        %dma_start3A_686 = tpu.memref_slice %arg6[%select_n3A, %select_n3A_679, %dma_start3A_685] : memref<25x8x128xi32, #tpu.memory_space<vmem>> -> memref<1x1x128xi32, #tpu.memory_space<vmem>>
        %dma_start3A_687 = tpu.memref_squeeze %dma_start3A_686 : memref<1x1x128xi32, #tpu.memory_space<vmem>> -> memref<128xi32, #tpu.memory_space<vmem>>
        %dma_start3A_688 = arith.constant 0 : i32
        %dma_start3A_689 = arith.constant 0 : i32
        %dma_start3A_690 = tpu.memref_slice %arg3[%dma_start3A_688, %dma_start3A_689] : memref<1000000x32xf32, #tpu.memory_space<hbm>> -> memref<1000000x32xf32, #tpu.memory_space<hbm>>
        tpu.enqueue_indirect_dma source(%dma_start3A_690 : memref<1000000x32xf32, #tpu.memory_space<hbm>>) target(%dma_start3A_684 : memref<128x32xf32, #tpu.memory_space<vmem>>) offsets(%dma_start3A_687 : memref<128xi32, #tpu.memory_space<vmem>>) semaphore(%arg11 : memref<!tpu.dma_semaphore, #tpu.memory_space<semaphore_mem>>)
      } else {
      }
      %dma_wait3A_438 = arith.constant 0 : i32
      %dma_wait3A_439 = arith.constant 0 : i32
      %dma_wait3A_440 = arith.constant 2 : i32
      %dma_wait3A_441 = arith.constant 0 : i32
      %dma_wait3A_442 = arith.constant 0 : i32
      %dma_wait3A_443 = tpu.memref_slice %arg7[%dma_wait3A_440, %dma_wait3A_441, %dma_wait3A_442] : memref<4x128x32xf32, #tpu.memory_space<vmem>> -> memref<1x128x32xf32, #tpu.memory_space<vmem>>
      %dma_wait3A_444 = tpu.memref_squeeze %dma_wait3A_443 : memref<1x128x32xf32, #tpu.memory_space<vmem>> -> memref<128x32xf32, #tpu.memory_space<vmem>>
      %dma_wait3A_445 = arith.constant 0 : i32
      %dma_wait3A_446 = tpu.memref_slice %arg6[%dma_wait3A_438, %dma_wait3A_439, %dma_wait3A_445] : memref<25x8x128xi32, #tpu.memory_space<vmem>> -> memref<1x1x128xi32, #tpu.memory_space<vmem>>
      %dma_wait3A_447 = tpu.memref_squeeze %dma_wait3A_446 : memref<1x1x128xi32, #tpu.memory_space<vmem>> -> memref<128xi32, #tpu.memory_space<vmem>>
      %dma_wait3A_448 = arith.constant 0 : i32
      %dma_wait3A_449 = arith.constant 0 : i32
      %dma_wait3A_450 = tpu.memref_slice %arg3[%dma_wait3A_448, %dma_wait3A_449] : memref<1000000x32xf32, #tpu.memory_space<hbm>> -> memref<1000000x32xf32, #tpu.memory_space<hbm>>
      tpu.wait_indirect_dma semaphore(%arg12 : memref<!tpu.dma_semaphore, #tpu.memory_space<semaphore_mem>>) src(%dma_wait3A_450 : memref<1000000x32xf32, #tpu.memory_space<hbm>>) dst(%dma_wait3A_444 : memref<128x32xf32, #tpu.memory_space<vmem>>)
      %ge3A_451 = arith.constant 2 : i32
      %ge3A_452 = arith.cmpi sge, %add3A_430, %ge3A_451 : i32
      %convert_element_type3A_453 = arith.extui %ge3A_452 : i1 to i32
      %cond3A_454 = arith.constant 0 : i32
      %cond3A_455 = arith.cmpi ne, %convert_element_type3A_453, %cond3A_454 : i32
      scf.if %cond3A_455 {
        %dma_wait3A_647 = arith.constant 0 : i32
        %dma_wait3A_648 = arith.constant 0 : i32
        %dma_wait3A_649 = arith.constant 0 : i32
        %dma_wait3A_650 = arith.constant 0 : i32
        %dma_wait3A_651 = arith.constant 0 : i32
        %dma_wait3A_652 = arith.constant 0 : i32
        %dma_wait3A_653 = tpu.memref_slice %arg8[%dma_wait3A_647, %dma_wait3A_651, %dma_wait3A_652] : memref<2x32x129xf32, #tpu.memory_space<vmem>> -> memref<1x8x128xf32, #tpu.memory_space<vmem>>
        %dma_wait3A_654 = tpu.memref_squeeze %dma_wait3A_653 : memref<1x8x128xf32, #tpu.memory_space<vmem>> -> memref<8x128xf32, #tpu.memory_space<vmem>>
        %dma_wait3A_655 = arith.constant 0 : i32
        %dma_wait3A_656 = arith.constant 0 : i32
        %dma_wait3A_657 = tpu.memref_slice %arg5[%dma_wait3A_648, %dma_wait3A_649, %dma_wait3A_650, %dma_wait3A_655, %dma_wait3A_656] : memref<200x4x32x8x128xf32, #tpu.memory_space<hbm>> -> memref<1x1x1x8x128xf32, #tpu.memory_space<hbm>>
        %dma_wait3A_658 = tpu.memref_squeeze %dma_wait3A_657 : memref<1x1x1x8x128xf32, #tpu.memory_space<hbm>> -> memref<8x128xf32, #tpu.memory_space<hbm>>
        %dma_wait3A_659 = arith.constant 0 : i32
        %dma_wait3A_660 = arith.constant 0 : i32
        %dma_wait3A_661 = tpu.memref_slice %arg5[%dma_wait3A_648, %dma_wait3A_649, %dma_wait3A_650, %dma_wait3A_659, %dma_wait3A_660] : memref<200x4x32x8x128xf32, #tpu.memory_space<hbm>> -> memref<1x1x1x8x128xf32, #tpu.memory_space<hbm>>
        %dma_wait3A_662 = tpu.memref_squeeze %dma_wait3A_661 : memref<1x1x1x8x128xf32, #tpu.memory_space<hbm>> -> memref<8x128xf32, #tpu.memory_space<hbm>>
        %dma_wait3A_663 = arith.constant 0 : i32
        %dma_wait3A_664 = arith.constant 0 : i32
        %dma_wait3A_665 = tpu.memref_slice %arg8[%dma_wait3A_647, %dma_wait3A_663, %dma_wait3A_664] : memref<2x32x129xf32, #tpu.memory_space<vmem>> -> memref<1x8x128xf32, #tpu.memory_space<vmem>>
        %dma_wait3A_666 = tpu.memref_squeeze %dma_wait3A_665 : memref<1x8x128xf32, #tpu.memory_space<vmem>> -> memref<8x128xf32, #tpu.memory_space<vmem>>
        tpu.wait_dma2 semaphore(%arg14 : memref<!tpu.dma_semaphore, #tpu.memory_space<semaphore_mem>>) src(%dma_wait3A_666 : memref<8x128xf32, #tpu.memory_space<vmem>>) dst(%dma_wait3A_662 : memref<8x128xf32, #tpu.memory_space<hbm>>)
        %dma_wait3A_667 = arith.constant 0 : i32
        %dma_wait3A_668 = arith.constant 0 : i32
        %dma_wait3A_669 = arith.constant 1 : i32
        %dma_wait3A_670 = arith.constant 0 : i32
        %dma_wait3A_671 = arith.constant 8 : i32
        %dma_wait3A_672 = arith.constant 0 : i32
        %dma_wait3A_673 = tpu.memref_slice %arg8[%dma_wait3A_667, %dma_wait3A_671, %dma_wait3A_672] : memref<2x32x129xf32, #tpu.memory_space<vmem>> -> memref<1x8x128xf32, #tpu.memory_space<vmem>>
        %dma_wait3A_674 = tpu.memref_squeeze %dma_wait3A_673 : memref<1x8x128xf32, #tpu.memory_space<vmem>> -> memref<8x128xf32, #tpu.memory_space<vmem>>
        %dma_wait3A_675 = arith.constant 0 : i32
        %dma_wait3A_676 = arith.constant 0 : i32
        %dma_wait3A_677 = tpu.memref_slice %arg5[%dma_wait3A_668, %dma_wait3A_669, %dma_wait3A_670, %dma_wait3A_675, %dma_wait3A_676] : memref<200x4x32x8x128xf32, #tpu.memory_space<hbm>> -> memref<1x1x1x8x128xf32, #tpu.memory_space<hbm>>
        %dma_wait3A_678 = tpu.memref_squeeze %dma_wait3A_677 : memref<1x1x1x8x128xf32, #tpu.memory_space<hbm>> -> memref<8x128xf32, #tpu.memory_space<hbm>>
        %dma_wait3A_679 = arith.constant 0 : i32
        %dma_wait3A_680 = arith.constant 0 : i32
        %dma_wait3A_681 = tpu.memref_slice %arg5[%dma_wait3A_668, %dma_wait3A_669, %dma_wait3A_670, %dma_wait3A_679, %dma_wait3A_680] : memref<200x4x32x8x128xf32, #tpu.memory_space<hbm>> -> memref<1x1x1x8x128xf32, #tpu.memory_space<hbm>>
        %dma_wait3A_682 = tpu.memref_squeeze %dma_wait3A_681 : memref<1x1x1x8x128xf32, #tpu.memory_space<hbm>> -> memref<8x128xf32, #tpu.memory_space<hbm>>
        %dma_wait3A_683 = arith.constant 8 : i32
        %dma_wait3A_684 = arith.constant 0 : i32
        %dma_wait3A_685 = tpu.memref_slice %arg8[%dma_wait3A_667, %dma_wait3A_683, %dma_wait3A_684] : memref<2x32x129xf32, #tpu.memory_space<vmem>> -> memref<1x8x128xf32, #tpu.memory_space<vmem>>
        %dma_wait3A_686 = tpu.memref_squeeze %dma_wait3A_685 : memref<1x8x128xf32, #tpu.memory_space<vmem>> -> memref<8x128xf32, #tpu.memory_space<vmem>>
        tpu.wait_dma2 semaphore(%arg14 : memref<!tpu.dma_semaphore, #tpu.memory_space<semaphore_mem>>) src(%dma_wait3A_686 : memref<8x128xf32, #tpu.memory_space<vmem>>) dst(%dma_wait3A_682 : memref<8x128xf32, #tpu.memory_space<hbm>>)
        %dma_wait3A_687 = arith.constant 0 : i32
        %dma_wait3A_688 = arith.constant 0 : i32
        %dma_wait3A_689 = arith.constant 2 : i32
        %dma_wait3A_690 = arith.constant 0 : i32
        %dma_wait3A_691 = arith.constant 16 : i32
        %dma_wait3A_692 = arith.constant 0 : i32
        %dma_wait3A_693 = tpu.memref_slice %arg8[%dma_wait3A_687, %dma_wait3A_691, %dma_wait3A_692] : memref<2x32x129xf32, #tpu.memory_space<vmem>> -> memref<1x8x128xf32, #tpu.memory_space<vmem>>
        %dma_wait3A_694 = tpu.memref_squeeze %dma_wait3A_693 : memref<1x8x128xf32, #tpu.memory_space<vmem>> -> memref<8x128xf32, #tpu.memory_space<vmem>>
        %dma_wait3A_695 = arith.constant 0 : i32
        %dma_wait3A_696 = arith.constant 0 : i32
        %dma_wait3A_697 = tpu.memref_slice %arg5[%dma_wait3A_688, %dma_wait3A_689, %dma_wait3A_690, %dma_wait3A_695, %dma_wait3A_696] : memref<200x4x32x8x128xf32, #tpu.memory_space<hbm>> -> memref<1x1x1x8x128xf32, #tpu.memory_space<hbm>>
        %dma_wait3A_698 = tpu.memref_squeeze %dma_wait3A_697 : memref<1x1x1x8x128xf32, #tpu.memory_space<hbm>> -> memref<8x128xf32, #tpu.memory_space<hbm>>
        %dma_wait3A_699 = arith.constant 0 : i32
        %dma_wait3A_700 = arith.constant 0 : i32
        %dma_wait3A_701 = tpu.memref_slice %arg5[%dma_wait3A_688, %dma_wait3A_689, %dma_wait3A_690, %dma_wait3A_699, %dma_wait3A_700] : memref<200x4x32x8x128xf32, #tpu.memory_space<hbm>> -> memref<1x1x1x8x128xf32, #tpu.memory_space<hbm>>
        %dma_wait3A_702 = tpu.memref_squeeze %dma_wait3A_701 : memref<1x1x1x8x128xf32, #tpu.memory_space<hbm>> -> memref<8x128xf32, #tpu.memory_space<hbm>>
        %dma_wait3A_703 = arith.constant 16 : i32
        %dma_wait3A_704 = arith.constant 0 : i32
        %dma_wait3A_705 = tpu.memref_slice %arg8[%dma_wait3A_687, %dma_wait3A_703, %dma_wait3A_704] : memref<2x32x129xf32, #tpu.memory_space<vmem>> -> memref<1x8x128xf32, #tpu.memory_space<vmem>>
        %dma_wait3A_706 = tpu.memref_squeeze %dma_wait3A_705 : memref<1x8x128xf32, #tpu.memory_space<vmem>> -> memref<8x128xf32, #tpu.memory_space<vmem>>
        tpu.wait_dma2 semaphore(%arg14 : memref<!tpu.dma_semaphore, #tpu.memory_space<semaphore_mem>>) src(%dma_wait3A_706 : memref<8x128xf32, #tpu.memory_space<vmem>>) dst(%dma_wait3A_702 : memref<8x128xf32, #tpu.memory_space<hbm>>)
        %dma_wait3A_707 = arith.constant 0 : i32
        %dma_wait3A_708 = arith.constant 0 : i32
        %dma_wait3A_709 = arith.constant 3 : i32
        %dma_wait3A_710 = arith.constant 0 : i32
        %dma_wait3A_711 = arith.constant 24 : i32
        %dma_wait3A_712 = arith.constant 0 : i32
        %dma_wait3A_713 = tpu.memref_slice %arg8[%dma_wait3A_707, %dma_wait3A_711, %dma_wait3A_712] : memref<2x32x129xf32, #tpu.memory_space<vmem>> -> memref<1x8x128xf32, #tpu.memory_space<vmem>>
        %dma_wait3A_714 = tpu.memref_squeeze %dma_wait3A_713 : memref<1x8x128xf32, #tpu.memory_space<vmem>> -> memref<8x128xf32, #tpu.memory_space<vmem>>
        %dma_wait3A_715 = arith.constant 0 : i32
        %dma_wait3A_716 = arith.constant 0 : i32
        %dma_wait3A_717 = tpu.memref_slice %arg5[%dma_wait3A_708, %dma_wait3A_709, %dma_wait3A_710, %dma_wait3A_715, %dma_wait3A_716] : memref<200x4x32x8x128xf32, #tpu.memory_space<hbm>> -> memref<1x1x1x8x128xf32, #tpu.memory_space<hbm>>
        %dma_wait3A_718 = tpu.memref_squeeze %dma_wait3A_717 : memref<1x1x1x8x128xf32, #tpu.memory_space<hbm>> -> memref<8x128xf32, #tpu.memory_space<hbm>>
        %dma_wait3A_719 = arith.constant 0 : i32
        %dma_wait3A_720 = arith.constant 0 : i32
        %dma_wait3A_721 = tpu.memref_slice %arg5[%dma_wait3A_708, %dma_wait3A_709, %dma_wait3A_710, %dma_wait3A_719, %dma_wait3A_720] : memref<200x4x32x8x128xf32, #tpu.memory_space<hbm>> -> memref<1x1x1x8x128xf32, #tpu.memory_space<hbm>>
        %dma_wait3A_722 = tpu.memref_squeeze %dma_wait3A_721 : memref<1x1x1x8x128xf32, #tpu.memory_space<hbm>> -> memref<8x128xf32, #tpu.memory_space<hbm>>
        %dma_wait3A_723 = arith.constant 24 : i32
        %dma_wait3A_724 = arith.constant 0 : i32
        %dma_wait3A_725 = tpu.memref_slice %arg8[%dma_wait3A_707, %dma_wait3A_723, %dma_wait3A_724] : memref<2x32x129xf32, #tpu.memory_space<vmem>> -> memref<1x8x128xf32, #tpu.memory_space<vmem>>
        %dma_wait3A_726 = tpu.memref_squeeze %dma_wait3A_725 : memref<1x8x128xf32, #tpu.memory_space<vmem>> -> memref<8x128xf32, #tpu.memory_space<vmem>>
        tpu.wait_dma2 semaphore(%arg14 : memref<!tpu.dma_semaphore, #tpu.memory_space<semaphore_mem>>) src(%dma_wait3A_726 : memref<8x128xf32, #tpu.memory_space<vmem>>) dst(%dma_wait3A_722 : memref<8x128xf32, #tpu.memory_space<hbm>>)
      } else {
      }
      %get3A_456 = arith.index_cast %add3A_430 : i32 to index
      %get3A_457 = arith.constant 0 : index
      %get3A_458 = tpu.vector_load %arg9[%get3A_456, %get3A_457] {strides = array<i32>} : memref<200x32xf32, #tpu.memory_space<vmem>>, vector<16xf32>,
      %get3A_459 = arith.index_cast %add3A_430 : i32 to index
      %get3A_460 = arith.constant 16 : index
      %get3A_461 = tpu.vector_load %arg9[%get3A_459, %get3A_460] {strides = array<i32>} : memref<200x32xf32, #tpu.memory_space<vmem>>, vector<16xf32>,
      %parallel_loop3A_462 = arith.constant 0 : i32
      %parallel_loop3A_463 = arith.constant 128 : i32
      %parallel_loop3A_464 = arith.constant 1 : i32
      scf.for %parallel_loop3A_647 = %parallel_loop3A_462 to %parallel_loop3A_463 step %parallel_loop3A_464  : i32 {
        %parallel_loop3A_648 = arith.constant 2 : i32
        %parallel_loop3A_649 = arith.index_cast %parallel_loop3A_648 : i32 to index
        %parallel_loop3A_650 = arith.index_cast %parallel_loop3A_647 : i32 to index
        %parallel_loop3A_651 = arith.constant 0 : index
        %parallel_loop3A_652 = tpu.vector_load %arg7[%parallel_loop3A_649, %parallel_loop3A_650, %parallel_loop3A_651] {strides = array<i32>} : memref<4x128x32xf32, #tpu.memory_space<vmem>>, vector<16xf32>,
        %parallel_loop3A_653 = arith.addf %parallel_loop3A_652, %get3A_458 : vector<16xf32>
        %parallel_loop3A_654 = arith.constant 2 : i32
        %parallel_loop3A_655 = arith.index_cast %parallel_loop3A_654 : i32 to index
        %parallel_loop3A_656 = arith.index_cast %parallel_loop3A_647 : i32 to index
        %parallel_loop3A_657 = arith.constant 16 : index
        %parallel_loop3A_658 = tpu.vector_load %arg7[%parallel_loop3A_655, %parallel_loop3A_656, %parallel_loop3A_657] {strides = array<i32>} : memref<4x128x32xf32, #tpu.memory_space<vmem>>, vector<16xf32>,
        %parallel_loop3A_659 = arith.addf %parallel_loop3A_658, %get3A_461 : vector<16xf32>
        %parallel_loop3A_660 = vector.broadcast %parallel_loop3A_647 : i32 to vector<16xi32>
        %parallel_loop3A_661 = arith.addi %mul3A_6, %parallel_loop3A_660 : vector<16xi32>
        %parallel_loop3A_662 = arith.constant 0 : i32
        %parallel_loop3A_663 = arith.constant 0 : i32
        %parallel_loop3A_664 = arith.constant 0 : i32
        %parallel_loop3A_665 = tpu.memref_slice %arg8[%parallel_loop3A_662, %parallel_loop3A_663, %parallel_loop3A_664] : memref<2x32x129xf32, #tpu.memory_space<vmem>> -> memref<1x32x129xf32, #tpu.memory_space<vmem>>
        %parallel_loop3A_666 = tpu.memref_squeeze %parallel_loop3A_665 : memref<1x32x129xf32, #tpu.memory_space<vmem>> -> memref<32x129xf32, #tpu.memory_space<vmem>>
        tpu.vector_store_idx %parallel_loop3A_666[%iota3A, %parallel_loop3A_661], %parallel_loop3A_653 : memref<32x129xf32, #tpu.memory_space<vmem>>[vector<16xi32>, vector<16xi32>], vector<16xf32>,
        %parallel_loop3A_667 = arith.constant 0 : i32
        %parallel_loop3A_668 = arith.constant 0 : i32
        %parallel_loop3A_669 = arith.constant 0 : i32
        %parallel_loop3A_670 = tpu.memref_slice %arg8[%parallel_loop3A_667, %parallel_loop3A_668, %parallel_loop3A_669] : memref<2x32x129xf32, #tpu.memory_space<vmem>> -> memref<1x32x129xf32, #tpu.memory_space<vmem>>
        %parallel_loop3A_671 = tpu.memref_squeeze %parallel_loop3A_670 : memref<1x32x129xf32, #tpu.memory_space<vmem>> -> memref<32x129xf32, #tpu.memory_space<vmem>>
        tpu.vector_store_idx %parallel_loop3A_671[%add3A_3, %parallel_loop3A_661], %parallel_loop3A_659 : memref<32x129xf32, #tpu.memory_space<vmem>>[vector<16xi32>, vector<16xi32>], vector<16xf32>,
      } {sc.loop_unroll_factor = 8 : i64, sc.parallel_access}
      %dma_start3A_465 = arith.constant 0 : i32
      %dma_start3A_466 = arith.constant 0 : i32
      %dma_start3A_467 = arith.constant 0 : i32
      %dma_start3A_468 = arith.constant 0 : i32
      %dma_start3A_469 = tpu.memref_slice %arg8[%dma_start3A_465, %dma_start3A_467, %dma_start3A_468] : memref<2x32x129xf32, #tpu.memory_space<vmem>> -> memref<1x8x128xf32, #tpu.memory_space<vmem>>
      %dma_start3A_470 = tpu.memref_squeeze %dma_start3A_469 : memref<1x8x128xf32, #tpu.memory_space<vmem>> -> memref<8x128xf32, #tpu.memory_space<vmem>>
      %dma_start3A_471 = arith.constant 0 : i32
      %dma_start3A_472 = arith.constant 0 : i32
      %dma_start3A_473 = tpu.memref_slice %arg5[%add3A_430, %dma_start3A_466, %add3A, %dma_start3A_471, %dma_start3A_472] : memref<200x4x32x8x128xf32, #tpu.memory_space<hbm>> -> memref<1x1x1x8x128xf32, #tpu.memory_space<hbm>>
      %dma_start3A_474 = tpu.memref_squeeze %dma_start3A_473 : memref<1x1x1x8x128xf32, #tpu.memory_space<hbm>> -> memref<8x128xf32, #tpu.memory_space<hbm>>
      %dma_start3A_475 = arith.constant 0 : i32
      %dma_start3A_476 = arith.constant 0 : i32
      %dma_start3A_477 = tpu.memref_slice %arg5[%add3A_430, %dma_start3A_466, %add3A, %dma_start3A_475, %dma_start3A_476] : memref<200x4x32x8x128xf32, #tpu.memory_space<hbm>> -> memref<1x1x1x8x128xf32, #tpu.memory_space<hbm>>
      %dma_start3A_478 = tpu.memref_squeeze %dma_start3A_477 : memref<1x1x1x8x128xf32, #tpu.memory_space<hbm>> -> memref<8x128xf32, #tpu.memory_space<hbm>>
      %dma_start3A_479 = arith.constant 0 : i32
      %dma_start3A_480 = arith.constant 0 : i32
      %dma_start3A_481 = tpu.memref_slice %arg8[%dma_start3A_465, %dma_start3A_479, %dma_start3A_480] : memref<2x32x129xf32, #tpu.memory_space<vmem>> -> memref<1x8x128xf32, #tpu.memory_space<vmem>>
      %dma_start3A_482 = tpu.memref_squeeze %dma_start3A_481 : memref<1x8x128xf32, #tpu.memory_space<vmem>> -> memref<8x128xf32, #tpu.memory_space<vmem>>
      tpu.enqueue_dma source(%dma_start3A_482 : memref<8x128xf32, #tpu.memory_space<vmem>>) target(%dma_start3A_478 : memref<8x128xf32, #tpu.memory_space<hbm>>) target_semaphore(%arg14 : memref<!tpu.dma_semaphore, #tpu.memory_space<semaphore_mem>>)
      %dma_start3A_483 = arith.constant 0 : i32
      %dma_start3A_484 = arith.constant 1 : i32
      %dma_start3A_485 = arith.constant 8 : i32
      %dma_start3A_486 = arith.constant 0 : i32
      %dma_start3A_487 = tpu.memref_slice %arg8[%dma_start3A_483, %dma_start3A_485, %dma_start3A_486] : memref<2x32x129xf32, #tpu.memory_space<vmem>> -> memref<1x8x128xf32, #tpu.memory_space<vmem>>
      %dma_start3A_488 = tpu.memref_squeeze %dma_start3A_487 : memref<1x8x128xf32, #tpu.memory_space<vmem>> -> memref<8x128xf32, #tpu.memory_space<vmem>>
      %dma_start3A_489 = arith.constant 0 : i32
      %dma_start3A_490 = arith.constant 0 : i32
      %dma_start3A_491 = tpu.memref_slice %arg5[%add3A_430, %dma_start3A_484, %add3A, %dma_start3A_489, %dma_start3A_490] : memref<200x4x32x8x128xf32, #tpu.memory_space<hbm>> -> memref<1x1x1x8x128xf32, #tpu.memory_space<hbm>>
      %dma_start3A_492 = tpu.memref_squeeze %dma_start3A_491 : memref<1x1x1x8x128xf32, #tpu.memory_space<hbm>> -> memref<8x128xf32, #tpu.memory_space<hbm>>
      %dma_start3A_493 = arith.constant 0 : i32
      %dma_start3A_494 = arith.constant 0 : i32
      %dma_start3A_495 = tpu.memref_slice %arg5[%add3A_430, %dma_start3A_484, %add3A, %dma_start3A_493, %dma_start3A_494] : memref<200x4x32x8x128xf32, #tpu.memory_space<hbm>> -> memref<1x1x1x8x128xf32, #tpu.memory_space<hbm>>
      %dma_start3A_496 = tpu.memref_squeeze %dma_start3A_495 : memref<1x1x1x8x128xf32, #tpu.memory_space<hbm>> -> memref<8x128xf32, #tpu.memory_space<hbm>>
      %dma_start3A_497 = arith.constant 8 : i32
      %dma_start3A_498 = arith.constant 0 : i32
      %dma_start3A_499 = tpu.memref_slice %arg8[%dma_start3A_483, %dma_start3A_497, %dma_start3A_498] : memref<2x32x129xf32, #tpu.memory_space<vmem>> -> memref<1x8x128xf32, #tpu.memory_space<vmem>>
      %dma_start3A_500 = tpu.memref_squeeze %dma_start3A_499 : memref<1x8x128xf32, #tpu.memory_space<vmem>> -> memref<8x128xf32, #tpu.memory_space<vmem>>
      tpu.enqueue_dma source(%dma_start3A_500 : memref<8x128xf32, #tpu.memory_space<vmem>>) target(%dma_start3A_496 : memref<8x128xf32, #tpu.memory_space<hbm>>) target_semaphore(%arg14 : memref<!tpu.dma_semaphore, #tpu.memory_space<semaphore_mem>>)
      %dma_start3A_501 = arith.constant 0 : i32
      %dma_start3A_502 = arith.constant 2 : i32
      %dma_start3A_503 = arith.constant 16 : i32
      %dma_start3A_504 = arith.constant 0 : i32
      %dma_start3A_505 = tpu.memref_slice %arg8[%dma_start3A_501, %dma_start3A_503, %dma_start3A_504] : memref<2x32x129xf32, #tpu.memory_space<vmem>> -> memref<1x8x128xf32, #tpu.memory_space<vmem>>
      %dma_start3A_506 = tpu.memref_squeeze %dma_start3A_505 : memref<1x8x128xf32, #tpu.memory_space<vmem>> -> memref<8x128xf32, #tpu.memory_space<vmem>>
      %dma_start3A_507 = arith.constant 0 : i32
      %dma_start3A_508 = arith.constant 0 : i32
      %dma_start3A_509 = tpu.memref_slice %arg5[%add3A_430, %dma_start3A_502, %add3A, %dma_start3A_507, %dma_start3A_508] : memref<200x4x32x8x128xf32, #tpu.memory_space<hbm>> -> memref<1x1x1x8x128xf32, #tpu.memory_space<hbm>>
      %dma_start3A_510 = tpu.memref_squeeze %dma_start3A_509 : memref<1x1x1x8x128xf32, #tpu.memory_space<hbm>> -> memref<8x128xf32, #tpu.memory_space<hbm>>
      %dma_start3A_511 = arith.constant 0 : i32
      %dma_start3A_512 = arith.constant 0 : i32
      %dma_start3A_513 = tpu.memref_slice %arg5[%add3A_430, %dma_start3A_502, %add3A, %dma_start3A_511, %dma_start3A_512] : memref<200x4x32x8x128xf32, #tpu.memory_space<hbm>> -> memref<1x1x1x8x128xf32, #tpu.memory_space<hbm>>
      %dma_start3A_514 = tpu.memref_squeeze %dma_start3A_513 : memref<1x1x1x8x128xf32, #tpu.memory_space<hbm>> -> memref<8x128xf32, #tpu.memory_space<hbm>>
      %dma_start3A_515 = arith.constant 16 : i32
      %dma_start3A_516 = arith.constant 0 : i32
      %dma_start3A_517 = tpu.memref_slice %arg8[%dma_start3A_501, %dma_start3A_515, %dma_start3A_516] : memref<2x32x129xf32, #tpu.memory_space<vmem>> -> memref<1x8x128xf32, #tpu.memory_space<vmem>>
      %dma_start3A_518 = tpu.memref_squeeze %dma_start3A_517 : memref<1x8x128xf32, #tpu.memory_space<vmem>> -> memref<8x128xf32, #tpu.memory_space<vmem>>
      tpu.enqueue_dma source(%dma_start3A_518 : memref<8x128xf32, #tpu.memory_space<vmem>>) target(%dma_start3A_514 : memref<8x128xf32, #tpu.memory_space<hbm>>) target_semaphore(%arg14 : memref<!tpu.dma_semaphore, #tpu.memory_space<semaphore_mem>>)
      %dma_start3A_519 = arith.constant 0 : i32
      %dma_start3A_520 = arith.constant 3 : i32
      %dma_start3A_521 = arith.constant 24 : i32
      %dma_start3A_522 = arith.constant 0 : i32
      %dma_start3A_523 = tpu.memref_slice %arg8[%dma_start3A_519, %dma_start3A_521, %dma_start3A_522] : memref<2x32x129xf32, #tpu.memory_space<vmem>> -> memref<1x8x128xf32, #tpu.memory_space<vmem>>
      %dma_start3A_524 = tpu.memref_squeeze %dma_start3A_523 : memref<1x8x128xf32, #tpu.memory_space<vmem>> -> memref<8x128xf32, #tpu.memory_space<vmem>>
      %dma_start3A_525 = arith.constant 0 : i32
      %dma_start3A_526 = arith.constant 0 : i32
      %dma_start3A_527 = tpu.memref_slice %arg5[%add3A_430, %dma_start3A_520, %add3A, %dma_start3A_525, %dma_start3A_526] : memref<200x4x32x8x128xf32, #tpu.memory_space<hbm>> -> memref<1x1x1x8x128xf32, #tpu.memory_space<hbm>>
      %dma_start3A_528 = tpu.memref_squeeze %dma_start3A_527 : memref<1x1x1x8x128xf32, #tpu.memory_space<hbm>> -> memref<8x128xf32, #tpu.memory_space<hbm>>
      %dma_start3A_529 = arith.constant 0 : i32
      %dma_start3A_530 = arith.constant 0 : i32
      %dma_start3A_531 = tpu.memref_slice %arg5[%add3A_430, %dma_start3A_520, %add3A, %dma_start3A_529, %dma_start3A_530] : memref<200x4x32x8x128xf32, #tpu.memory_space<hbm>> -> memref<1x1x1x8x128xf32, #tpu.memory_space<hbm>>
      %dma_start3A_532 = tpu.memref_squeeze %dma_start3A_531 : memref<1x1x1x8x128xf32, #tpu.memory_space<hbm>> -> memref<8x128xf32, #tpu.memory_space<hbm>>
      %dma_start3A_533 = arith.constant 24 : i32
      %dma_start3A_534 = arith.constant 0 : i32
      %dma_start3A_535 = tpu.memref_slice %arg8[%dma_start3A_519, %dma_start3A_533, %dma_start3A_534] : memref<2x32x129xf32, #tpu.memory_space<vmem>> -> memref<1x8x128xf32, #tpu.memory_space<vmem>>
      %dma_start3A_536 = tpu.memref_squeeze %dma_start3A_535 : memref<1x8x128xf32, #tpu.memory_space<vmem>> -> memref<8x128xf32, #tpu.memory_space<vmem>>
      tpu.enqueue_dma source(%dma_start3A_536 : memref<8x128xf32, #tpu.memory_space<vmem>>) target(%dma_start3A_532 : memref<8x128xf32, #tpu.memory_space<hbm>>) target_semaphore(%arg14 : memref<!tpu.dma_semaphore, #tpu.memory_space<semaphore_mem>>)
      %mul3A_537 = arith.constant 4 : i32
      %mul3A_538 = arith.muli %add3A_212, %mul3A_537 : i32
      %add3A_539 = arith.constant 3 : i32
      %add3A_540 = arith.addi %mul3A_538, %add3A_539 : i32
      %add3A_541 = arith.constant 3 : i32
      %add3A_542 = arith.addi %add3A_540, %add3A_541 : i32
      %lt3A_543 = arith.constant 200 : i32
      %lt3A_544 = arith.cmpi slt, %add3A_542, %lt3A_543 : i32
      %convert_element_type3A_545 = arith.extui %lt3A_544 : i1 to i32
      %cond3A_546 = arith.constant 0 : i32
      %cond3A_547 = arith.cmpi ne, %convert_element_type3A_545, %cond3A_546 : i32
      scf.if %cond3A_547 {
        %add3A_647 = arith.constant 3 : i32
        %add3A_648 = arith.addi %add3A_540, %add3A_647 : i32
        %jit3A = arith.constant 8 : i32
        %div3A = arith.divsi %add3A_648, %jit3A : i32
        %sign3A = arith.constant 0 : i32
        %sign3A_649 = arith.cmpi sgt, %add3A_648, %sign3A : i32
        %sign3A_650 = arith.extui %sign3A_649 : i1 to i32
        %sign3A_651 = arith.constant 0 : i32
        %sign3A_652 = arith.cmpi slt, %add3A_648, %sign3A_651 : i32
        %sign3A_653 = arith.extui %sign3A_652 : i1 to i32
        %sign3A_654 = arith.subi %sign3A_650, %sign3A_653 : i32
        %sign3A_655 = arith.constant 0 : i32
        %sign3A_656 = arith.cmpi sgt, %jit3A, %sign3A_655 : i32
        %sign3A_657 = arith.extui %sign3A_656 : i1 to i32
        %sign3A_658 = arith.constant 0 : i32
        %sign3A_659 = arith.cmpi slt, %jit3A, %sign3A_658 : i32
        %sign3A_660 = arith.extui %sign3A_659 : i1 to i32
        %sign3A_661 = arith.subi %sign3A_657, %sign3A_660 : i32
        %ne3A = arith.cmpi ne, %sign3A_654, %sign3A_661 : i32
        %rem3A = arith.remsi %add3A_648, %jit3A : i32
        %ne3A_662 = arith.constant 0 : i32
        %ne3A_663 = arith.cmpi ne, %rem3A, %ne3A_662 : i32
        %and3A = arith.andi %ne3A, %ne3A_663 : i1
        %sub3A = arith.constant 1 : i32
        %sub3A_664 = arith.subi %div3A, %sub3A : i32
        %select_n3A = arith.select %and3A, %sub3A_664, %div3A : i32
        %jit3A_665 = arith.constant 8 : i32
        %eq3A = arith.constant 0 : i32
        %eq3A_666 = arith.cmpi eq, %jit3A_665, %eq3A : i32
        %jit3A_667 = arith.constant 1 : i32
        %select_n3A_668 = arith.select %eq3A_666, %jit3A_667, %jit3A_665 : i32
        %rem3A_669 = arith.remsi %add3A_648, %select_n3A_668 : i32
        %ne3A_670 = arith.constant 0 : i32
        %ne3A_671 = arith.cmpi ne, %rem3A_669, %ne3A_670 : i32
        %lt3A_672 = arith.constant 0 : i32
        %lt3A_673 = arith.cmpi slt, %rem3A_669, %lt3A_672 : i32
        %lt3A_674 = arith.constant 0 : i32
        %lt3A_675 = arith.cmpi slt, %select_n3A_668, %lt3A_674 : i32
        %ne3A_676 = arith.xori %lt3A_673, %lt3A_675 : i1
        %and3A_677 = arith.andi %ne3A_676, %ne3A_671 : i1
        %add3A_678 = arith.addi %rem3A_669, %select_n3A_668 : i32
        %select_n3A_679 = arith.select %and3A_677, %add3A_678, %rem3A_669 : i32
        %dma_start3A_680 = arith.constant 2 : i32
        %dma_start3A_681 = arith.constant 0 : i32
        %dma_start3A_682 = arith.constant 0 : i32
        %dma_start3A_683 = tpu.memref_slice %arg7[%dma_start3A_680, %dma_start3A_681, %dma_start3A_682] : memref<4x128x32xf32, #tpu.memory_space<vmem>> -> memref<1x128x32xf32, #tpu.memory_space<vmem>>
        %dma_start3A_684 = tpu.memref_squeeze %dma_start3A_683 : memref<1x128x32xf32, #tpu.memory_space<vmem>> -> memref<128x32xf32, #tpu.memory_space<vmem>>
        %dma_start3A_685 = arith.constant 0 : i32
        %dma_start3A_686 = tpu.memref_slice %arg6[%select_n3A, %select_n3A_679, %dma_start3A_685] : memref<25x8x128xi32, #tpu.memory_space<vmem>> -> memref<1x1x128xi32, #tpu.memory_space<vmem>>
        %dma_start3A_687 = tpu.memref_squeeze %dma_start3A_686 : memref<1x1x128xi32, #tpu.memory_space<vmem>> -> memref<128xi32, #tpu.memory_space<vmem>>
        %dma_start3A_688 = arith.constant 0 : i32
        %dma_start3A_689 = arith.constant 0 : i32
        %dma_start3A_690 = tpu.memref_slice %arg3[%dma_start3A_688, %dma_start3A_689] : memref<1000000x32xf32, #tpu.memory_space<hbm>> -> memref<1000000x32xf32, #tpu.memory_space<hbm>>
        tpu.enqueue_indirect_dma source(%dma_start3A_690 : memref<1000000x32xf32, #tpu.memory_space<hbm>>) target(%dma_start3A_684 : memref<128x32xf32, #tpu.memory_space<vmem>>) offsets(%dma_start3A_687 : memref<128xi32, #tpu.memory_space<vmem>>) semaphore(%arg12 : memref<!tpu.dma_semaphore, #tpu.memory_space<semaphore_mem>>)
      } else {
      }
      %dma_wait3A_548 = arith.constant 0 : i32
      %dma_wait3A_549 = arith.constant 0 : i32
      %dma_wait3A_550 = arith.constant 3 : i32
      %dma_wait3A_551 = arith.constant 0 : i32
      %dma_wait3A_552 = arith.constant 0 : i32
      %dma_wait3A_553 = tpu.memref_slice %arg7[%dma_wait3A_550, %dma_wait3A_551, %dma_wait3A_552] : memref<4x128x32xf32, #tpu.memory_space<vmem>> -> memref<1x128x32xf32, #tpu.memory_space<vmem>>
      %dma_wait3A_554 = tpu.memref_squeeze %dma_wait3A_553 : memref<1x128x32xf32, #tpu.memory_space<vmem>> -> memref<128x32xf32, #tpu.memory_space<vmem>>
      %dma_wait3A_555 = arith.constant 0 : i32
      %dma_wait3A_556 = tpu.memref_slice %arg6[%dma_wait3A_548, %dma_wait3A_549, %dma_wait3A_555] : memref<25x8x128xi32, #tpu.memory_space<vmem>> -> memref<1x1x128xi32, #tpu.memory_space<vmem>>
      %dma_wait3A_557 = tpu.memref_squeeze %dma_wait3A_556 : memref<1x1x128xi32, #tpu.memory_space<vmem>> -> memref<128xi32, #tpu.memory_space<vmem>>
      %dma_wait3A_558 = arith.constant 0 : i32
      %dma_wait3A_559 = arith.constant 0 : i32
      %dma_wait3A_560 = tpu.memref_slice %arg3[%dma_wait3A_558, %dma_wait3A_559] : memref<1000000x32xf32, #tpu.memory_space<hbm>> -> memref<1000000x32xf32, #tpu.memory_space<hbm>>
      tpu.wait_indirect_dma semaphore(%arg13 : memref<!tpu.dma_semaphore, #tpu.memory_space<semaphore_mem>>) src(%dma_wait3A_560 : memref<1000000x32xf32, #tpu.memory_space<hbm>>) dst(%dma_wait3A_554 : memref<128x32xf32, #tpu.memory_space<vmem>>)
      %ge3A_561 = arith.constant 2 : i32
      %ge3A_562 = arith.cmpi sge, %add3A_540, %ge3A_561 : i32
      %convert_element_type3A_563 = arith.extui %ge3A_562 : i1 to i32
      %cond3A_564 = arith.constant 0 : i32
      %cond3A_565 = arith.cmpi ne, %convert_element_type3A_563, %cond3A_564 : i32
      scf.if %cond3A_565 {
        %dma_wait3A_647 = arith.constant 1 : i32
        %dma_wait3A_648 = arith.constant 0 : i32
        %dma_wait3A_649 = arith.constant 0 : i32
        %dma_wait3A_650 = arith.constant 0 : i32
        %dma_wait3A_651 = arith.constant 0 : i32
        %dma_wait3A_652 = arith.constant 0 : i32
        %dma_wait3A_653 = tpu.memref_slice %arg8[%dma_wait3A_647, %dma_wait3A_651, %dma_wait3A_652] : memref<2x32x129xf32, #tpu.memory_space<vmem>> -> memref<1x8x128xf32, #tpu.memory_space<vmem>>
        %dma_wait3A_654 = tpu.memref_squeeze %dma_wait3A_653 : memref<1x8x128xf32, #tpu.memory_space<vmem>> -> memref<8x128xf32, #tpu.memory_space<vmem>>
        %dma_wait3A_655 = arith.constant 0 : i32
        %dma_wait3A_656 = arith.constant 0 : i32
        %dma_wait3A_657 = tpu.memref_slice %arg5[%dma_wait3A_648, %dma_wait3A_649, %dma_wait3A_650, %dma_wait3A_655, %dma_wait3A_656] : memref<200x4x32x8x128xf32, #tpu.memory_space<hbm>> -> memref<1x1x1x8x128xf32, #tpu.memory_space<hbm>>
        %dma_wait3A_658 = tpu.memref_squeeze %dma_wait3A_657 : memref<1x1x1x8x128xf32, #tpu.memory_space<hbm>> -> memref<8x128xf32, #tpu.memory_space<hbm>>
        %dma_wait3A_659 = arith.constant 0 : i32
        %dma_wait3A_660 = arith.constant 0 : i32
        %dma_wait3A_661 = tpu.memref_slice %arg5[%dma_wait3A_648, %dma_wait3A_649, %dma_wait3A_650, %dma_wait3A_659, %dma_wait3A_660] : memref<200x4x32x8x128xf32, #tpu.memory_space<hbm>> -> memref<1x1x1x8x128xf32, #tpu.memory_space<hbm>>
        %dma_wait3A_662 = tpu.memref_squeeze %dma_wait3A_661 : memref<1x1x1x8x128xf32, #tpu.memory_space<hbm>> -> memref<8x128xf32, #tpu.memory_space<hbm>>
        %dma_wait3A_663 = arith.constant 0 : i32
        %dma_wait3A_664 = arith.constant 0 : i32
        %dma_wait3A_665 = tpu.memref_slice %arg8[%dma_wait3A_647, %dma_wait3A_663, %dma_wait3A_664] : memref<2x32x129xf32, #tpu.memory_space<vmem>> -> memref<1x8x128xf32, #tpu.memory_space<vmem>>
        %dma_wait3A_666 = tpu.memref_squeeze %dma_wait3A_665 : memref<1x8x128xf32, #tpu.memory_space<vmem>> -> memref<8x128xf32, #tpu.memory_space<vmem>>
        tpu.wait_dma2 semaphore(%arg15 : memref<!tpu.dma_semaphore, #tpu.memory_space<semaphore_mem>>) src(%dma_wait3A_666 : memref<8x128xf32, #tpu.memory_space<vmem>>) dst(%dma_wait3A_662 : memref<8x128xf32, #tpu.memory_space<hbm>>)
        %dma_wait3A_667 = arith.constant 1 : i32
        %dma_wait3A_668 = arith.constant 0 : i32
        %dma_wait3A_669 = arith.constant 1 : i32
        %dma_wait3A_670 = arith.constant 0 : i32
        %dma_wait3A_671 = arith.constant 8 : i32
        %dma_wait3A_672 = arith.constant 0 : i32
        %dma_wait3A_673 = tpu.memref_slice %arg8[%dma_wait3A_667, %dma_wait3A_671, %dma_wait3A_672] : memref<2x32x129xf32, #tpu.memory_space<vmem>> -> memref<1x8x128xf32, #tpu.memory_space<vmem>>
        %dma_wait3A_674 = tpu.memref_squeeze %dma_wait3A_673 : memref<1x8x128xf32, #tpu.memory_space<vmem>> -> memref<8x128xf32, #tpu.memory_space<vmem>>
        %dma_wait3A_675 = arith.constant 0 : i32
        %dma_wait3A_676 = arith.constant 0 : i32
        %dma_wait3A_677 = tpu.memref_slice %arg5[%dma_wait3A_668, %dma_wait3A_669, %dma_wait3A_670, %dma_wait3A_675, %dma_wait3A_676] : memref<200x4x32x8x128xf32, #tpu.memory_space<hbm>> -> memref<1x1x1x8x128xf32, #tpu.memory_space<hbm>>
        %dma_wait3A_678 = tpu.memref_squeeze %dma_wait3A_677 : memref<1x1x1x8x128xf32, #tpu.memory_space<hbm>> -> memref<8x128xf32, #tpu.memory_space<hbm>>
        %dma_wait3A_679 = arith.constant 0 : i32
        %dma_wait3A_680 = arith.constant 0 : i32
        %dma_wait3A_681 = tpu.memref_slice %arg5[%dma_wait3A_668, %dma_wait3A_669, %dma_wait3A_670, %dma_wait3A_679, %dma_wait3A_680] : memref<200x4x32x8x128xf32, #tpu.memory_space<hbm>> -> memref<1x1x1x8x128xf32, #tpu.memory_space<hbm>>
        %dma_wait3A_682 = tpu.memref_squeeze %dma_wait3A_681 : memref<1x1x1x8x128xf32, #tpu.memory_space<hbm>> -> memref<8x128xf32, #tpu.memory_space<hbm>>
        %dma_wait3A_683 = arith.constant 8 : i32
        %dma_wait3A_684 = arith.constant 0 : i32
        %dma_wait3A_685 = tpu.memref_slice %arg8[%dma_wait3A_667, %dma_wait3A_683, %dma_wait3A_684] : memref<2x32x129xf32, #tpu.memory_space<vmem>> -> memref<1x8x128xf32, #tpu.memory_space<vmem>>
        %dma_wait3A_686 = tpu.memref_squeeze %dma_wait3A_685 : memref<1x8x128xf32, #tpu.memory_space<vmem>> -> memref<8x128xf32, #tpu.memory_space<vmem>>
        tpu.wait_dma2 semaphore(%arg15 : memref<!tpu.dma_semaphore, #tpu.memory_space<semaphore_mem>>) src(%dma_wait3A_686 : memref<8x128xf32, #tpu.memory_space<vmem>>) dst(%dma_wait3A_682 : memref<8x128xf32, #tpu.memory_space<hbm>>)
        %dma_wait3A_687 = arith.constant 1 : i32
        %dma_wait3A_688 = arith.constant 0 : i32
        %dma_wait3A_689 = arith.constant 2 : i32
        %dma_wait3A_690 = arith.constant 0 : i32
        %dma_wait3A_691 = arith.constant 16 : i32
        %dma_wait3A_692 = arith.constant 0 : i32
        %dma_wait3A_693 = tpu.memref_slice %arg8[%dma_wait3A_687, %dma_wait3A_691, %dma_wait3A_692] : memref<2x32x129xf32, #tpu.memory_space<vmem>> -> memref<1x8x128xf32, #tpu.memory_space<vmem>>
        %dma_wait3A_694 = tpu.memref_squeeze %dma_wait3A_693 : memref<1x8x128xf32, #tpu.memory_space<vmem>> -> memref<8x128xf32, #tpu.memory_space<vmem>>
        %dma_wait3A_695 = arith.constant 0 : i32
        %dma_wait3A_696 = arith.constant 0 : i32
        %dma_wait3A_697 = tpu.memref_slice %arg5[%dma_wait3A_688, %dma_wait3A_689, %dma_wait3A_690, %dma_wait3A_695, %dma_wait3A_696] : memref<200x4x32x8x128xf32, #tpu.memory_space<hbm>> -> memref<1x1x1x8x128xf32, #tpu.memory_space<hbm>>
        %dma_wait3A_698 = tpu.memref_squeeze %dma_wait3A_697 : memref<1x1x1x8x128xf32, #tpu.memory_space<hbm>> -> memref<8x128xf32, #tpu.memory_space<hbm>>
        %dma_wait3A_699 = arith.constant 0 : i32
        %dma_wait3A_700 = arith.constant 0 : i32
        %dma_wait3A_701 = tpu.memref_slice %arg5[%dma_wait3A_688, %dma_wait3A_689, %dma_wait3A_690, %dma_wait3A_699, %dma_wait3A_700] : memref<200x4x32x8x128xf32, #tpu.memory_space<hbm>> -> memref<1x1x1x8x128xf32, #tpu.memory_space<hbm>>
        %dma_wait3A_702 = tpu.memref_squeeze %dma_wait3A_701 : memref<1x1x1x8x128xf32, #tpu.memory_space<hbm>> -> memref<8x128xf32, #tpu.memory_space<hbm>>
        %dma_wait3A_703 = arith.constant 16 : i32
        %dma_wait3A_704 = arith.constant 0 : i32
        %dma_wait3A_705 = tpu.memref_slice %arg8[%dma_wait3A_687, %dma_wait3A_703, %dma_wait3A_704] : memref<2x32x129xf32, #tpu.memory_space<vmem>> -> memref<1x8x128xf32, #tpu.memory_space<vmem>>
        %dma_wait3A_706 = tpu.memref_squeeze %dma_wait3A_705 : memref<1x8x128xf32, #tpu.memory_space<vmem>> -> memref<8x128xf32, #tpu.memory_space<vmem>>
        tpu.wait_dma2 semaphore(%arg15 : memref<!tpu.dma_semaphore, #tpu.memory_space<semaphore_mem>>) src(%dma_wait3A_706 : memref<8x128xf32, #tpu.memory_space<vmem>>) dst(%dma_wait3A_702 : memref<8x128xf32, #tpu.memory_space<hbm>>)
        %dma_wait3A_707 = arith.constant 1 : i32
        %dma_wait3A_708 = arith.constant 0 : i32
        %dma_wait3A_709 = arith.constant 3 : i32
        %dma_wait3A_710 = arith.constant 0 : i32
        %dma_wait3A_711 = arith.constant 24 : i32
        %dma_wait3A_712 = arith.constant 0 : i32
        %dma_wait3A_713 = tpu.memref_slice %arg8[%dma_wait3A_707, %dma_wait3A_711, %dma_wait3A_712] : memref<2x32x129xf32, #tpu.memory_space<vmem>> -> memref<1x8x128xf32, #tpu.memory_space<vmem>>
        %dma_wait3A_714 = tpu.memref_squeeze %dma_wait3A_713 : memref<1x8x128xf32, #tpu.memory_space<vmem>> -> memref<8x128xf32, #tpu.memory_space<vmem>>
        %dma_wait3A_715 = arith.constant 0 : i32
        %dma_wait3A_716 = arith.constant 0 : i32
        %dma_wait3A_717 = tpu.memref_slice %arg5[%dma_wait3A_708, %dma_wait3A_709, %dma_wait3A_710, %dma_wait3A_715, %dma_wait3A_716] : memref<200x4x32x8x128xf32, #tpu.memory_space<hbm>> -> memref<1x1x1x8x128xf32, #tpu.memory_space<hbm>>
        %dma_wait3A_718 = tpu.memref_squeeze %dma_wait3A_717 : memref<1x1x1x8x128xf32, #tpu.memory_space<hbm>> -> memref<8x128xf32, #tpu.memory_space<hbm>>
        %dma_wait3A_719 = arith.constant 0 : i32
        %dma_wait3A_720 = arith.constant 0 : i32
        %dma_wait3A_721 = tpu.memref_slice %arg5[%dma_wait3A_708, %dma_wait3A_709, %dma_wait3A_710, %dma_wait3A_719, %dma_wait3A_720] : memref<200x4x32x8x128xf32, #tpu.memory_space<hbm>> -> memref<1x1x1x8x128xf32, #tpu.memory_space<hbm>>
        %dma_wait3A_722 = tpu.memref_squeeze %dma_wait3A_721 : memref<1x1x1x8x128xf32, #tpu.memory_space<hbm>> -> memref<8x128xf32, #tpu.memory_space<hbm>>
        %dma_wait3A_723 = arith.constant 24 : i32
        %dma_wait3A_724 = arith.constant 0 : i32
        %dma_wait3A_725 = tpu.memref_slice %arg8[%dma_wait3A_707, %dma_wait3A_723, %dma_wait3A_724] : memref<2x32x129xf32, #tpu.memory_space<vmem>> -> memref<1x8x128xf32, #tpu.memory_space<vmem>>
        %dma_wait3A_726 = tpu.memref_squeeze %dma_wait3A_725 : memref<1x8x128xf32, #tpu.memory_space<vmem>> -> memref<8x128xf32, #tpu.memory_space<vmem>>
        tpu.wait_dma2 semaphore(%arg15 : memref<!tpu.dma_semaphore, #tpu.memory_space<semaphore_mem>>) src(%dma_wait3A_726 : memref<8x128xf32, #tpu.memory_space<vmem>>) dst(%dma_wait3A_722 : memref<8x128xf32, #tpu.memory_space<hbm>>)
      } else {
      }
      %get3A_566 = arith.index_cast %add3A_540 : i32 to index
      %get3A_567 = arith.constant 0 : index
      %get3A_568 = tpu.vector_load %arg9[%get3A_566, %get3A_567] {strides = array<i32>} : memref<200x32xf32, #tpu.memory_space<vmem>>, vector<16xf32>,
      %get3A_569 = arith.index_cast %add3A_540 : i32 to index
      %get3A_570 = arith.constant 16 : index
      %get3A_571 = tpu.vector_load %arg9[%get3A_569, %get3A_570] {strides = array<i32>} : memref<200x32xf32, #tpu.memory_space<vmem>>, vector<16xf32>,
      %parallel_loop3A_572 = arith.constant 0 : i32
      %parallel_loop3A_573 = arith.constant 128 : i32
      %parallel_loop3A_574 = arith.constant 1 : i32
      scf.for %parallel_loop3A_647 = %parallel_loop3A_572 to %parallel_loop3A_573 step %parallel_loop3A_574  : i32 {
        %parallel_loop3A_648 = arith.constant 3 : i32
        %parallel_loop3A_649 = arith.index_cast %parallel_loop3A_648 : i32 to index
        %parallel_loop3A_650 = arith.index_cast %parallel_loop3A_647 : i32 to index
        %parallel_loop3A_651 = arith.constant 0 : index
        %parallel_loop3A_652 = tpu.vector_load %arg7[%parallel_loop3A_649, %parallel_loop3A_650, %parallel_loop3A_651] {strides = array<i32>} : memref<4x128x32xf32, #tpu.memory_space<vmem>>, vector<16xf32>,
        %parallel_loop3A_653 = arith.addf %parallel_loop3A_652, %get3A_568 : vector<16xf32>
        %parallel_loop3A_654 = arith.constant 3 : i32
        %parallel_loop3A_655 = arith.index_cast %parallel_loop3A_654 : i32 to index
        %parallel_loop3A_656 = arith.index_cast %parallel_loop3A_647 : i32 to index
        %parallel_loop3A_657 = arith.constant 16 : index
        %parallel_loop3A_658 = tpu.vector_load %arg7[%parallel_loop3A_655, %parallel_loop3A_656, %parallel_loop3A_657] {strides = array<i32>} : memref<4x128x32xf32, #tpu.memory_space<vmem>>, vector<16xf32>,
        %parallel_loop3A_659 = arith.addf %parallel_loop3A_658, %get3A_571 : vector<16xf32>
        %parallel_loop3A_660 = vector.broadcast %parallel_loop3A_647 : i32 to vector<16xi32>
        %parallel_loop3A_661 = arith.addi %mul3A_6, %parallel_loop3A_660 : vector<16xi32>
        %parallel_loop3A_662 = arith.constant 1 : i32
        %parallel_loop3A_663 = arith.constant 0 : i32
        %parallel_loop3A_664 = arith.constant 0 : i32
        %parallel_loop3A_665 = tpu.memref_slice %arg8[%parallel_loop3A_662, %parallel_loop3A_663, %parallel_loop3A_664] : memref<2x32x129xf32, #tpu.memory_space<vmem>> -> memref<1x32x129xf32, #tpu.memory_space<vmem>>
        %parallel_loop3A_666 = tpu.memref_squeeze %parallel_loop3A_665 : memref<1x32x129xf32, #tpu.memory_space<vmem>> -> memref<32x129xf32, #tpu.memory_space<vmem>>
        tpu.vector_store_idx %parallel_loop3A_666[%iota3A, %parallel_loop3A_661], %parallel_loop3A_653 : memref<32x129xf32, #tpu.memory_space<vmem>>[vector<16xi32>, vector<16xi32>], vector<16xf32>,
        %parallel_loop3A_667 = arith.constant 1 : i32
        %parallel_loop3A_668 = arith.constant 0 : i32
        %parallel_loop3A_669 = arith.constant 0 : i32
        %parallel_loop3A_670 = tpu.memref_slice %arg8[%parallel_loop3A_667, %parallel_loop3A_668, %parallel_loop3A_669] : memref<2x32x129xf32, #tpu.memory_space<vmem>> -> memref<1x32x129xf32, #tpu.memory_space<vmem>>
        %parallel_loop3A_671 = tpu.memref_squeeze %parallel_loop3A_670 : memref<1x32x129xf32, #tpu.memory_space<vmem>> -> memref<32x129xf32, #tpu.memory_space<vmem>>
        tpu.vector_store_idx %parallel_loop3A_671[%add3A_3, %parallel_loop3A_661], %parallel_loop3A_659 : memref<32x129xf32, #tpu.memory_space<vmem>>[vector<16xi32>, vector<16xi32>], vector<16xf32>,
      } {sc.loop_unroll_factor = 8 : i64, sc.parallel_access}
      %dma_start3A_575 = arith.constant 1 : i32
      %dma_start3A_576 = arith.constant 0 : i32
      %dma_start3A_577 = arith.constant 0 : i32
      %dma_start3A_578 = arith.constant 0 : i32
      %dma_start3A_579 = tpu.memref_slice %arg8[%dma_start3A_575, %dma_start3A_577, %dma_start3A_578] : memref<2x32x129xf32, #tpu.memory_space<vmem>> -> memref<1x8x128xf32, #tpu.memory_space<vmem>>
      %dma_start3A_580 = tpu.memref_squeeze %dma_start3A_579 : memref<1x8x128xf32, #tpu.memory_space<vmem>> -> memref<8x128xf32, #tpu.memory_space<vmem>>
      %dma_start3A_581 = arith.constant 0 : i32
      %dma_start3A_582 = arith.constant 0 : i32
      %dma_start3A_583 = tpu.memref_slice %arg5[%add3A_540, %dma_start3A_576, %add3A, %dma_start3A_581, %dma_start3A_582] : memref<200x4x32x8x128xf32, #tpu.memory_space<hbm>> -> memref<1x1x1x8x128xf32, #tpu.memory_space<hbm>>
      %dma_start3A_584 = tpu.memref_squeeze %dma_start3A_583 : memref<1x1x1x8x128xf32, #tpu.memory_space<hbm>> -> memref<8x128xf32, #tpu.memory_space<hbm>>
      %dma_start3A_585 = arith.constant 0 : i32
      %dma_start3A_586 = arith.constant 0 : i32
      %dma_start3A_587 = tpu.memref_slice %arg5[%add3A_540, %dma_start3A_576, %add3A, %dma_start3A_585, %dma_start3A_586] : memref<200x4x32x8x128xf32, #tpu.memory_space<hbm>> -> memref<1x1x1x8x128xf32, #tpu.memory_space<hbm>>
      %dma_start3A_588 = tpu.memref_squeeze %dma_start3A_587 : memref<1x1x1x8x128xf32, #tpu.memory_space<hbm>> -> memref<8x128xf32, #tpu.memory_space<hbm>>
      %dma_start3A_589 = arith.constant 0 : i32
      %dma_start3A_590 = arith.constant 0 : i32
      %dma_start3A_591 = tpu.memref_slice %arg8[%dma_start3A_575, %dma_start3A_589, %dma_start3A_590] : memref<2x32x129xf32, #tpu.memory_space<vmem>> -> memref<1x8x128xf32, #tpu.memory_space<vmem>>
      %dma_start3A_592 = tpu.memref_squeeze %dma_start3A_591 : memref<1x8x128xf32, #tpu.memory_space<vmem>> -> memref<8x128xf32, #tpu.memory_space<vmem>>
      tpu.enqueue_dma source(%dma_start3A_592 : memref<8x128xf32, #tpu.memory_space<vmem>>) target(%dma_start3A_588 : memref<8x128xf32, #tpu.memory_space<hbm>>) target_semaphore(%arg15 : memref<!tpu.dma_semaphore, #tpu.memory_space<semaphore_mem>>)
      %dma_start3A_593 = arith.constant 1 : i32
      %dma_start3A_594 = arith.constant 1 : i32
      %dma_start3A_595 = arith.constant 8 : i32
      %dma_start3A_596 = arith.constant 0 : i32
      %dma_start3A_597 = tpu.memref_slice %arg8[%dma_start3A_593, %dma_start3A_595, %dma_start3A_596] : memref<2x32x129xf32, #tpu.memory_space<vmem>> -> memref<1x8x128xf32, #tpu.memory_space<vmem>>
      %dma_start3A_598 = tpu.memref_squeeze %dma_start3A_597 : memref<1x8x128xf32, #tpu.memory_space<vmem>> -> memref<8x128xf32, #tpu.memory_space<vmem>>
      %dma_start3A_599 = arith.constant 0 : i32
      %dma_start3A_600 = arith.constant 0 : i32
      %dma_start3A_601 = tpu.memref_slice %arg5[%add3A_540, %dma_start3A_594, %add3A, %dma_start3A_599, %dma_start3A_600] : memref<200x4x32x8x128xf32, #tpu.memory_space<hbm>> -> memref<1x1x1x8x128xf32, #tpu.memory_space<hbm>>
      %dma_start3A_602 = tpu.memref_squeeze %dma_start3A_601 : memref<1x1x1x8x128xf32, #tpu.memory_space<hbm>> -> memref<8x128xf32, #tpu.memory_space<hbm>>
      %dma_start3A_603 = arith.constant 0 : i32
      %dma_start3A_604 = arith.constant 0 : i32
      %dma_start3A_605 = tpu.memref_slice %arg5[%add3A_540, %dma_start3A_594, %add3A, %dma_start3A_603, %dma_start3A_604] : memref<200x4x32x8x128xf32, #tpu.memory_space<hbm>> -> memref<1x1x1x8x128xf32, #tpu.memory_space<hbm>>
      %dma_start3A_606 = tpu.memref_squeeze %dma_start3A_605 : memref<1x1x1x8x128xf32, #tpu.memory_space<hbm>> -> memref<8x128xf32, #tpu.memory_space<hbm>>
      %dma_start3A_607 = arith.constant 8 : i32
      %dma_start3A_608 = arith.constant 0 : i32
      %dma_start3A_609 = tpu.memref_slice %arg8[%dma_start3A_593, %dma_start3A_607, %dma_start3A_608] : memref<2x32x129xf32, #tpu.memory_space<vmem>> -> memref<1x8x128xf32, #tpu.memory_space<vmem>>
      %dma_start3A_610 = tpu.memref_squeeze %dma_start3A_609 : memref<1x8x128xf32, #tpu.memory_space<vmem>> -> memref<8x128xf32, #tpu.memory_space<vmem>>
      tpu.enqueue_dma source(%dma_start3A_610 : memref<8x128xf32, #tpu.memory_space<vmem>>) target(%dma_start3A_606 : memref<8x128xf32, #tpu.memory_space<hbm>>) target_semaphore(%arg15 : memref<!tpu.dma_semaphore, #tpu.memory_space<semaphore_mem>>)
      %dma_start3A_611 = arith.constant 1 : i32
      %dma_start3A_612 = arith.constant 2 : i32
      %dma_start3A_613 = arith.constant 16 : i32
      %dma_start3A_614 = arith.constant 0 : i32
      %dma_start3A_615 = tpu.memref_slice %arg8[%dma_start3A_611, %dma_start3A_613, %dma_start3A_614] : memref<2x32x129xf32, #tpu.memory_space<vmem>> -> memref<1x8x128xf32, #tpu.memory_space<vmem>>
      %dma_start3A_616 = tpu.memref_squeeze %dma_start3A_615 : memref<1x8x128xf32, #tpu.memory_space<vmem>> -> memref<8x128xf32, #tpu.memory_space<vmem>>
      %dma_start3A_617 = arith.constant 0 : i32
      %dma_start3A_618 = arith.constant 0 : i32
      %dma_start3A_619 = tpu.memref_slice %arg5[%add3A_540, %dma_start3A_612, %add3A, %dma_start3A_617, %dma_start3A_618] : memref<200x4x32x8x128xf32, #tpu.memory_space<hbm>> -> memref<1x1x1x8x128xf32, #tpu.memory_space<hbm>>
      %dma_start3A_620 = tpu.memref_squeeze %dma_start3A_619 : memref<1x1x1x8x128xf32, #tpu.memory_space<hbm>> -> memref<8x128xf32, #tpu.memory_space<hbm>>
      %dma_start3A_621 = arith.constant 0 : i32
      %dma_start3A_622 = arith.constant 0 : i32
      %dma_start3A_623 = tpu.memref_slice %arg5[%add3A_540, %dma_start3A_612, %add3A, %dma_start3A_621, %dma_start3A_622] : memref<200x4x32x8x128xf32, #tpu.memory_space<hbm>> -> memref<1x1x1x8x128xf32, #tpu.memory_space<hbm>>
      %dma_start3A_624 = tpu.memref_squeeze %dma_start3A_623 : memref<1x1x1x8x128xf32, #tpu.memory_space<hbm>> -> memref<8x128xf32, #tpu.memory_space<hbm>>
      %dma_start3A_625 = arith.constant 16 : i32
      %dma_start3A_626 = arith.constant 0 : i32
      %dma_start3A_627 = tpu.memref_slice %arg8[%dma_start3A_611, %dma_start3A_625, %dma_start3A_626] : memref<2x32x129xf32, #tpu.memory_space<vmem>> -> memref<1x8x128xf32, #tpu.memory_space<vmem>>
      %dma_start3A_628 = tpu.memref_squeeze %dma_start3A_627 : memref<1x8x128xf32, #tpu.memory_space<vmem>> -> memref<8x128xf32, #tpu.memory_space<vmem>>
      tpu.enqueue_dma source(%dma_start3A_628 : memref<8x128xf32, #tpu.memory_space<vmem>>) target(%dma_start3A_624 : memref<8x128xf32, #tpu.memory_space<hbm>>) target_semaphore(%arg15 : memref<!tpu.dma_semaphore, #tpu.memory_space<semaphore_mem>>)
      %dma_start3A_629 = arith.constant 1 : i32
      %dma_start3A_630 = arith.constant 3 : i32
      %dma_start3A_631 = arith.constant 24 : i32
      %dma_start3A_632 = arith.constant 0 : i32
      %dma_start3A_633 = tpu.memref_slice %arg8[%dma_start3A_629, %dma_start3A_631, %dma_start3A_632] : memref<2x32x129xf32, #tpu.memory_space<vmem>> -> memref<1x8x128xf32, #tpu.memory_space<vmem>>
      %dma_start3A_634 = tpu.memref_squeeze %dma_start3A_633 : memref<1x8x128xf32, #tpu.memory_space<vmem>> -> memref<8x128xf32, #tpu.memory_space<vmem>>
      %dma_start3A_635 = arith.constant 0 : i32
      %dma_start3A_636 = arith.constant 0 : i32
      %dma_start3A_637 = tpu.memref_slice %arg5[%add3A_540, %dma_start3A_630, %add3A, %dma_start3A_635, %dma_start3A_636] : memref<200x4x32x8x128xf32, #tpu.memory_space<hbm>> -> memref<1x1x1x8x128xf32, #tpu.memory_space<hbm>>
      %dma_start3A_638 = tpu.memref_squeeze %dma_start3A_637 : memref<1x1x1x8x128xf32, #tpu.memory_space<hbm>> -> memref<8x128xf32, #tpu.memory_space<hbm>>
      %dma_start3A_639 = arith.constant 0 : i32
      %dma_start3A_640 = arith.constant 0 : i32
      %dma_start3A_641 = tpu.memref_slice %arg5[%add3A_540, %dma_start3A_630, %add3A, %dma_start3A_639, %dma_start3A_640] : memref<200x4x32x8x128xf32, #tpu.memory_space<hbm>> -> memref<1x1x1x8x128xf32, #tpu.memory_space<hbm>>
      %dma_start3A_642 = tpu.memref_squeeze %dma_start3A_641 : memref<1x1x1x8x128xf32, #tpu.memory_space<hbm>> -> memref<8x128xf32, #tpu.memory_space<hbm>>
      %dma_start3A_643 = arith.constant 24 : i32
      %dma_start3A_644 = arith.constant 0 : i32
      %dma_start3A_645 = tpu.memref_slice %arg8[%dma_start3A_629, %dma_start3A_643, %dma_start3A_644] : memref<2x32x129xf32, #tpu.memory_space<vmem>> -> memref<1x8x128xf32, #tpu.memory_space<vmem>>
      %dma_start3A_646 = tpu.memref_squeeze %dma_start3A_645 : memref<1x8x128xf32, #tpu.memory_space<vmem>> -> memref<8x128xf32, #tpu.memory_space<vmem>>
      tpu.enqueue_dma source(%dma_start3A_646 : memref<8x128xf32, #tpu.memory_space<vmem>>) target(%dma_start3A_642 : memref<8x128xf32, #tpu.memory_space<hbm>>) target_semaphore(%arg15 : memref<!tpu.dma_semaphore, #tpu.memory_space<semaphore_mem>>)
    }
    %scan3A_48 = arith.constant 50 : i32
    %dma_wait3A = arith.constant 0 : i32
    %dma_wait3A_49 = arith.constant 0 : i32
    %dma_wait3A_50 = arith.constant 0 : i32
    %dma_wait3A_51 = arith.constant 0 : i32
    %dma_wait3A_52 = arith.constant 0 : i32
    %dma_wait3A_53 = arith.constant 0 : i32
    %dma_wait3A_54 = tpu.memref_slice %arg8[%dma_wait3A, %dma_wait3A_52, %dma_wait3A_53] : memref<2x32x129xf32, #tpu.memory_space<vmem>> -> memref<1x8x128xf32, #tpu.memory_space<vmem>>
    %dma_wait3A_55 = tpu.memref_squeeze %dma_wait3A_54 : memref<1x8x128xf32, #tpu.memory_space<vmem>> -> memref<8x128xf32, #tpu.memory_space<vmem>>
    %dma_wait3A_56 = arith.constant 0 : i32
    %dma_wait3A_57 = arith.constant 0 : i32
    %dma_wait3A_58 = tpu.memref_slice %arg5[%dma_wait3A_49, %dma_wait3A_50, %dma_wait3A_51, %dma_wait3A_56, %dma_wait3A_57] : memref<200x4x32x8x128xf32, #tpu.memory_space<hbm>> -> memref<1x1x1x8x128xf32, #tpu.memory_space<hbm>>
    %dma_wait3A_59 = tpu.memref_squeeze %dma_wait3A_58 : memref<1x1x1x8x128xf32, #tpu.memory_space<hbm>> -> memref<8x128xf32, #tpu.memory_space<hbm>>
    %dma_wait3A_60 = arith.constant 0 : i32
    %dma_wait3A_61 = arith.constant 0 : i32
    %dma_wait3A_62 = tpu.memref_slice %arg5[%dma_wait3A_49, %dma_wait3A_50, %dma_wait3A_51, %dma_wait3A_60, %dma_wait3A_61] : memref<200x4x32x8x128xf32, #tpu.memory_space<hbm>> -> memref<1x1x1x8x128xf32, #tpu.memory_space<hbm>>
    %dma_wait3A_63 = tpu.memref_squeeze %dma_wait3A_62 : memref<1x1x1x8x128xf32, #tpu.memory_space<hbm>> -> memref<8x128xf32, #tpu.memory_space<hbm>>
    %dma_wait3A_64 = arith.constant 0 : i32
    %dma_wait3A_65 = arith.constant 0 : i32
    %dma_wait3A_66 = tpu.memref_slice %arg8[%dma_wait3A, %dma_wait3A_64, %dma_wait3A_65] : memref<2x32x129xf32, #tpu.memory_space<vmem>> -> memref<1x8x128xf32, #tpu.memory_space<vmem>>
    %dma_wait3A_67 = tpu.memref_squeeze %dma_wait3A_66 : memref<1x8x128xf32, #tpu.memory_space<vmem>> -> memref<8x128xf32, #tpu.memory_space<vmem>>
    tpu.wait_dma2 semaphore(%arg14 : memref<!tpu.dma_semaphore, #tpu.memory_space<semaphore_mem>>) src(%dma_wait3A_67 : memref<8x128xf32, #tpu.memory_space<vmem>>) dst(%dma_wait3A_63 : memref<8x128xf32, #tpu.memory_space<hbm>>)
    %dma_wait3A_68 = arith.constant 0 : i32
    %dma_wait3A_69 = arith.constant 0 : i32
    %dma_wait3A_70 = arith.constant 1 : i32
    %dma_wait3A_71 = arith.constant 0 : i32
    %dma_wait3A_72 = arith.constant 8 : i32
    %dma_wait3A_73 = arith.constant 0 : i32
    %dma_wait3A_74 = tpu.memref_slice %arg8[%dma_wait3A_68, %dma_wait3A_72, %dma_wait3A_73] : memref<2x32x129xf32, #tpu.memory_space<vmem>> -> memref<1x8x128xf32, #tpu.memory_space<vmem>>
    %dma_wait3A_75 = tpu.memref_squeeze %dma_wait3A_74 : memref<1x8x128xf32, #tpu.memory_space<vmem>> -> memref<8x128xf32, #tpu.memory_space<vmem>>
    %dma_wait3A_76 = arith.constant 0 : i32
    %dma_wait3A_77 = arith.constant 0 : i32
    %dma_wait3A_78 = tpu.memref_slice %arg5[%dma_wait3A_69, %dma_wait3A_70, %dma_wait3A_71, %dma_wait3A_76, %dma_wait3A_77] : memref<200x4x32x8x128xf32, #tpu.memory_space<hbm>> -> memref<1x1x1x8x128xf32, #tpu.memory_space<hbm>>
    %dma_wait3A_79 = tpu.memref_squeeze %dma_wait3A_78 : memref<1x1x1x8x128xf32, #tpu.memory_space<hbm>> -> memref<8x128xf32, #tpu.memory_space<hbm>>
    %dma_wait3A_80 = arith.constant 0 : i32
    %dma_wait3A_81 = arith.constant 0 : i32
    %dma_wait3A_82 = tpu.memref_slice %arg5[%dma_wait3A_69, %dma_wait3A_70, %dma_wait3A_71, %dma_wait3A_80, %dma_wait3A_81] : memref<200x4x32x8x128xf32, #tpu.memory_space<hbm>> -> memref<1x1x1x8x128xf32, #tpu.memory_space<hbm>>
    %dma_wait3A_83 = tpu.memref_squeeze %dma_wait3A_82 : memref<1x1x1x8x128xf32, #tpu.memory_space<hbm>> -> memref<8x128xf32, #tpu.memory_space<hbm>>
    %dma_wait3A_84 = arith.constant 8 : i32
    %dma_wait3A_85 = arith.constant 0 : i32
    %dma_wait3A_86 = tpu.memref_slice %arg8[%dma_wait3A_68, %dma_wait3A_84, %dma_wait3A_85] : memref<2x32x129xf32, #tpu.memory_space<vmem>> -> memref<1x8x128xf32, #tpu.memory_space<vmem>>
    %dma_wait3A_87 = tpu.memref_squeeze %dma_wait3A_86 : memref<1x8x128xf32, #tpu.memory_space<vmem>> -> memref<8x128xf32, #tpu.memory_space<vmem>>
    tpu.wait_dma2 semaphore(%arg14 : memref<!tpu.dma_semaphore, #tpu.memory_space<semaphore_mem>>) src(%dma_wait3A_87 : memref<8x128xf32, #tpu.memory_space<vmem>>) dst(%dma_wait3A_83 : memref<8x128xf32, #tpu.memory_space<hbm>>)
    %dma_wait3A_88 = arith.constant 0 : i32
    %dma_wait3A_89 = arith.constant 0 : i32
    %dma_wait3A_90 = arith.constant 2 : i32
    %dma_wait3A_91 = arith.constant 0 : i32
    %dma_wait3A_92 = arith.constant 16 : i32
    %dma_wait3A_93 = arith.constant 0 : i32
    %dma_wait3A_94 = tpu.memref_slice %arg8[%dma_wait3A_88, %dma_wait3A_92, %dma_wait3A_93] : memref<2x32x129xf32, #tpu.memory_space<vmem>> -> memref<1x8x128xf32, #tpu.memory_space<vmem>>
    %dma_wait3A_95 = tpu.memref_squeeze %dma_wait3A_94 : memref<1x8x128xf32, #tpu.memory_space<vmem>> -> memref<8x128xf32, #tpu.memory_space<vmem>>
    %dma_wait3A_96 = arith.constant 0 : i32
    %dma_wait3A_97 = arith.constant 0 : i32
    %dma_wait3A_98 = tpu.memref_slice %arg5[%dma_wait3A_89, %dma_wait3A_90, %dma_wait3A_91, %dma_wait3A_96, %dma_wait3A_97] : memref<200x4x32x8x128xf32, #tpu.memory_space<hbm>> -> memref<1x1x1x8x128xf32, #tpu.memory_space<hbm>>
    %dma_wait3A_99 = tpu.memref_squeeze %dma_wait3A_98 : memref<1x1x1x8x128xf32, #tpu.memory_space<hbm>> -> memref<8x128xf32, #tpu.memory_space<hbm>>
    %dma_wait3A_100 = arith.constant 0 : i32
    %dma_wait3A_101 = arith.constant 0 : i32
    %dma_wait3A_102 = tpu.memref_slice %arg5[%dma_wait3A_89, %dma_wait3A_90, %dma_wait3A_91, %dma_wait3A_100, %dma_wait3A_101] : memref<200x4x32x8x128xf32, #tpu.memory_space<hbm>> -> memref<1x1x1x8x128xf32, #tpu.memory_space<hbm>>
    %dma_wait3A_103 = tpu.memref_squeeze %dma_wait3A_102 : memref<1x1x1x8x128xf32, #tpu.memory_space<hbm>> -> memref<8x128xf32, #tpu.memory_space<hbm>>
    %dma_wait3A_104 = arith.constant 16 : i32
    %dma_wait3A_105 = arith.constant 0 : i32
    %dma_wait3A_106 = tpu.memref_slice %arg8[%dma_wait3A_88, %dma_wait3A_104, %dma_wait3A_105] : memref<2x32x129xf32, #tpu.memory_space<vmem>> -> memref<1x8x128xf32, #tpu.memory_space<vmem>>
    %dma_wait3A_107 = tpu.memref_squeeze %dma_wait3A_106 : memref<1x8x128xf32, #tpu.memory_space<vmem>> -> memref<8x128xf32, #tpu.memory_space<vmem>>
    tpu.wait_dma2 semaphore(%arg14 : memref<!tpu.dma_semaphore, #tpu.memory_space<semaphore_mem>>) src(%dma_wait3A_107 : memref<8x128xf32, #tpu.memory_space<vmem>>) dst(%dma_wait3A_103 : memref<8x128xf32, #tpu.memory_space<hbm>>)
    %dma_wait3A_108 = arith.constant 0 : i32
    %dma_wait3A_109 = arith.constant 0 : i32
    %dma_wait3A_110 = arith.constant 3 : i32
    %dma_wait3A_111 = arith.constant 0 : i32
    %dma_wait3A_112 = arith.constant 24 : i32
    %dma_wait3A_113 = arith.constant 0 : i32
    %dma_wait3A_114 = tpu.memref_slice %arg8[%dma_wait3A_108, %dma_wait3A_112, %dma_wait3A_113] : memref<2x32x129xf32, #tpu.memory_space<vmem>> -> memref<1x8x128xf32, #tpu.memory_space<vmem>>
    %dma_wait3A_115 = tpu.memref_squeeze %dma_wait3A_114 : memref<1x8x128xf32, #tpu.memory_space<vmem>> -> memref<8x128xf32, #tpu.memory_space<vmem>>
    %dma_wait3A_116 = arith.constant 0 : i32
    %dma_wait3A_117 = arith.constant 0 : i32
    %dma_wait3A_118 = tpu.memref_slice %arg5[%dma_wait3A_109, %dma_wait3A_110, %dma_wait3A_111, %dma_wait3A_116, %dma_wait3A_117] : memref<200x4x32x8x128xf32, #tpu.memory_space<hbm>> -> memref<1x1x1x8x128xf32, #tpu.memory_space<hbm>>
    %dma_wait3A_119 = tpu.memref_squeeze %dma_wait3A_118 : memref<1x1x1x8x128xf32, #tpu.memory_space<hbm>> -> memref<8x128xf32, #tpu.memory_space<hbm>>
    %dma_wait3A_120 = arith.constant 0 : i32
    %dma_wait3A_121 = arith.constant 0 : i32
    %dma_wait3A_122 = tpu.memref_slice %arg5[%dma_wait3A_109, %dma_wait3A_110, %dma_wait3A_111, %dma_wait3A_120, %dma_wait3A_121] : memref<200x4x32x8x128xf32, #tpu.memory_space<hbm>> -> memref<1x1x1x8x128xf32, #tpu.memory_space<hbm>>
    %dma_wait3A_123 = tpu.memref_squeeze %dma_wait3A_122 : memref<1x1x1x8x128xf32, #tpu.memory_space<hbm>> -> memref<8x128xf32, #tpu.memory_space<hbm>>
    %dma_wait3A_124 = arith.constant 24 : i32
    %dma_wait3A_125 = arith.constant 0 : i32
    %dma_wait3A_126 = tpu.memref_slice %arg8[%dma_wait3A_108, %dma_wait3A_124, %dma_wait3A_125] : memref<2x32x129xf32, #tpu.memory_space<vmem>> -> memref<1x8x128xf32, #tpu.memory_space<vmem>>
    %dma_wait3A_127 = tpu.memref_squeeze %dma_wait3A_126 : memref<1x8x128xf32, #tpu.memory_space<vmem>> -> memref<8x128xf32, #tpu.memory_space<vmem>>
    tpu.wait_dma2 semaphore(%arg14 : memref<!tpu.dma_semaphore, #tpu.memory_space<semaphore_mem>>) src(%dma_wait3A_127 : memref<8x128xf32, #tpu.memory_space<vmem>>) dst(%dma_wait3A_123 : memref<8x128xf32, #tpu.memory_space<hbm>>)
    %dma_wait3A_128 = arith.constant 1 : i32
    %dma_wait3A_129 = arith.constant 0 : i32
    %dma_wait3A_130 = arith.constant 0 : i32
    %dma_wait3A_131 = arith.constant 0 : i32
    %dma_wait3A_132 = arith.constant 0 : i32
    %dma_wait3A_133 = arith.constant 0 : i32
    %dma_wait3A_134 = tpu.memref_slice %arg8[%dma_wait3A_128, %dma_wait3A_132, %dma_wait3A_133] : memref<2x32x129xf32, #tpu.memory_space<vmem>> -> memref<1x8x128xf32, #tpu.memory_space<vmem>>
    %dma_wait3A_135 = tpu.memref_squeeze %dma_wait3A_134 : memref<1x8x128xf32, #tpu.memory_space<vmem>> -> memref<8x128xf32, #tpu.memory_space<vmem>>
    %dma_wait3A_136 = arith.constant 0 : i32
    %dma_wait3A_137 = arith.constant 0 : i32
    %dma_wait3A_138 = tpu.memref_slice %arg5[%dma_wait3A_129, %dma_wait3A_130, %dma_wait3A_131, %dma_wait3A_136, %dma_wait3A_137] : memref<200x4x32x8x128xf32, #tpu.memory_space<hbm>> -> memref<1x1x1x8x128xf32, #tpu.memory_space<hbm>>
    %dma_wait3A_139 = tpu.memref_squeeze %dma_wait3A_138 : memref<1x1x1x8x128xf32, #tpu.memory_space<hbm>> -> memref<8x128xf32, #tpu.memory_space<hbm>>
    %dma_wait3A_140 = arith.constant 0 : i32
    %dma_wait3A_141 = arith.constant 0 : i32
    %dma_wait3A_142 = tpu.memref_slice %arg5[%dma_wait3A_129, %dma_wait3A_130, %dma_wait3A_131, %dma_wait3A_140, %dma_wait3A_141] : memref<200x4x32x8x128xf32, #tpu.memory_space<hbm>> -> memref<1x1x1x8x128xf32, #tpu.memory_space<hbm>>
    %dma_wait3A_143 = tpu.memref_squeeze %dma_wait3A_142 : memref<1x1x1x8x128xf32, #tpu.memory_space<hbm>> -> memref<8x128xf32, #tpu.memory_space<hbm>>
    %dma_wait3A_144 = arith.constant 0 : i32
    %dma_wait3A_145 = arith.constant 0 : i32
    %dma_wait3A_146 = tpu.memref_slice %arg8[%dma_wait3A_128, %dma_wait3A_144, %dma_wait3A_145] : memref<2x32x129xf32, #tpu.memory_space<vmem>> -> memref<1x8x128xf32, #tpu.memory_space<vmem>>
    %dma_wait3A_147 = tpu.memref_squeeze %dma_wait3A_146 : memref<1x8x128xf32, #tpu.memory_space<vmem>> -> memref<8x128xf32, #tpu.memory_space<vmem>>
    tpu.wait_dma2 semaphore(%arg15 : memref<!tpu.dma_semaphore, #tpu.memory_space<semaphore_mem>>) src(%dma_wait3A_147 : memref<8x128xf32, #tpu.memory_space<vmem>>) dst(%dma_wait3A_143 : memref<8x128xf32, #tpu.memory_space<hbm>>)
    %dma_wait3A_148 = arith.constant 1 : i32
    %dma_wait3A_149 = arith.constant 0 : i32
    %dma_wait3A_150 = arith.constant 1 : i32
    %dma_wait3A_151 = arith.constant 0 : i32
    %dma_wait3A_152 = arith.constant 8 : i32
    %dma_wait3A_153 = arith.constant 0 : i32
    %dma_wait3A_154 = tpu.memref_slice %arg8[%dma_wait3A_148, %dma_wait3A_152, %dma_wait3A_153] : memref<2x32x129xf32, #tpu.memory_space<vmem>> -> memref<1x8x128xf32, #tpu.memory_space<vmem>>
    %dma_wait3A_155 = tpu.memref_squeeze %dma_wait3A_154 : memref<1x8x128xf32, #tpu.memory_space<vmem>> -> memref<8x128xf32, #tpu.memory_space<vmem>>
    %dma_wait3A_156 = arith.constant 0 : i32
    %dma_wait3A_157 = arith.constant 0 : i32
    %dma_wait3A_158 = tpu.memref_slice %arg5[%dma_wait3A_149, %dma_wait3A_150, %dma_wait3A_151, %dma_wait3A_156, %dma_wait3A_157] : memref<200x4x32x8x128xf32, #tpu.memory_space<hbm>> -> memref<1x1x1x8x128xf32, #tpu.memory_space<hbm>>
    %dma_wait3A_159 = tpu.memref_squeeze %dma_wait3A_158 : memref<1x1x1x8x128xf32, #tpu.memory_space<hbm>> -> memref<8x128xf32, #tpu.memory_space<hbm>>
    %dma_wait3A_160 = arith.constant 0 : i32
    %dma_wait3A_161 = arith.constant 0 : i32
    %dma_wait3A_162 = tpu.memref_slice %arg5[%dma_wait3A_149, %dma_wait3A_150, %dma_wait3A_151, %dma_wait3A_160, %dma_wait3A_161] : memref<200x4x32x8x128xf32, #tpu.memory_space<hbm>> -> memref<1x1x1x8x128xf32, #tpu.memory_space<hbm>>
    %dma_wait3A_163 = tpu.memref_squeeze %dma_wait3A_162 : memref<1x1x1x8x128xf32, #tpu.memory_space<hbm>> -> memref<8x128xf32, #tpu.memory_space<hbm>>
    %dma_wait3A_164 = arith.constant 8 : i32
    %dma_wait3A_165 = arith.constant 0 : i32
    %dma_wait3A_166 = tpu.memref_slice %arg8[%dma_wait3A_148, %dma_wait3A_164, %dma_wait3A_165] : memref<2x32x129xf32, #tpu.memory_space<vmem>> -> memref<1x8x128xf32, #tpu.memory_space<vmem>>
    %dma_wait3A_167 = tpu.memref_squeeze %dma_wait3A_166 : memref<1x8x128xf32, #tpu.memory_space<vmem>> -> memref<8x128xf32, #tpu.memory_space<vmem>>
    tpu.wait_dma2 semaphore(%arg15 : memref<!tpu.dma_semaphore, #tpu.memory_space<semaphore_mem>>) src(%dma_wait3A_167 : memref<8x128xf32, #tpu.memory_space<vmem>>) dst(%dma_wait3A_163 : memref<8x128xf32, #tpu.memory_space<hbm>>)
    %dma_wait3A_168 = arith.constant 1 : i32
    %dma_wait3A_169 = arith.constant 0 : i32
    %dma_wait3A_170 = arith.constant 2 : i32
    %dma_wait3A_171 = arith.constant 0 : i32
    %dma_wait3A_172 = arith.constant 16 : i32
    %dma_wait3A_173 = arith.constant 0 : i32
    %dma_wait3A_174 = tpu.memref_slice %arg8[%dma_wait3A_168, %dma_wait3A_172, %dma_wait3A_173] : memref<2x32x129xf32, #tpu.memory_space<vmem>> -> memref<1x8x128xf32, #tpu.memory_space<vmem>>
    %dma_wait3A_175 = tpu.memref_squeeze %dma_wait3A_174 : memref<1x8x128xf32, #tpu.memory_space<vmem>> -> memref<8x128xf32, #tpu.memory_space<vmem>>
    %dma_wait3A_176 = arith.constant 0 : i32
    %dma_wait3A_177 = arith.constant 0 : i32
    %dma_wait3A_178 = tpu.memref_slice %arg5[%dma_wait3A_169, %dma_wait3A_170, %dma_wait3A_171, %dma_wait3A_176, %dma_wait3A_177] : memref<200x4x32x8x128xf32, #tpu.memory_space<hbm>> -> memref<1x1x1x8x128xf32, #tpu.memory_space<hbm>>
    %dma_wait3A_179 = tpu.memref_squeeze %dma_wait3A_178 : memref<1x1x1x8x128xf32, #tpu.memory_space<hbm>> -> memref<8x128xf32, #tpu.memory_space<hbm>>
    %dma_wait3A_180 = arith.constant 0 : i32
    %dma_wait3A_181 = arith.constant 0 : i32
    %dma_wait3A_182 = tpu.memref_slice %arg5[%dma_wait3A_169, %dma_wait3A_170, %dma_wait3A_171, %dma_wait3A_180, %dma_wait3A_181] : memref<200x4x32x8x128xf32, #tpu.memory_space<hbm>> -> memref<1x1x1x8x128xf32, #tpu.memory_space<hbm>>
    %dma_wait3A_183 = tpu.memref_squeeze %dma_wait3A_182 : memref<1x1x1x8x128xf32, #tpu.memory_space<hbm>> -> memref<8x128xf32, #tpu.memory_space<hbm>>
    %dma_wait3A_184 = arith.constant 16 : i32
    %dma_wait3A_185 = arith.constant 0 : i32
    %dma_wait3A_186 = tpu.memref_slice %arg8[%dma_wait3A_168, %dma_wait3A_184, %dma_wait3A_185] : memref<2x32x129xf32, #tpu.memory_space<vmem>> -> memref<1x8x128xf32, #tpu.memory_space<vmem>>
    %dma_wait3A_187 = tpu.memref_squeeze %dma_wait3A_186 : memref<1x8x128xf32, #tpu.memory_space<vmem>> -> memref<8x128xf32, #tpu.memory_space<vmem>>
    tpu.wait_dma2 semaphore(%arg15 : memref<!tpu.dma_semaphore, #tpu.memory_space<semaphore_mem>>) src(%dma_wait3A_187 : memref<8x128xf32, #tpu.memory_space<vmem>>) dst(%dma_wait3A_183 : memref<8x128xf32, #tpu.memory_space<hbm>>)
    %dma_wait3A_188 = arith.constant 1 : i32
    %dma_wait3A_189 = arith.constant 0 : i32
    %dma_wait3A_190 = arith.constant 3 : i32
    %dma_wait3A_191 = arith.constant 0 : i32
    %dma_wait3A_192 = arith.constant 24 : i32
    %dma_wait3A_193 = arith.constant 0 : i32
    %dma_wait3A_194 = tpu.memref_slice %arg8[%dma_wait3A_188, %dma_wait3A_192, %dma_wait3A_193] : memref<2x32x129xf32, #tpu.memory_space<vmem>> -> memref<1x8x128xf32, #tpu.memory_space<vmem>>
    %dma_wait3A_195 = tpu.memref_squeeze %dma_wait3A_194 : memref<1x8x128xf32, #tpu.memory_space<vmem>> -> memref<8x128xf32, #tpu.memory_space<vmem>>
    %dma_wait3A_196 = arith.constant 0 : i32
    %dma_wait3A_197 = arith.constant 0 : i32
    %dma_wait3A_198 = tpu.memref_slice %arg5[%dma_wait3A_189, %dma_wait3A_190, %dma_wait3A_191, %dma_wait3A_196, %dma_wait3A_197] : memref<200x4x32x8x128xf32, #tpu.memory_space<hbm>> -> memref<1x1x1x8x128xf32, #tpu.memory_space<hbm>>
    %dma_wait3A_199 = tpu.memref_squeeze %dma_wait3A_198 : memref<1x1x1x8x128xf32, #tpu.memory_space<hbm>> -> memref<8x128xf32, #tpu.memory_space<hbm>>
    %dma_wait3A_200 = arith.constant 0 : i32
    %dma_wait3A_201 = arith.constant 0 : i32
    %dma_wait3A_202 = tpu.memref_slice %arg5[%dma_wait3A_189, %dma_wait3A_190, %dma_wait3A_191, %dma_wait3A_200, %dma_wait3A_201] : memref<200x4x32x8x128xf32, #tpu.memory_space<hbm>> -> memref<1x1x1x8x128xf32, #tpu.memory_space<hbm>>
    %dma_wait3A_203 = tpu.memref_squeeze %dma_wait3A_202 : memref<1x1x1x8x128xf32, #tpu.memory_space<hbm>> -> memref<8x128xf32, #tpu.memory_space<hbm>>
    %dma_wait3A_204 = arith.constant 24 : i32
    %dma_wait3A_205 = arith.constant 0 : i32
    %dma_wait3A_206 = tpu.memref_slice %arg8[%dma_wait3A_188, %dma_wait3A_204, %dma_wait3A_205] : memref<2x32x129xf32, #tpu.memory_space<vmem>> -> memref<1x8x128xf32, #tpu.memory_space<vmem>>
    %dma_wait3A_207 = tpu.memref_squeeze %dma_wait3A_206 : memref<1x8x128xf32, #tpu.memory_space<vmem>> -> memref<8x128xf32, #tpu.memory_space<vmem>>
    tpu.wait_dma2 semaphore(%arg15 : memref<!tpu.dma_semaphore, #tpu.memory_space<semaphore_mem>>) src(%dma_wait3A_207 : memref<8x128xf32, #tpu.memory_space<vmem>>) dst(%dma_wait3A_203 : memref<8x128xf32, #tpu.memory_space<hbm>>)
    return
  }
}

</mosaic_0001>

<sc_bundles>
// kernel: kernel.3.cloned.1.call-start
scs
__scs_entry_jumppad:
0x0: {  	(pc) =	sbr.rel $0x88, $3  }
0x1: {  	(tag) =	ssettag $0x0;
	lr =	simm.s32 $0x1  }
0x2: {  	[smem:$0x3F9E] =	sst lr;
	_ =	strace $0xD0000000  }
0x3: {  	_ = 	snop  }
0x4: {  	_ = 	snop  }
0x5: {  	_ = 	snop  }
0x6: {  	_ = 	snop  }
0x7: {  	_ = 	snop  }
__scs_overlays_trampoline_lowered:
0x8: {  	[smem:$0x3FAD] =	sst s0  }
0x9: {  	[smem:$0x3FAE] =	sst s1  }
0xa: {  	[smem:$0x3FAF] =	sst s2  }
0xb: {  	[smem:$0x3FB0] =	sst s3  }
0xc: {  	[smem:$0x3FB1] =	sst s4  }
0xd: {  	[smem:$0x3FB2] =	sst s5  }
0xe: {  	[smem:$0x3FB3] =	sst s6  }
0xf: {  	[smem:$0x3FB4] =	sst s7  }
0x10: {  	[smem:$0x3FB5] =	sst s8  }
0x11: {  	[smem:$0x3FB6] =	sst s9;
	s0 =	simm.s32 @!p0 $0x0  }
0x12: {  	s1 =	sld [smem:$0x3F9C];
	s0 =	simm.s32 @p0 $0x1  }
0x13: {  	[smem:$0x3FB7] =	sst s0;
	s0 =	simm.s32 @!p1 $0x0  }
0x14: {  	s2 =	sld [smem:$0x3F9B];
	s0 =	simm.s32 @p1 $0x1  }
0x15: {  	[smem:$0x3FB8] =	sst s0;
	s0 =	simm.s32 @!p2 $0x0  }
0x16: {  	s3 =	sld [smem:$0x3FDB];
	s0 =	simm.s32 @p2 $0x1  }
0x17: {  	s4 =	simm.s32 $0x1BF5;
	[smem:$0x3FBA] =	sst s0  }
0x18: {  	s0 =	sld [smem:$0x3F9D];
	_ =	swait.ge [sflag:s4], $0x0  }
0x19: {  	s7 =	sld [smem:$0x3F9E]  }
0x1a: {  	s8 =	sadd.s32 $0xFFFFE003, lr  }
0x1b: {  	s9 =	sadd.s32 $0xFFFFFEF7, lr;
	s5 =	simm.s32 $0xFFFFFFFF;
	p2 =	slt.u32 s8, $0xFFFFF086  }
0x1c: {  	p1 =	slt.u32 s9, $0xF7A;
	s5 =	simm.s32 @!p2 $0x0  }
0x1d: {  	s5 =	simm.s32 @p1 $0x1;
	p0 =	seq.s32 s7, s2  }
0x1e: {  	s7 =	smul.u32 @!p0 $0xF7A, s2;
	p2 =	seq.s32 @!p0 s5, $0x0  }
0x1f: {  	s9 =	smul.u32 $0xF7A, s1;
	s8 =	simm.s32 @!p0 $0x1BF5;
	p2 =	por !p2, p0  }
0x20: {  	[sflag:s8] =	ssyncset.s32 @!p0 $0xFFFFF086;
	s6 =	sadd.s32 @!p0 s3, s7;
	s7 =	simm.s32 @!p0 $0x108  }
0x21: {  	s3 =	sadd.s32 s3, s9;
	s6 =	sadd.s32 @!p0 $0x88, s6;
	s7 =	simm.s32 @p2 $0x1082  }
0x22: {  	[simem:s7], [sflag:s8] =	dma.local @!p0 [hbm:s6], $0xF7A  }
0x23: {  	s9 =	sor.u32 $0xD0000000, s2;
	s6 =	simm.s32 $0x108;
	_ =	swait.ge @!p0 [sflag:s8], $0x0  }
0x24: {  	s3 =	sadd.s32 $0x88, s3;
	s6 =	simm.s32 @!p1 $0x1082;
	[sflag:s4] =	ssyncset.s32 $0xFFFFF086  }
0x25: {  	[simem:s6], [sflag:s4] =	dma.local [hbm:s3], $0xF7A  }
0x26: {  	[smem:$0x3F9E] =	sst s1;
	(tag) =	ssettag s2;
	_ =	strace s9  }
0x27: {  	s1 =	sld [smem:$0x3FAE]  }
0x28: {  	s2 =	sld [smem:$0x3FAF]  }
0x29: {  	s4 =	sld [smem:$0x3FB1]  }
0x2a: {  	p0 =	seq.s32 s5, $0x0;
	s5 =	sld [smem:$0x3FB2]  }
0x2b: {  	s6 =	sld [smem:$0x3FB3]  }
0x2c: {  	s7 =	sld [smem:$0x3FB4]  }
0x2d: {  	s3 =	simm.s32 $0x108;
	s8 =	sld [smem:$0x3FB5]  }
0x2e: {  	s3 =	simm.s32 @!p0 $0x1082;
	s9 =	sld [smem:$0x3FB6]  }
0x2f: {  	lr =	sadd.s32 s0, s3;
	s0 =	sld [smem:$0x3FAD]  }
0x30: {  	s3 =	sld [smem:$0x3FB0]  }
0x31: {  	[smem:$0x3FB9] =	sst s10  }
0x32: {  	s10 =	sld [smem:$0x3FB7];
	_ =	sdelay $0x3  }
0x33: {  	p0 =	seq.s32 s10, $0x1;
	s10 =	sld [smem:$0x3FB9];
	_ =	sdelay $0x3  }
0x34: {  	[smem:$0x3FB9] =	sst s10  }
0x35: {  	s10 =	sld [smem:$0x3FB8];
	_ =	sdelay $0x3  }
0x36: {  	p1 =	seq.s32 s10, $0x1;
	s10 =	sld [smem:$0x3FB9];
	_ =	sdelay $0x3  }
0x37: {  	[smem:$0x3FB9] =	sst s10  }
0x38: {  	s10 =	sld [smem:$0x3FBA]  }
0x39: {  	_ = 	snop;
	(pc) =	sbr.ind lr, $3  }
0x3a: {  	_ = 	snop  }
0x3b: {  	_ = 	snop  }
0x3c: {  	p2 =	seq.s32 s10, $0x1;
	s10 =	sld [smem:$0x3FB9]  }
0x3d: {  	_ =	shalt  }
0x3e: {  	_ =	shalt  }
0x3f: {  	_ =	shalt  }
0x40: {  	_ =	shalt  }
0x41: {  	_ =	shalt  }
0x42: {  	_ =	shalt  }
0x43: {  	_ =	shalt  }
0x44: {  	_ =	shalt  }
0x45: {  	_ =	shalt  }
0x46: {  	_ =	shalt  }
0x47: {  	_ =	shalt  }
0x48: {  	_ =	shalt  }
0x49: {  	_ =	shalt  }
0x4a: {  	_ =	shalt  }
0x4b: {  	_ =	shalt  }
0x4c: {  	_ =	shalt  }
0x4d: {  	_ =	shalt  }
0x4e: {  	_ =	shalt  }
0x4f: {  	_ =	shalt  }
0x50: {  	_ =	shalt  }
0x51: {  	_ =	shalt  }
0x52: {  	_ =	shalt  }
0x53: {  	_ =	shalt  }
0x54: {  	_ =	shalt  }
0x55: {  	_ =	shalt  }
0x56: {  	_ =	shalt  }
0x57: {  	_ =	shalt  }
0x58: {  	_ =	shalt  }
0x59: {  	_ =	shalt  }
0x5a: {  	_ =	shalt  }
0x5b: {  	_ =	shalt  }
0x5c: {  	_ =	shalt  }
0x5d: {  	_ =	shalt  }
0x5e: {  	_ =	shalt  }
0x5f: {  	_ =	shalt  }
0x60: {  	_ =	shalt  }
0x61: {  	_ =	shalt  }
0x62: {  	_ =	shalt  }
0x63: {  	_ =	shalt  }
0x64: {  	_ =	shalt  }
0x65: {  	_ =	shalt  }
0x66: {  	_ =	shalt  }
0x67: {  	_ =	shalt  }
0x68: {  	_ =	shalt  }
0x69: {  	_ =	shalt  }
0x6a: {  	_ =	shalt  }
0x6b: {  	_ =	shalt  }
0x6c: {  	_ =	shalt  }
0x6d: {  	_ =	shalt  }
0x6e: {  	_ =	shalt  }
0x6f: {  	_ =	shalt  }
0x70: {  	_ =	shalt  }
0x71: {  	_ =	shalt  }
0x72: {  	_ =	shalt  }
0x73: {  	_ =	shalt  }
0x74: {  	_ =	shalt  }
0x75: {  	_ =	shalt  }
0x76: {  	_ =	shalt  }
0x77: {  	_ =	shalt  }
0x78: {  	_ =	shalt  }
0x79: {  	_ =	shalt  }
0x7a: {  	_ =	shalt  }
0x7b: {  	_ =	shalt  }
0x7c: {  	_ =	shalt  }
0x7d: {  	_ =	shalt  }
0x7e: {  	_ =	shalt  }
0x7f: {  	_ =	shalt  }
0x80: {  	_ =	shalt  }
0x81: {  	_ =	shalt  }
0x82: {  	_ =	shalt  }
0x83: {  	_ =	shalt  }
0x84: {  	_ =	shalt  }
0x85: {  	_ =	shalt  }
0x86: {  	_ =	shalt  }
0x87: {  	_ =	shalt  }
.Lfunc_end0:
.L_simem_size_0:
called_computation_lowered:
.L_overlay_start_0:
0x88: {  	s2 =	sld [smem:$0x3FD9]  }
0x89: {  	s3 =	sld [smem:$0x3FFE];
	_ =	sdelay $0x1  }
0x8a: {  	s1 =	srdreg.scid  }
0x8b: {  	s0 =	sand.u32 $0x1, s1  }
0x8c: {  	s17 =	sshll.u32 s0, $0xA;
	s2 =	sadd.s32 s3, s2  }
0x8d: {  	s2 =	sadd.s32 s2, s17  }
0x8e: {  	[smem:$0x3FC5] =	sst s2  }
0x8f: {  	_ = 	snop  }
0x90: {  	s2 =	sld [smem:$0x3FC9]  }
0x91: {  	s18 =	sld [smem:$0x3FD0];
	(tm) =	ssettm $0x1  }
0x92: {  	s4 =	sld [smem:$0x3FFB];
	_ =	sdelay $0x3  }
0x93: {  	_ =	strace s4  }
0x94: {  	s4 =	sld [smem:$0x3FFC];
	_ =	sdelay $0x3  }
0x95: {  	_ =	strace s4  }
0x96: {  	s4 =	sld [smem:$0x3FFD];
	_ =	sdelay $0x3  }
0x97: {  	_ =	strace s4  }
0x98: {  	_ =	strace $0x8FFFFFFF  }
0x99: {  	s19 =	sld [smem:$0x3FDB];
	_ =	sdelay $0x1  }
0x9a: {  	s5 =	simm.s32 $_scs_section_size  }
0x9b: {  	s6 =	simm.s32 $_size__tile_overlayer_lowered;
	s7 =	simm.s32 $_tile_overlayer_lowered  }
0x9c: {  	s22 =	simm.s32 $0x1BFF;
	s21 =	sshll.u32 s7, $0x1;
	s4 =	sadd.s32 s5, s19  }
0x9d: {  	s8 =	simm.s32 $0x0;
	s20 =	sshll.u32 s6, $0x1;
	s6 =	sadd.s32 s21, s4  }
0x9e: {  	[timem:s8], [sflag:s22] =	dma.local [hbm:s6], s20  }
0x9f: {  	_ =	swait.ge [sflag:s22], s20  }
0xa0: {  	s5 =	ssub.s32 $0x0, s20;
	[sflag:s22] =	ssyncset.done $0x0  }
0xa1: {  	[sflag:s22] =	ssyncadd.s32 s5;
	_ =	sdelay $0x1  }
0xa2: {  	s23 =	simm.s32 $0x1B8B  }
0xa3: {  	_ =	swait.ge [sflag:s23], $0x1  }
0xa4: {  	[sflag:s23] =	ssyncset.done $0x0  }
0xa5: {  	s25 =	simm.s32 $0x1B8E;
	s24 =	sld [smem:$0x3FFE];
	[sflag:s23] =	ssyncadd.s32 $0xFFFFFFFF  }
0xa6: {  	s26 =	simm.s32 $execute0_lowered;
	[smem:$0x3FD2] =	sst s25  }
0xa7: {  	s6 =	sshll.u32 s26, $0x1;
	_ =	strace $0x80000046;
	[dreg:$0x1] =	wrdreg $0xFFFFFFFF  }
0xa8: {  	s28 =	simm.s32 $_size_execute0_lowered;
	s4 =	sadd.s32 s4, s6;
	[dreg:$0x0] =	wrdreg $0x0  }
0xa9: {  	s6 =	sshll.u32 s28, $0x1;
	[dreg:$0x2] =	wrdreg s4  }
0xaa: {  	[dreg:$0x3] =	wrdreg s6  }
0xab: {  	[dreg:$0x4] =	wrdreg $0xC0  }
0xac: {  	_ =	task [dreg:s8], $0x5FFFF  }
0xad: {  	[dreg:$0x1] =	wrdreg $0xFFFFFFFF  }
0xae: {  	[dreg:$0x0] =	wrdreg $0x60  }
0xaf: {  	[dreg:$0x2] =	wrdreg s2  }
0xb0: {  	[dreg:$0x3] =	wrdreg s24  }
0xb1: {  	[dreg:$0x4] =	wrdreg s18  }
0xb2: {  	[dreg:$0x5] =	wrdreg $0x9  }
0xb3: {  	_ =	task.clear_ibuf [dreg:s8], $0x6FFFF;
	_ =	strace $0x90000046  }
0xb4: {  	s29 =	simm.s32 $0x9;
	_ =	strace $0x80000048  }
0xb5: {  	_ =	swait.ge [sflag:s29], $0x1  }
0xb6: {  	[sflag:s29] =	ssyncadd.s32 $0xFFFFFFFF  }
0xb7: {  	_ =	strace $0x90000048  }
0xb8: {  	_ =	sfence  }
0xb9: {  	s30 =	sld [smem:$0x0];
	_ =	sdelay $0x2  }
0xba: {  	s31 =	sshll.u32 s1, $0xD;
	s1 =	sshrl.u32 s1, $0x2  }
0xbb: {  	s3 =	sand.u32 $0x4000, s31;
	s1 =	sadd.s32 s1, s30  }
0xbc: {  	s0 =	sor.u32 s3, s0;
	s1 =	sshll.u32 s1, $0x11  }
0xbd: {  	s0 =	sor.u32 s1, s0  }
0xbe: {  	s0 =	sadd.s32 $0x8F2B, s0  }
0xbf: {  	[sflag:s0] =	ssyncadd.remote.s32 $0x1  }
0xc0: {  	_ =	sfence.sel $0xFFFF  }
0xc1: {  	[dreg:$0x0] =	wrdreg $0xFFFFFFFF;
	(pc) =	sbr.abs _section_cstart, $3  }
0xc2: {  	[dreg:$0x1] =	wrdreg $0xFFFFFFFF  }
0xc3: {  	_ =	task.clear_ibuf [dreg:s8], $0x2FFFF;
	_ =	strace $0x9FFFFFFF  }
0xc4: {  	(tm) =	ssettm $0x7FFFFFFF  }
0xc5: {  	_ =	shalt  }
tec
execute0_lowered:
.L_overlay_start_1:
0x0: {  	(tag) =	ssettag $0x1  }
0x1: {  	s0 =	rddreg [dreg:$0x0]  }
0x2: {  	s2 =	rddreg [dreg:$0x1]  }
0x3: {  	s1 =	rddreg [dreg:$0x2];
	s3 =	simm.s32 $0x0;
	s4 =	srdreg.scid  }
0x4: {  	s6 =	stileid.u32;
	s22 =	simm.s32 $0x1;
	s23 =	simm.s32 $0xA400  }
0x5: {  	s12 =	simm.s32 $0x2;
	s13 =	simm.s32 $0x6;
	s15 =	simm.s32 $0xB500  }
0x6: {  	s14 =	simm.s32 $0xC2D0;
	s17 =	simm.s32 $0xC358;
	s21 =	simm.s32 $0xC3E0  }
0x7: {  	s16 =	simm.s32 $0xC468;
	s24 =	simm.s32 $0xC4F0;
	s25 =	simm.s32 $0xC578  }
0x8: {  	v0 =	vlaneseq.u32;
	s26 =	simm.s32 $0x3;
	s28 =	simm.s32 $0x5;
	s29 =	simm.s32 $0x4  }
0x9: {  	v1 =	vimm.s32 $0x0;
	vm0 =	vcmask $0x300;
	[smem:$0x7FF] =	sst s3;
	s5 =	sand.u32 $0x1, s4;
	s6 =	sshll.u32 s6, $0xB;
	v0 =	vmul.u32 $0x88, v0  }
0xa: {  	s4 =	sadd.s32 $0xF42A00, s2;
	s2 =	sadd.s32 $0x600, s2;
	v1 =	vsel vm0, $0x3, v1;
	s7 =	sshll.u32 s5, $0xA  }
0xb: {  	s9 =	sadd.s32 $0x2000, s1;
	s8 =	ssub.s32 $0x2, s5;
	s5 =	sor.u32 s7, s6;
	v2 =	vadd.s32 $0x880, v0;
	v3 =	vor.u32 $0x1, v0;
	v4 =	vadd.s32 $0x881, v0  }
0xc: {  	_ =	strace $0x80000047;
	s30 =	sshrl.u32 s8, $0x1;
	v5 =	vor.u32 $0x2, v0;
	v6 =	vadd.s32 $0x882, v0;
	v7 =	vor.u32 $0x3, v0;
	s6 =	sshrl.u32 s5, $0x3  }
0xd: {  	[dreg:$0x4] =	wrdreg s2;
	v8 =	vadd.s32 $0x883, v0;
	v9 =	vor.u32 $0x4, v0;
	v10 =	vadd.s32 $0x884, v0;
	s2 =	ssub.s32 s8, s30;
	s0 =	sadd.s32 s0, s6  }
0xe: {  	s10 =	sadd.s32 $0x3000, s1;
	v11 =	vor.u32 $0x5, v0;
	v12 =	vadd.s32 $0x885, v0;
	v13 =	vor.u32 $0x6, v0;
	s31 =	smax.u32 s2, $0x1;
	[dreg:$0x5] =	wrdreg s0  }
0xf: {  	v14 =	vadd.s32 $0x886, v0;
	v15 =	vor.u32 $0x7, v0;
	v16 =	vadd.s32 $0x887, v0;
	s8 =	sadd.s32 $0x1000, s1;
	s2 =	simm.s32 $0x0;
	[dreg:$0x6] =	wrdreg s31  }
.LBB2_1:
0x10: {  	[dreg:$0x7] =	wrdreg s2  }
0x11: {  	s0 =	rddreg [dreg:$0x5]  }
0x12: {  	s20 =	simm.s32 $0x400;
	s6 =	simm.s32 $0x8000;
	s31 =	simm.s32 $0x7  }
0x13: {  	[tilespmem:s3], [sflag:$0x7] =	stream.strided.gather [hbm4b:s0+s20], $0x6400, s6, s20, $0x38;
	[tilespmem:$0xDF00] =	vst v63  }
0x14: {  	_ =	swait.ge [sflag:s31], $0x6400  }
0x15: {  	[sflag:s31] =	ssyncset.done $0x0  }
0x16: {  	s7 =	simm.s32 $0xC600;
	s6 =	rddreg [dreg:$0x4];
	[sflag:s31] =	ssyncadd.s32 $0xFFFF9C00  }
0x17: {  	[tilespmem:s7], [sflag:$0x7] =	stream.linear.gather [hbm4b:s6+s3], $0x1900, $0x38;
	[tilespmem:$0xDF00] =	vst v63  }
0x18: {  	_ =	swait.ge [sflag:s31], $0x1900  }
0x19: {  	[sflag:s31] =	ssyncset.done $0x0  }
0x1a: {  	s11 =	simm.s32 $0x80;
	s18 =	simm.s32 $0x6400;
	[sflag:s31] =	ssyncadd.s32 $0xFFFFE700  }
0x1b: {  	[tilespmem:s18], [sflag:$0x1] =	stream.indirect.gather [hbm4b:s4+s11], $0x20, s3, s11, $0xb8;
	[tilespmem:$0xDF00] =	vst v63  }
0x1c: {  	s19 =	simm.s32 $0x7400  }
0x1d: {  	[tilespmem:s19], [sflag:$0x2] =	stream.indirect.gather [hbm4b:s4+s11], $0x20, s11, s11, $0xb8;
	[tilespmem:$0xDF00] =	vst v63  }
0x1e: {  	s30 =	simm.s32 $0x0;
	s20 =	simm.s32 $0x100;
	s31 =	simm.s32 $0x8400  }
0x1f: {  	[tilespmem:s31], [sflag:$0x3] =	stream.indirect.gather [hbm4b:s4+s11], $0x20, s20, s11, $0xb8;
	[tilespmem:$0xDF00] =	vst v63  }
.LBB2_2:
0x20: {  	s31 =	sshllo.u32 s30, $0x2  }
0x21: {  	s2 =	sshll.u32 s30, $0x9;
	s0 =	sshll.u32 s31, $0x7  }
0x22: {  	s2 =	sand.u32 $0x7C00, s2;
	s6 =	sand.u32 $0x380, s0  }
0x23: {  	s20 =	simm.s32 $0x80;
	s7 =	simm.s32 $0x9400;
	s2 =	sor.u32 s6, s2  }
0x24: {  	[tilespmem:s7], [sflag:$0x4] =	stream.indirect.gather [hbm4b:s4+s20], $0x20, s2, s20, $0xb8;
	[tilespmem:$0xDF00] =	vst v63  }
0x25: {  	_ =	swait.ge [sflag:s22], $0x1000  }
0x26: {  	p0 =	seq.s32 s30, $0x0;
	[sflag:s22] =	ssyncset.done $0x0  }
0x27: {  	s2 =	simm.s32 @!p0 $0x5;
	[sflag:s22] =	ssyncadd.s32 $0xFFFFF000  }
0x28: {  	_ =	swait.ge @!p0 [sflag:s2], $0x400  }
0x29: {  	[sflag:s2] =	ssyncset.done @!p0 $0x0  }
0x2a: {  	[sflag:s2] =	ssyncadd.s32 @!p0 $0xFFFFFC00  }
0x2b: {  	_ =	swait.ge @!p0 [sflag:s2], $0x400  }
0x2c: {  	[sflag:s2] =	ssyncset.done @!p0 $0x0  }
0x2d: {  	[sflag:s2] =	ssyncadd.s32 @!p0 $0xFFFFFC00  }
0x2e: {  	_ =	swait.ge @!p0 [sflag:s2], $0x400  }
0x2f: {  	[sflag:s2] =	ssyncset.done @!p0 $0x0  }
0x30: {  	s11 =	sshll.u32 s30, $0x7;
	[sflag:s2] =	ssyncadd.s32 @!p0 $0xFFFFFC00  }
0x31: {  	s18 =	simm.s32 $0x1;
	s19 =	simm.s32 $0x2;
	_ =	swait.ge @!p0 [sflag:s2], $0x400  }
0x32: {  	v20 =	vmov s18;
	s18 =	simm.s32 $0x7;
	v21 =	vmov s19;
	s7 =	simm.s32 $0x0;
	[sflag:s2] =	ssyncset.done @!p0 $0x0  }
0x33: {  	v18 =	vmov s18;
	v20 =	vshrl.u32 v20, $0x3;
	v17 =	vmov s7;
	[sflag:s2] =	ssyncadd.s32 @!p0 $0xFFFFFC00;
	s2 =	sand.u32 $0x3FFFFF80, s11  }
0x34: {  	v21 =	vshrl.u32 v21, $0x3;
	v25 =	vshrl.u32 v18, $0x3;
	v19 =	vshrl.u32 v17, $0x3;
	v17 =	vld [tilespmem:s2+$0xC600]  }
0x35: {  	s18 =	simm.s32 $0x6480;
	v20 =	vshll.u32 v20, v1;
	v21 =	vshll.u32 v21, v1;
	s20 =	simm.s32 $0x3;
	v25 =	vshll.u32 v25, v1;
	v18 =	vld [tilespmem:s2+$0xC610]  }
0x36: {  	v20 =	vbroadcast v20, $0x0;
	v21 =	vbroadcast v21, $0x0;
	v22 =	vmov s20;
	s7 =	simm.s32 $0x4;
	v27 =	vld [tilespmem:s18+$0x60]  }
0x37: {  	v25 =	vbroadcast v25, $0x0;
	v23 =	vmov s7;
	v22 =	vshrl.u32 v22, $0x3;
	v28 =	vld [tilespmem:s18+$0x70]  }
0x38: {  	s19 =	simm.s32 $0x6;
	v33 =	vadd.s32 v3, v20;
	v26 =	vshll.u32 v19, v1;
	v23 =	vshrl.u32 v23, $0x3;
	v29 =	vld [tilespmem:s18+$0xFFFFFF90]  }
0x39: {  	v19 =	vmov s19;
	v30 =	vadd.s32 v15, v25;
	v23 =	vshll.u32 v23, v1;
	v31 =	vld [tilespmem:s18+$0xFFFFFFA0]  }
0x3a: {  	v25 =	vadd.s32 v16, v25;
	v22 =	vshll.u32 v22, v1;
	v23 =	vbroadcast v23, $0x0;
	v32 =	vld [tilespmem:s18+$0xFFFFFFB0]  }
0x3b: {  	v20 =	vadd.s32 v4, v20;
	v19 =	vshrl.u32 v19, $0x3;
	v22 =	vbroadcast v22, $0x0;
	v34 =	vld [tilespmem:s18+$0xFFFFFFC0]  }
0x3c: {  	v36 =	vshll.u32 v19, v1;
	v58 =	vadd.s32 v9, v23;
	v35 =	vld [tilespmem:s18+$0xFFFFFFD0];
	v27 =	vadd.f32 v27, v17  }
0x3d: {  	v37 =	vld [tilespmem:s18+$0xFFFFFFE0];
	v28 =	vadd.f32 v28, v18;
	v19 =	vadd.f32 v29, v18;
	v29 =	vadd.s32 v5, v21  }
0x3e: {  	s11 =	simm.s32 $0x5;
	v21 =	vadd.s32 v6, v21;
	[tilespmem:v30+s23+$0x0] =	vst.idx.msk $0xffff, v27;
	v27 =	vadd.f32 v31, v17;
	v30 =	vld [tilespmem:s18+$0xFFFFFFF0]  }
0x3f: {  	v24 =	vmov s11;
	v31 =	vld [tilespmem:s18+$0x0];
	[tilespmem:v25+s23+$0x0] =	vst.idx.msk $0xffff, v28;
	v25 =	vadd.f32 v32, v18;
	v28 =	vadd.s32 v7, v22  }
0x40: {  	v57 =	vld [tilespmem:s18+$0x10];
	v24 =	vshrl.u32 v24, $0x3;
	v22 =	vadd.s32 v8, v22;
	[tilespmem:v33+s23+$0x0] =	vst.idx.msk $0xffff, v27;
	v27 =	vadd.f32 v34, v17  }
0x41: {  	v59 =	vld [tilespmem:s18+$0x20];
	v24 =	vshll.u32 v24, v1;
	[tilespmem:v20+s23+$0x0] =	vst.idx.msk $0xffff, v25;
	v20 =	vadd.f32 v35, v18  }
0x42: {  	[tilespmem:v29+s23+$0x0] =	vst.idx.msk $0xffff, v27;
	v27 =	vadd.f32 v37, v17;
	v29 =	vadd.s32 v10, v23  }
0x43: {  	v60 =	vld [tilespmem:s18+$0x30];
	v24 =	vbroadcast v24, $0x0;
	[tilespmem:v21+s23+$0x0] =	vst.idx.msk $0xffff, v20;
	v21 =	vadd.f32 v30, v18  }
0x44: {  	[tilespmem:v28+s23+$0x0] =	vst.idx.msk $0xffff, v27;
	v27 =	vadd.f32 v31, v17  }
0x45: {  	v36 =	vbroadcast v36, $0x0;
	v61 =	vld [tilespmem:s18+$0x40];
	v30 =	vadd.s32 v11, v24;
	[tilespmem:v22+s23+$0x0] =	vst.idx.msk $0xffff, v21;
	v21 =	vadd.f32 v57, v18  }
0x46: {  	s19 =	simm.s32 $0x8;
	v38 =	vld [tilespmem:s18+$0x50];
	v62 =	vadd.f32 v59, v17;
	v31 =	vadd.s32 v12, v24;
	[tilespmem:v58+s23+$0x0] =	vst.idx.msk $0xffff, v27  }
0x47: {  	v25 =	vmov s19;
	v23 =	vadd.s32 v13, v36;
	v28 =	vbroadcast v26, $0x0;
	[tilespmem:v29+s23+$0x0] =	vst.idx.msk $0xffff, v21;
	v29 =	vld [tilespmem:s18+$0xFFFFFF80]  }
0x48: {  	s6 =	simm.s32 $0xA;
	s20 =	simm.s32 $0x9;
	v63 =	vadd.f32 v60, v18;
	v20 =	vshrl.u32 v25, $0x3;
	v24 =	vadd.s32 v14, v36  }
0x49: {  	v25 =	vmov s20;
	s20 =	simm.s32 $0xF;
	v26 =	vmov s6;
	v22 =	vadd.s32 v0, v28  }
0x4a: {  	s7 =	simm.s32 $0xB;
	s11 =	simm.s32 $0xC;
	v32 =	vmov s20;
	v21 =	vadd.s32 v2, v28;
	[tilespmem:v30+s23+$0x0] =	vst.idx.msk $0xffff, v62;
	v30 =	vadd.f32 v61, v17  }
0x4b: {  	s2 =	sshll.u32 s30, $0x2;
	s6 =	simm.s32 $0xD;
	s20 =	simm.s32 $0x10;
	v27 =	vmov s7;
	v28 =	vmov s11;
	[tilespmem:v31+s23+$0x0] =	vst.idx.msk $0xffff, v63;
	v31 =	vadd.f32 v38, v18  }
.LBB2_3:
0x4c: {  	p1 =	slt.u32 s20, $0x78;
	v33 =	vmov s6;
	s6 =	sadd.s32 $0x6, s19;
	v32 =	vshrl.u32 v32, $0x3;
	v29 =	vadd.f32 v29, v17;
	[tilespmem:v23+s23+$0x0] =	vst.idx.msk $0xffff, v30;
	s19 =	smov.u32 s20  }
0x4d: {  	v23 =	vshll.u32 v20, v1;
	s18 =	sadd.s32 $0x100, s18;
	v20 =	vmov s6;
	v30 =	vshll.u32 v32, v1;
	[tilespmem:v24+s23+$0x0] =	vst.idx.msk $0xffff, v31  }
0x4e: {  	v24 =	vshrl.u32 v25, $0x3;
	v25 =	vshrl.u32 v26, $0x3;
	v26 =	vld [tilespmem:s18+$0x60];
	v30 =	vbroadcast v30, $0x0;
	[tilespmem:v22+s23+$0x0] =	vst.idx.msk $0xffff, v29  }
0x4f: {  	v22 =	vshrl.u32 v27, $0x3;
	v27 =	vshrl.u32 v28, $0x3;
	v28 =	vshrl.u32 v33, $0x3;
	v29 =	vld [tilespmem:s18+$0x70];
	[tilespmem:v21+s23+$0x0] =	vst.idx.msk $0xffff, v19  }
0x50: {  	v20 =	vshrl.u32 v20, $0x3;
	v21 =	vshll.u32 v24, v1;
	v19 =	vld [tilespmem:s18+$0xFFFFFF90];
	v24 =	vadd.s32 v15, v30  }
0x51: {  	v25 =	vshll.u32 v25, v1;
	v21 =	vbroadcast v21, $0x0;
	v30 =	vadd.s32 v16, v30;
	v31 =	vld [tilespmem:s18+$0xFFFFFFA0]  }
0x52: {  	v22 =	vshll.u32 v22, v1;
	v27 =	vshll.u32 v27, v1;
	v28 =	vshll.u32 v28, v1;
	v32 =	vld [tilespmem:s18+$0xFFFFFFB0]  }
0x53: {  	v25 =	vbroadcast v25, $0x0;
	v33 =	vadd.s32 v3, v21;
	v34 =	vld [tilespmem:s18+$0xFFFFFFC0];
	v26 =	vadd.f32 v26, v17  }
0x54: {  	v20 =	vshll.u32 v20, v1;
	v21 =	vadd.s32 v4, v21;
	v35 =	vld [tilespmem:s18+$0xFFFFFFD0];
	v29 =	vadd.f32 v29, v18  }
0x55: {  	v22 =	vbroadcast v22, $0x0;
	v36 =	vadd.s32 v5, v25;
	v19 =	vadd.f32 v19, v18;
	v37 =	vld [tilespmem:s18+$0xFFFFFFE0];
	[tilespmem:v24+s23+$0x0] =	vst.idx.msk $0xffff, v26  }
0x56: {  	v25 =	vadd.s32 v6, v25;
	v24 =	vadd.f32 v31, v17;
	v26 =	vld [tilespmem:s18+$0xFFFFFFF0];
	[tilespmem:v30+s23+$0x0] =	vst.idx.msk $0xffff, v29  }
0x57: {  	v27 =	vbroadcast v27, $0x0;
	v30 =	vadd.s32 v7, v22;
	v29 =	vadd.f32 v32, v18;
	v31 =	vld [tilespmem:s18+$0x0]  }
0x58: {  	v22 =	vadd.s32 v8, v22;
	[tilespmem:v33+s23+$0x0] =	vst.idx.msk $0xffff, v24;
	v24 =	vadd.f32 v34, v17;
	v32 =	vld [tilespmem:s18+$0x10]  }
0x59: {  	v28 =	vbroadcast v28, $0x0;
	v33 =	vadd.s32 v9, v27;
	[tilespmem:v21+s23+$0x0] =	vst.idx.msk $0xffff, v29;
	v21 =	vadd.f32 v35, v18;
	v34 =	vld [tilespmem:s18+$0x20]  }
0x5a: {  	v27 =	vadd.s32 v10, v27;
	v29 =	vmov s20;
	[tilespmem:v36+s23+$0x0] =	vst.idx.msk $0xffff, v24;
	v24 =	vadd.f32 v37, v17;
	v35 =	vld [tilespmem:s18+$0x30]  }
0x5b: {  	v36 =	vadd.s32 v11, v28;
	[tilespmem:v25+s23+$0x0] =	vst.idx.msk $0xffff, v21;
	v21 =	vadd.f32 v26, v18;
	v37 =	vld [tilespmem:s18+$0x40];
	v26 =	vbroadcast v20, $0x0  }
0x5c: {  	v20 =	vshrl.u32 v29, $0x3;
	[tilespmem:v30+s23+$0x0] =	vst.idx.msk $0xffff, v24;
	v24 =	vadd.f32 v31, v17;
	v31 =	vadd.s32 v12, v28;
	v38 =	vld [tilespmem:s18+$0x50]  }
.Ltmp0:
0x5d: {  	s6 =	sadd.s32 $0x1, s20;
	v28 =	vbroadcast v23, $0x0;
	v29 =	vld [tilespmem:s18+$0xFFFFFF80];
	[tilespmem:v22+s23+$0x0] =	vst.idx.msk $0xffff, v21;
	v21 =	vadd.f32 v32, v18;
	v23 =	vadd.s32 v13, v26;
	(pc) =	sbr.rel @p1 .LBB2_3-.Ltmp0, $4  }
0x5e: {  	v25 =	vmov s6;
	s6 =	sadd.s32 $0x2, s20;
	[tilespmem:v33+s23+$0x0] =	vst.idx.msk $0xffff, v24;
	v30 =	vadd.f32 v34, v17;
	v24 =	vadd.s32 v14, v26  }
0x5f: {  	v26 =	vmov s6;
	s6 =	sadd.s32 $0x3, s20;
	v22 =	vadd.s32 v0, v28;
	[tilespmem:v27+s23+$0x0] =	vst.idx.msk $0xffff, v21;
	v33 =	vadd.f32 v35, v18  }
0x60: {  	s7 =	sadd.s32 $0x7, s20;
	v27 =	vmov s6;
	s6 =	sadd.s32 $0x4, s20;
	v21 =	vadd.s32 v2, v28;
	[tilespmem:v36+s23+$0x0] =	vst.idx.msk $0xffff, v30;
	v30 =	vadd.f32 v37, v17  }
0x61: {  	v32 =	vmov s7;
	s20 =	sadd.s32 $0x8, s20;
	v28 =	vmov s6;
	s6 =	sadd.s32 $0x5, s19;
	[tilespmem:v31+s23+$0x0] =	vst.idx.msk $0xffff, v33;
	v31 =	vadd.f32 v38, v18  }
0x62: {  	v33 =	vmov s6;
	v32 =	vshrl.u32 v32, $0x3;
	v29 =	vadd.f32 v29, v17  }
0x63: {  	v20 =	vshll.u32 v20, v1;
	v25 =	vshrl.u32 v25, $0x3;
	v26 =	vshrl.u32 v26, $0x3  }
0x64: {  	s11 =	sadd.s32 $0x6, s19;
	s18 =	sadd.s32 $0x100, s18;
	v27 =	vshrl.u32 v27, $0x3;
	v28 =	vshrl.u32 v28, $0x3;
	v32 =	vshll.u32 v32, v1  }
0x65: {  	v34 =	vmov s11;
	v35 =	vld [tilespmem:s18+$0x60];
	v25 =	vshll.u32 v25, v1;
	v32 =	vbroadcast v32, $0x0  }
0x66: {  	[tilespmem:v23+s23+$0x0] =	vst.idx.msk $0xffff, v30;
	v55 =	vshrl.u32 v33, $0x3;
	v59 =	vld [tilespmem:s18+$0xFFFFFFA0];
	v26 =	vshll.u32 v26, v1;
	v25 =	vbroadcast v25, $0x0  }
0x67: {  	v56 =	vld [tilespmem:s18+$0x70];
	v27 =	vshll.u32 v27, v1;
	v28 =	vshll.u32 v28, v1;
	v58 =	vadd.s32 v15, v32  }
0x68: {  	[tilespmem:v24+s23+$0x0] =	vst.idx.msk $0xffff, v31;
	v63 =	vld [tilespmem:s18+$0xFFFFFFC0];
	v57 =	vshrl.u32 v34, $0x3;
	v26 =	vbroadcast v26, $0x0;
	v62 =	vadd.s32 v3, v25  }
0x69: {  	v60 =	vld [tilespmem:s18+$0xFFFFFFB0];
	[tilespmem:v22+s23+$0x0] =	vst.idx.msk $0xffff, v29;
	v61 =	vshll.u32 v55, v1;
	v27 =	vbroadcast v27, $0x0;
	v32 =	vadd.s32 v16, v32  }
0x6a: {  	v39 =	vld [tilespmem:s18+$0xFFFFFFE0];
	v33 =	vshll.u32 v57, v1;
	v38 =	vadd.s32 v5, v26;
	v35 =	vadd.f32 v35, v17  }
0x6b: {  	v36 =	vld [tilespmem:s18+$0xFFFFFFD0];
	[tilespmem:v21+s23+$0x0] =	vst.idx.msk $0xffff, v19;
	v25 =	vadd.s32 v4, v25;
	v40 =	vadd.f32 v59, v17  }
0x6c: {  	v43 =	vld [tilespmem:s18+$0x0];
	v28 =	vbroadcast v28, $0x0;
	v42 =	vadd.s32 v7, v27;
	v19 =	vadd.f32 v56, v18;
	[tilespmem:v58+s23+$0x0] =	vst.idx.msk $0xffff, v35  }
0x6d: {  	v41 =	vld [tilespmem:s18+$0xFFFFFFF0];
	v26 =	vadd.s32 v6, v26;
	v44 =	vadd.f32 v63, v17;
	[tilespmem:v62+s23+$0x0] =	vst.idx.msk $0xffff, v40  }
0x6e: {  	v48 =	vld [tilespmem:s18+$0x20];
	v22 =	vbroadcast v61, $0x0;
	v47 =	vadd.s32 v9, v28;
	[tilespmem:v32+s23+$0x0] =	vst.idx.msk $0xffff, v19;
	v19 =	vadd.f32 v60, v18  }
0x6f: {  	v46 =	vld [tilespmem:s18+$0x10];
	v45 =	vadd.s32 v8, v27;
	v49 =	vadd.f32 v39, v17;
	[tilespmem:v38+s23+$0x0] =	vst.idx.msk $0xffff, v44  }
0x70: {  	v53 =	vld [tilespmem:s18+$0x40];
	v54 =	vbroadcast v33, $0x0;
	v52 =	vadd.s32 v11, v22;
	[tilespmem:v25+s23+$0x0] =	vst.idx.msk $0xffff, v19;
	v19 =	vadd.f32 v36, v18  }
0x71: {  	v51 =	vld [tilespmem:s18+$0x30];
	v50 =	vadd.s32 v10, v28;
	v55 =	vadd.f32 v43, v17;
	[tilespmem:v42+s23+$0x0] =	vst.idx.msk $0xffff, v49  }
0x72: {  	v20 =	vbroadcast v20, $0x0;
	v57 =	vld [tilespmem:s18+$0xFFFFFF80];
	v58 =	vadd.s32 v13, v54;
	[tilespmem:v26+s23+$0x0] =	vst.idx.msk $0xffff, v19;
	v19 =	vadd.f32 v41, v18  }
0x73: {  	v22 =	vadd.s32 v12, v22;
	v56 =	vld [tilespmem:s18+$0x50];
	[tilespmem:v47+s23+$0x0] =	vst.idx.msk $0xffff, v55;
	v60 =	vadd.f32 v48, v17  }
0x74: {  	v59 =	vld [tilespmem:s18+$0xFFFFFF90];
	v62 =	vadd.s32 v0, v20;
	[tilespmem:v45+s23+$0x0] =	vst.idx.msk $0xffff, v19;
	v19 =	vadd.f32 v46, v18  }
0x75: {  	v61 =	vadd.s32 v14, v54;
	v63 =	vadd.f32 v53, v17;
	[tilespmem:v52+s23+$0x0] =	vst.idx.msk $0xffff, v60  }
0x76: {  	v20 =	vadd.s32 v2, v20;
	[tilespmem:v50+s23+$0x0] =	vst.idx.msk $0xffff, v19;
	v19 =	vadd.f32 v51, v18  }
0x77: {  	v17 =	vadd.f32 v57, v17;
	[tilespmem:v58+s23+$0x0] =	vst.idx.msk $0xffff, v63  }
0x78: {  	s19 =	sshll.u32 s30, $0x13;
	[tilespmem:v22+s23+$0x0] =	vst.idx.msk $0xffff, v19;
	v19 =	vadd.f32 v56, v18  }
0x79: {  	s6 =	sor.u32 s5, s19;
	[tilespmem:v62+s23+$0x0] =	vst.idx.msk $0xffff, v17;
	v18 =	vadd.f32 v59, v18  }
0x7a: {  	s6 =	sshrl.u32 s6, $0x3;
	[tilespmem:v61+s23+$0x0] =	vst.idx.msk $0xffff, v19  }
0x7b: {  	s7 =	sadd.s32 s1, s6;
	[tilespmem:v20+s23+$0x0] =	vst.idx.msk $0xffff, v18  }
0x7c: {  	[hbm4b:s7+s3] =	stream.linear.scatter [tilespmem:s23], [sflag:$0x5], $0x80, $0x38;
	[tilespmem:$0xDF00] =	vst v63  }
0x7d: {  	s11 =	simm.s32 $0xA488;
	s20 =	sadd.s32 $0x10, s7  }
0x7e: {  	[hbm4b:s20+s3] =	stream.linear.scatter [tilespmem:s11], [sflag:$0x5], $0x80, $0x38;
	[tilespmem:$0xDF00] =	vst v63  }
0x7f: {  	s19 =	sadd.s32 $0x20, s7;
	s20 =	simm.s32 $0xA510  }
0x80: {  	[hbm4b:s19+s3] =	stream.linear.scatter [tilespmem:s20], [sflag:$0x5], $0x80, $0x38;
	[tilespmem:$0xDF00] =	vst v63  }
0x81: {  	s19 =	sadd.s32 $0x30, s7;
	s20 =	simm.s32 $0xA598  }
0x82: {  	[hbm4b:s19+s3] =	stream.linear.scatter [tilespmem:s20], [sflag:$0x5], $0x80, $0x38;
	[tilespmem:$0xDF00] =	vst v63  }
0x83: {  	s19 =	sadd.s32 $0x40, s7;
	s20 =	simm.s32 $0xA620  }
0x84: {  	[hbm4b:s19+s3] =	stream.linear.scatter [tilespmem:s20], [sflag:$0x5], $0x80, $0x38;
	[tilespmem:$0xDF00] =	vst v63  }
0x85: {  	s19 =	sadd.s32 $0x50, s7;
	s20 =	simm.s32 $0xA6A8  }
0x86: {  	[hbm4b:s19+s3] =	stream.linear.scatter [tilespmem:s20], [sflag:$0x5], $0x80, $0x38;
	[tilespmem:$0xDF00] =	vst v63  }
0x87: {  	s11 =	sadd.s32 $0x60, s7;
	s19 =	simm.s32 $0xA730  }
0x88: {  	[hbm4b:s11+s3] =	stream.linear.scatter [tilespmem:s19], [sflag:$0x5], $0x80, $0x38;
	[tilespmem:$0xDF00] =	vst v63  }
0x89: {  	s7 =	sadd.s32 $0x70, s7;
	s20 =	simm.s32 $0xA7B8  }
0x8a: {  	[hbm4b:s7+s3] =	stream.linear.scatter [tilespmem:s20], [sflag:$0x5], $0x80, $0x38;
	[tilespmem:$0xDF00] =	vst v63  }
0x8b: {  	s18 =	simm.s32 $0xA840;
	s7 =	sadd.s32 s6, s8  }
0x8c: {  	[hbm4b:s7+s3] =	stream.linear.scatter [tilespmem:s18], [sflag:$0x5], $0x80, $0x38;
	[tilespmem:$0xDF00] =	vst v63  }
0x8d: {  	s20 =	simm.s32 $0xA8C8;
	s19 =	sadd.s32 $0x10, s7  }
0x8e: {  	[hbm4b:s19+s3] =	stream.linear.scatter [tilespmem:s20], [sflag:$0x5], $0x80, $0x38;
	[tilespmem:$0xDF00] =	vst v63  }
0x8f: {  	s19 =	sadd.s32 $0x20, s7;
	s20 =	simm.s32 $0xA950  }
0x90: {  	[hbm4b:s19+s3] =	stream.linear.scatter [tilespmem:s20], [sflag:$0x5], $0x80, $0x38;
	[tilespmem:$0xDF00] =	vst v63  }
0x91: {  	s19 =	sadd.s32 $0x30, s7;
	s20 =	simm.s32 $0xA9D8  }
0x92: {  	[hbm4b:s19+s3] =	stream.linear.scatter [tilespmem:s20], [sflag:$0x5], $0x80, $0x38;
	[tilespmem:$0xDF00] =	vst v63  }
0x93: {  	s19 =	sadd.s32 $0x40, s7;
	s20 =	simm.s32 $0xAA60  }
0x94: {  	[hbm4b:s19+s3] =	stream.linear.scatter [tilespmem:s20], [sflag:$0x5], $0x80, $0x38;
	[tilespmem:$0xDF00] =	vst v63  }
0x95: {  	s19 =	sadd.s32 $0x50, s7;
	s20 =	simm.s32 $0xAAE8  }
0x96: {  	[hbm4b:s19+s3] =	stream.linear.scatter [tilespmem:s20], [sflag:$0x5], $0x80, $0x38;
	[tilespmem:$0xDF00] =	vst v63  }
0x97: {  	s11 =	sadd.s32 $0x60, s7;
	s19 =	simm.s32 $0xAB70  }
0x98: {  	[hbm4b:s11+s3] =	stream.linear.scatter [tilespmem:s19], [sflag:$0x5], $0x80, $0x38;
	[tilespmem:$0xDF00] =	vst v63  }
0x99: {  	s7 =	sadd.s32 $0x70, s7;
	s20 =	simm.s32 $0xABF8  }
0x9a: {  	[hbm4b:s7+s3] =	stream.linear.scatter [tilespmem:s20], [sflag:$0x5], $0x80, $0x38;
	[tilespmem:$0xDF00] =	vst v63  }
0x9b: {  	s18 =	simm.s32 $0xAC80;
	s7 =	sadd.s32 s6, s9  }
0x9c: {  	[hbm4b:s7+s3] =	stream.linear.scatter [tilespmem:s18], [sflag:$0x5], $0x80, $0x38;
	[tilespmem:$0xDF00] =	vst v63  }
0x9d: {  	s20 =	simm.s32 $0xAD08;
	s19 =	sadd.s32 $0x10, s7  }
0x9e: {  	[hbm4b:s19+s3] =	stream.linear.scatter [tilespmem:s20], [sflag:$0x5], $0x80, $0x38;
	[tilespmem:$0xDF00] =	vst v63  }
0x9f: {  	s19 =	sadd.s32 $0x20, s7;
	s20 =	simm.s32 $0xAD90  }
0xa0: {  	[hbm4b:s19+s3] =	stream.linear.scatter [tilespmem:s20], [sflag:$0x5], $0x80, $0x38;
	[tilespmem:$0xDF00] =	vst v63  }
0xa1: {  	s19 =	sadd.s32 $0x30, s7;
	s20 =	simm.s32 $0xAE18  }
0xa2: {  	[hbm4b:s19+s3] =	stream.linear.scatter [tilespmem:s20], [sflag:$0x5], $0x80, $0x38;
	[tilespmem:$0xDF00] =	vst v63  }
0xa3: {  	s19 =	sadd.s32 $0x40, s7;
	s20 =	simm.s32 $0xAEA0  }
0xa4: {  	[hbm4b:s19+s3] =	stream.linear.scatter [tilespmem:s20], [sflag:$0x5], $0x80, $0x38;
	[tilespmem:$0xDF00] =	vst v63  }
0xa5: {  	s19 =	sadd.s32 $0x50, s7;
	s20 =	simm.s32 $0xAF28  }
0xa6: {  	[hbm4b:s19+s3] =	stream.linear.scatter [tilespmem:s20], [sflag:$0x5], $0x80, $0x38;
	[tilespmem:$0xDF00] =	vst v63  }
0xa7: {  	s11 =	sadd.s32 $0x60, s7;
	s19 =	simm.s32 $0xAFB0  }
0xa8: {  	[hbm4b:s11+s3] =	stream.linear.scatter [tilespmem:s19], [sflag:$0x5], $0x80, $0x38;
	[tilespmem:$0xDF00] =	vst v63  }
0xa9: {  	s7 =	sadd.s32 $0x70, s7;
	s20 =	simm.s32 $0xB038  }
0xaa: {  	[hbm4b:s7+s3] =	stream.linear.scatter [tilespmem:s20], [sflag:$0x5], $0x80, $0x38;
	[tilespmem:$0xDF00] =	vst v63  }
0xab: {  	s6 =	sadd.s32 s6, s10;
	s18 =	simm.s32 $0xB0C0  }
0xac: {  	[hbm4b:s6+s3] =	stream.linear.scatter [tilespmem:s18], [sflag:$0x5], $0x80, $0x38;
	[tilespmem:$0xDF00] =	vst v63  }
0xad: {  	s19 =	sadd.s32 $0x10, s6;
	s20 =	simm.s32 $0xB148  }
0xae: {  	[hbm4b:s19+s3] =	stream.linear.scatter [tilespmem:s20], [sflag:$0x5], $0x80, $0x38;
	[tilespmem:$0xDF00] =	vst v63  }
0xaf: {  	s11 =	sadd.s32 $0x20, s6;
	s18 =	simm.s32 $0xB1D0  }
0xb0: {  	[hbm4b:s11+s3] =	stream.linear.scatter [tilespmem:s18], [sflag:$0x5], $0x80, $0x38;
	[tilespmem:$0xDF00] =	vst v63  }
0xb1: {  	s19 =	sadd.s32 $0x30, s6;
	s20 =	simm.s32 $0xB258  }
0xb2: {  	[hbm4b:s19+s3] =	stream.linear.scatter [tilespmem:s20], [sflag:$0x5], $0x80, $0x38;
	[tilespmem:$0xDF00] =	vst v63  }
0xb3: {  	s11 =	sadd.s32 $0x40, s6;
	s18 =	simm.s32 $0xB2E0  }
0xb4: {  	[hbm4b:s11+s3] =	stream.linear.scatter [tilespmem:s18], [sflag:$0x5], $0x80, $0x38;
	[tilespmem:$0xDF00] =	vst v63  }
0xb5: {  	p1 =	sne.s32 s30, $0x31;
	s19 =	sadd.s32 $0x50, s6;
	s20 =	simm.s32 $0xB368  }
0xb6: {  	[hbm4b:s19+s3] =	stream.linear.scatter [tilespmem:s20], [sflag:$0x5], $0x80, $0x38;
	[tilespmem:$0xDF00] =	vst v63  }
.Ltmp1:
0xb7: {  	_ = 	snop;
	(pc) =	sbr.rel @p1 .LBB2_6-.Ltmp1, $4  }
0xb8: {  	s18 =	sadd.s32 $0x60, s6;
	s19 =	simm.s32 $0xB3F0  }
0xb9: {  	[hbm4b:s18+s3] =	stream.linear.scatter [tilespmem:s19], [sflag:$0x5], $0x80, $0x38;
	[tilespmem:$0xDF00] =	vst v63  }
0xba: {  	s6 =	sadd.s32 $0x70, s6;
	s20 =	simm.s32 $0xB478  }
0xbb: {  	[hbm4b:s6+s3] =	stream.linear.scatter [tilespmem:s20], [sflag:$0x5], $0x80, $0x38;
	[tilespmem:$0xDF00] =	vst v63  }
.Ltmp2:
0xbc: {  	(pc) =	sbr.rel .LBB2_7-.Ltmp2, $4  }
0xbd: {  	_ = 	snop  }
0xbe: {  	_ =	swait.ge [sflag:s12], $0x1000  }
0xbf: {  	[sflag:s12] =	ssyncset.done $0x0  }
0xc0: {  	[sflag:s12] =	ssyncadd.s32 $0xFFFFF000  }
.LBB2_6:
0xc1: {  	s6 =	sshll.u32 s2, $0x7  }
0xc2: {  	s7 =	simm.s32 $0x80;
	s6 =	sadd.s32 $0x200, s6  }
.Ltmp3:
0xc3: {  	s11 =	simm.s32 $0x6400;
	s6 =	sand.u32 $0xFE00, s6;
	(pc) =	sbr.rel @p0 .LBB2_8-.Ltmp3, $4  }
0xc4: {  	[tilespmem:s11], [sflag:$0x1] =	stream.indirect.gather [hbm4b:s4+s7], $0x20, s6, s7, $0xb8;
	[tilespmem:$0xDF00] =	vst v63  }
0xc5: {  	_ =	swait.ge [sflag:s12], $0x1000  }
0xc6: {  	[sflag:s12] =	ssyncset.done $0x0  }
0xc7: {  	[sflag:s12] =	ssyncadd.s32 $0xFFFFF000  }
.LBB2_7:
0xc8: {  	_ =	swait.ge [sflag:s13], $0x400  }
0xc9: {  	[sflag:s13] =	ssyncset.done $0x0  }
0xca: {  	[sflag:s13] =	ssyncadd.s32 $0xFFFFFC00  }
0xcb: {  	_ =	swait.ge [sflag:s13], $0x400  }
0xcc: {  	[sflag:s13] =	ssyncset.done $0x0  }
0xcd: {  	[sflag:s13] =	ssyncadd.s32 $0xFFFFFC00  }
0xce: {  	_ =	swait.ge [sflag:s13], $0x400  }
0xcf: {  	[sflag:s13] =	ssyncset.done $0x0  }
0xd0: {  	[sflag:s13] =	ssyncadd.s32 $0xFFFFFC00  }
0xd1: {  	_ =	swait.ge [sflag:s13], $0x400  }
0xd2: {  	[sflag:s13] =	ssyncset.done $0x0  }
0xd3: {  	[sflag:s13] =	ssyncadd.s32 $0xFFFFFC00  }
.LBB2_8:
0xd4: {  	s18 =	sor.u32 $0x1, s2  }
0xd5: {  	s6 =	simm.s32 $0x0;
	s20 =	simm.s32 $0x1;
	s11 =	simm.s32 $0x2  }
0xd6: {  	s19 =	simm.s32 $0x3;
	s7 =	sshll.u32 s18, $0x5;
	v17 =	vmov s6;
	v20 =	vmov s20;
	s20 =	simm.s32 $0x7;
	v21 =	vmov s11  }
0xd7: {  	v22 =	vmov s19;
	s19 =	simm.s32 $0x4;
	s11 =	simm.s32 $0x5;
	v19 =	vshrl.u32 v17, $0x3;
	s7 =	sand.u32 $0x3FFFFFE0, s7;
	v18 =	vmov s20  }
0xd8: {  	v23 =	vmov s19;
	v24 =	vmov s11;
	v20 =	vshrl.u32 v20, $0x3;
	v17 =	vld [tilespmem:s7+$0xC600]  }
0xd9: {  	s20 =	simm.s32 $0x6;
	s19 =	simm.s32 $0x74F0;
	v21 =	vshrl.u32 v21, $0x3;
	v22 =	vshrl.u32 v22, $0x3;
	v25 =	vshrl.u32 v18, $0x3;
	v18 =	vld [tilespmem:s7+$0xC610]  }
0xda: {  	v26 =	vshll.u32 v19, v1;
	v19 =	vmov s20;
	v27 =	vld [tilespmem:s19+$0xFFFFFFF0];
	v25 =	vshll.u32 v25, v1  }
0xdb: {  	v23 =	vshrl.u32 v23, $0x3;
	v24 =	vshrl.u32 v24, $0x3;
	v28 =	vld [tilespmem:s19+$0x0];
	v25 =	vbroadcast v25, $0x0  }
0xdc: {  	v29 =	vld [tilespmem:s19+$0xFFFFFF20];
	v20 =	vshll.u32 v20, v1;
	v21 =	vshll.u32 v21, v1;
	v22 =	vshll.u32 v22, v1  }
0xdd: {  	v31 =	vld [tilespmem:s19+$0xFFFFFF30];
	v19 =	vshrl.u32 v19, $0x3;
	v20 =	vbroadcast v20, $0x0;
	v30 =	vadd.s32 v15, v25  }
0xde: {  	v32 =	vld [tilespmem:s19+$0xFFFFFF40];
	v23 =	vshll.u32 v23, v1;
	v24 =	vshll.u32 v24, v1;
	v25 =	vadd.s32 v16, v25  }
0xdf: {  	v34 =	vld [tilespmem:s19+$0xFFFFFF50];
	v21 =	vbroadcast v21, $0x0;
	v22 =	vbroadcast v22, $0x0;
	v33 =	vadd.s32 v3, v20  }
0xe0: {  	v35 =	vld [tilespmem:s19+$0xFFFFFF60];
	v36 =	vshll.u32 v19, v1;
	v20 =	vadd.s32 v4, v20;
	v27 =	vadd.f32 v27, v17  }
0xe1: {  	v37 =	vld [tilespmem:s19+$0xFFFFFF70];
	v28 =	vadd.f32 v28, v18;
	v19 =	vadd.f32 v29, v18;
	v29 =	vadd.s32 v5, v21  }
0xe2: {  	v21 =	vadd.s32 v6, v21;
	[tilespmem:v30+s15+$0x0] =	vst.idx.msk $0xffff, v27;
	v27 =	vadd.f32 v31, v17;
	v30 =	vld [tilespmem:s19+$0xFFFFFF80]  }
0xe3: {  	v23 =	vbroadcast v23, $0x0;
	v31 =	vld [tilespmem:s19+$0xFFFFFF90];
	[tilespmem:v25+s15+$0x0] =	vst.idx.msk $0xffff, v28;
	v25 =	vadd.f32 v32, v18;
	v28 =	vadd.s32 v7, v22  }
0xe4: {  	v57 =	vld [tilespmem:s19+$0xFFFFFFA0];
	v22 =	vadd.s32 v8, v22;
	[tilespmem:v33+s15+$0x0] =	vst.idx.msk $0xffff, v27;
	v27 =	vadd.f32 v34, v17  }
0xe5: {  	v59 =	vld [tilespmem:s19+$0xFFFFFFB0];
	v58 =	vadd.s32 v9, v23;
	[tilespmem:v20+s15+$0x0] =	vst.idx.msk $0xffff, v25;
	v20 =	vadd.f32 v35, v18  }
0xe6: {  	[tilespmem:v29+s15+$0x0] =	vst.idx.msk $0xffff, v27;
	v27 =	vadd.f32 v37, v17;
	v29 =	vadd.s32 v10, v23  }
0xe7: {  	v60 =	vld [tilespmem:s19+$0xFFFFFFC0];
	v24 =	vbroadcast v24, $0x0;
	[tilespmem:v21+s15+$0x0] =	vst.idx.msk $0xffff, v20;
	v21 =	vadd.f32 v30, v18  }
0xe8: {  	[tilespmem:v28+s15+$0x0] =	vst.idx.msk $0xffff, v27;
	v27 =	vadd.f32 v31, v17  }
0xe9: {  	v61 =	vld [tilespmem:s19+$0xFFFFFFD0];
	v36 =	vbroadcast v36, $0x0;
	v30 =	vadd.s32 v11, v24;
	[tilespmem:v22+s15+$0x0] =	vst.idx.msk $0xffff, v21;
	v21 =	vadd.f32 v57, v18  }
0xea: {  	s20 =	simm.s32 $0x8;
	v38 =	vld [tilespmem:s19+$0xFFFFFFE0];
	v62 =	vadd.f32 v59, v17;
	v31 =	vadd.s32 v12, v24;
	[tilespmem:v58+s15+$0x0] =	vst.idx.msk $0xffff, v27  }
0xeb: {  	v25 =	vmov s20;
	v23 =	vadd.s32 v13, v36;
	v28 =	vbroadcast v26, $0x0;
	[tilespmem:v29+s15+$0x0] =	vst.idx.msk $0xffff, v21;
	v29 =	vld [tilespmem:s19+$0xFFFFFF10]  }
0xec: {  	s11 =	simm.s32 $0x9;
	s7 =	simm.s32 $0xA;
	v63 =	vadd.f32 v60, v18;
	v20 =	vshrl.u32 v25, $0x3;
	v24 =	vadd.s32 v14, v36  }
0xed: {  	v25 =	vmov s11;
	s11 =	simm.s32 $0xB;
	v26 =	vmov s7;
	v22 =	vadd.s32 v0, v28  }
0xee: {  	s7 =	simm.s32 $0xC;
	v27 =	vmov s11;
	s11 =	simm.s32 $0xF;
	v21 =	vadd.s32 v2, v28;
	[tilespmem:v30+s15+$0x0] =	vst.idx.msk $0xffff, v62;
	v30 =	vadd.f32 v61, v17  }
0xef: {  	s6 =	simm.s32 $0x10;
	v28 =	vmov s7;
	s7 =	simm.s32 $0xD;
	v32 =	vmov s11;
	[tilespmem:v31+s15+$0x0] =	vst.idx.msk $0xffff, v63;
	v31 =	vadd.f32 v38, v18  }
.LBB2_9:
0xf0: {  	p0 =	slt.u32 s6, $0x78;
	v33 =	vmov s7;
	s7 =	sadd.s32 $0x6, s20;
	v32 =	vshrl.u32 v32, $0x3;
	v29 =	vadd.f32 v29, v17;
	[tilespmem:v23+s15+$0x0] =	vst.idx.msk $0xffff, v30;
	s20 =	smov.u32 s6  }
0xf1: {  	v23 =	vshll.u32 v20, v1;
	s19 =	sadd.s32 $0x100, s19;
	v20 =	vmov s7;
	v30 =	vshll.u32 v32, v1;
	[tilespmem:v24+s15+$0x0] =	vst.idx.msk $0xffff, v31  }
0xf2: {  	v24 =	vshrl.u32 v25, $0x3;
	v25 =	vshrl.u32 v26, $0x3;
	v26 =	vld [tilespmem:s19+$0xFFFFFFF0];
	v30 =	vbroadcast v30, $0x0;
	[tilespmem:v22+s15+$0x0] =	vst.idx.msk $0xffff, v29  }
0xf3: {  	v22 =	vshrl.u32 v27, $0x3;
	v27 =	vshrl.u32 v28, $0x3;
	v28 =	vshrl.u32 v33, $0x3;
	v29 =	vld [tilespmem:s19+$0x0];
	[tilespmem:v21+s15+$0x0] =	vst.idx.msk $0xffff, v19  }
0xf4: {  	v20 =	vshrl.u32 v20, $0x3;
	v21 =	vshll.u32 v24, v1;
	v19 =	vld [tilespmem:s19+$0xFFFFFF20];
	v24 =	vadd.s32 v15, v30  }
0xf5: {  	v25 =	vshll.u32 v25, v1;
	v21 =	vbroadcast v21, $0x0;
	v30 =	vadd.s32 v16, v30;
	v31 =	vld [tilespmem:s19+$0xFFFFFF30]  }
0xf6: {  	v22 =	vshll.u32 v22, v1;
	v27 =	vshll.u32 v27, v1;
	v28 =	vshll.u32 v28, v1;
	v32 =	vld [tilespmem:s19+$0xFFFFFF40]  }
0xf7: {  	v25 =	vbroadcast v25, $0x0;
	v33 =	vadd.s32 v3, v21;
	v34 =	vld [tilespmem:s19+$0xFFFFFF50];
	v26 =	vadd.f32 v26, v17  }
0xf8: {  	v20 =	vshll.u32 v20, v1;
	v21 =	vadd.s32 v4, v21;
	v35 =	vld [tilespmem:s19+$0xFFFFFF60];
	v29 =	vadd.f32 v29, v18  }
0xf9: {  	v22 =	vbroadcast v22, $0x0;
	v36 =	vadd.s32 v5, v25;
	v19 =	vadd.f32 v19, v18;
	v37 =	vld [tilespmem:s19+$0xFFFFFF70];
	[tilespmem:v24+s15+$0x0] =	vst.idx.msk $0xffff, v26  }
0xfa: {  	v25 =	vadd.s32 v6, v25;
	v24 =	vadd.f32 v31, v17;
	v26 =	vld [tilespmem:s19+$0xFFFFFF80];
	[tilespmem:v30+s15+$0x0] =	vst.idx.msk $0xffff, v29  }
0xfb: {  	v27 =	vbroadcast v27, $0x0;
	v30 =	vadd.s32 v7, v22;
	v29 =	vadd.f32 v32, v18;
	v31 =	vld [tilespmem:s19+$0xFFFFFF90]  }
0xfc: {  	v22 =	vadd.s32 v8, v22;
	[tilespmem:v33+s15+$0x0] =	vst.idx.msk $0xffff, v24;
	v24 =	vadd.f32 v34, v17;
	v32 =	vld [tilespmem:s19+$0xFFFFFFA0]  }
0xfd: {  	v28 =	vbroadcast v28, $0x0;
	v33 =	vadd.s32 v9, v27;
	[tilespmem:v21+s15+$0x0] =	vst.idx.msk $0xffff, v29;
	v21 =	vadd.f32 v35, v18;
	v34 =	vld [tilespmem:s19+$0xFFFFFFB0]  }
0xfe: {  	v27 =	vadd.s32 v10, v27;
	v29 =	vmov s6;
	[tilespmem:v36+s15+$0x0] =	vst.idx.msk $0xffff, v24;
	v24 =	vadd.f32 v37, v17;
	v35 =	vld [tilespmem:s19+$0xFFFFFFC0]  }
0xff: {  	v36 =	vadd.s32 v11, v28;
	[tilespmem:v25+s15+$0x0] =	vst.idx.msk $0xffff, v21;
	v21 =	vadd.f32 v26, v18;
	v37 =	vld [tilespmem:s19+$0xFFFFFFD0];
	v26 =	vbroadcast v20, $0x0  }
0x100: {  	v20 =	vshrl.u32 v29, $0x3;
	[tilespmem:v30+s15+$0x0] =	vst.idx.msk $0xffff, v24;
	v24 =	vadd.f32 v31, v17;
	v31 =	vadd.s32 v12, v28;
	v38 =	vld [tilespmem:s19+$0xFFFFFFE0]  }
.Ltmp4:
0x101: {  	s7 =	sadd.s32 $0x1, s6;
	v28 =	vbroadcast v23, $0x0;
	v29 =	vld [tilespmem:s19+$0xFFFFFF10];
	[tilespmem:v22+s15+$0x0] =	vst.idx.msk $0xffff, v21;
	v21 =	vadd.f32 v32, v18;
	v23 =	vadd.s32 v13, v26;
	(pc) =	sbr.rel @p0 .LBB2_9-.Ltmp4, $4  }
0x102: {  	v25 =	vmov s7;
	s7 =	sadd.s32 $0x2, s6;
	[tilespmem:v33+s15+$0x0] =	vst.idx.msk $0xffff, v24;
	v30 =	vadd.f32 v34, v17;
	v24 =	vadd.s32 v14, v26  }
0x103: {  	v26 =	vmov s7;
	s7 =	sadd.s32 $0x3, s6;
	v22 =	vadd.s32 v0, v28;
	[tilespmem:v27+s15+$0x0] =	vst.idx.msk $0xffff, v21;
	v33 =	vadd.f32 v35, v18  }
0x104: {  	s11 =	sadd.s32 $0x7, s6;
	v27 =	vmov s7;
	s7 =	sadd.s32 $0x4, s6;
	v21 =	vadd.s32 v2, v28;
	[tilespmem:v36+s15+$0x0] =	vst.idx.msk $0xffff, v30;
	v30 =	vadd.f32 v37, v17  }
0x105: {  	v32 =	vmov s11;
	s6 =	sadd.s32 $0x8, s6;
	v28 =	vmov s7;
	s7 =	sadd.s32 $0x5, s20;
	[tilespmem:v31+s15+$0x0] =	vst.idx.msk $0xffff, v33;
	v31 =	vadd.f32 v38, v18  }
0x106: {  	v33 =	vmov s7;
	v32 =	vshrl.u32 v32, $0x3  }
0x107: {  	v29 =	vadd.f32 v29, v17;
	v20 =	vshll.u32 v20, v1;
	v25 =	vshrl.u32 v25, $0x3  }
0x108: {  	s6 =	sadd.s32 $0x6, s20;
	s11 =	sadd.s32 $0x100, s19;
	v26 =	vshrl.u32 v26, $0x3;
	v27 =	vshrl.u32 v27, $0x3;
	v32 =	vshll.u32 v32, v1  }
0x109: {  	v28 =	vshrl.u32 v28, $0x3;
	v34 =	vmov s6;
	v35 =	vld [tilespmem:s11+$0xFFFFFFF0];
	v32 =	vbroadcast v32, $0x0  }
0x10a: {  	[tilespmem:v23+s15+$0x0] =	vst.idx.msk $0xffff, v30;
	v23 =	vshrl.u32 v33, $0x3;
	v30 =	vld [tilespmem:s11+$0x0];
	v25 =	vshll.u32 v25, v1;
	v26 =	vshll.u32 v26, v1  }
0x10b: {  	[tilespmem:v24+s15+$0x0] =	vst.idx.msk $0xffff, v31;
	v31 =	vld [tilespmem:s11+$0xFFFFFF30];
	v27 =	vshll.u32 v27, v1;
	v25 =	vbroadcast v25, $0x0;
	v24 =	vadd.s32 v15, v32  }
0x10c: {  	v47 =	vld [tilespmem:s11+$0xFFFFFF40];
	v28 =	vshll.u32 v28, v1;
	v46 =	vshrl.u32 v34, $0x3;
	v32 =	vadd.s32 v16, v32  }
0x10d: {  	[tilespmem:v22+s15+$0x0] =	vst.idx.msk $0xffff, v29;
	v22 =	vshll.u32 v23, v1;
	v29 =	vld [tilespmem:s11+$0xFFFFFF50];
	v26 =	vbroadcast v26, $0x0;
	v23 =	vadd.s32 v3, v25  }
0x10e: {  	v36 =	vld [tilespmem:s11+$0xFFFFFF60];
	v33 =	vshll.u32 v46, v1;
	v25 =	vadd.s32 v4, v25;
	v35 =	vadd.f32 v35, v17  }
0x10f: {  	v27 =	vbroadcast v27, $0x0;
	[tilespmem:v21+s15+$0x0] =	vst.idx.msk $0xffff, v19;
	v21 =	vadd.s32 v5, v26;
	v19 =	vadd.f32 v30, v18;
	v30 =	vld [tilespmem:s11+$0xFFFFFF70]  }
0x110: {  	v26 =	vadd.s32 v6, v26;
	[tilespmem:v24+s15+$0x0] =	vst.idx.msk $0xffff, v35;
	v24 =	vadd.f32 v31, v17;
	v31 =	vld [tilespmem:s11+$0xFFFFFF80]  }
0x111: {  	v49 =	vld [tilespmem:s11+$0xFFFFFF90];
	v28 =	vbroadcast v28, $0x0;
	v48 =	vadd.s32 v7, v27;
	[tilespmem:v32+s15+$0x0] =	vst.idx.msk $0xffff, v19;
	v19 =	vadd.f32 v47, v18  }
0x112: {  	[tilespmem:v23+s15+$0x0] =	vst.idx.msk $0xffff, v24;
	v23 =	vadd.f32 v29, v17;
	v24 =	vadd.s32 v8, v27;
	v27 =	vld [tilespmem:s11+$0xFFFFFFA0]  }
0x113: {  	v22 =	vbroadcast v22, $0x0;
	v29 =	vld [tilespmem:s11+$0xFFFFFFB0];
	[tilespmem:v25+s15+$0x0] =	vst.idx.msk $0xffff, v19;
	v19 =	vadd.f32 v36, v18;
	v25 =	vadd.s32 v9, v28  }
0x114: {  	[tilespmem:v21+s15+$0x0] =	vst.idx.msk $0xffff, v23;
	v21 =	vadd.f32 v30, v17;
	v23 =	vadd.s32 v10, v28;
	v28 =	vld [tilespmem:s11+$0xFFFFFFC0]  }
0x115: {  	v30 =	vld [tilespmem:s11+$0xFFFFFFD0];
	[tilespmem:v26+s15+$0x0] =	vst.idx.msk $0xffff, v19;
	v19 =	vadd.f32 v31, v18;
	v26 =	vadd.s32 v11, v22;
	v31 =	vbroadcast v33, $0x0  }
0x116: {  	v50 =	vld [tilespmem:s11+$0xFFFFFFE0];
	v22 =	vadd.s32 v12, v22;
	[tilespmem:v48+s15+$0x0] =	vst.idx.msk $0xffff, v21;
	v21 =	vadd.f32 v49, v17  }
0x117: {  	v51 =	vld [tilespmem:s11+$0xFFFFFF10];
	v20 =	vbroadcast v20, $0x0;
	[tilespmem:v24+s15+$0x0] =	vst.idx.msk $0xffff, v19;
	v19 =	vadd.f32 v27, v18;
	v24 =	vadd.s32 v13, v31  }
0x118: {  	v27 =	vld [tilespmem:s11+$0xFFFFFF20];
	[tilespmem:v25+s15+$0x0] =	vst.idx.msk $0xffff, v21;
	v21 =	vadd.f32 v29, v17;
	v25 =	vadd.s32 v14, v31  }
0x119: {  	v29 =	vadd.s32 v0, v20;
	[tilespmem:v23+s15+$0x0] =	vst.idx.msk $0xffff, v19;
	v19 =	vadd.f32 v28, v18  }
0x11a: {  	v20 =	vadd.s32 v2, v20;
	[tilespmem:v26+s15+$0x0] =	vst.idx.msk $0xffff, v21;
	v21 =	vadd.f32 v30, v17  }
0x11b: {  	[tilespmem:v22+s15+$0x0] =	vst.idx.msk $0xffff, v19;
	v19 =	vadd.f32 v50, v18  }
0x11c: {  	s19 =	sshll.u32 s18, $0x11;
	v17 =	vadd.f32 v51, v17;
	[tilespmem:v24+s15+$0x0] =	vst.idx.msk $0xffff, v21  }
0x11d: {  	s6 =	sor.u32 s5, s19;
	v18 =	vadd.f32 v27, v18;
	[tilespmem:v25+s15+$0x0] =	vst.idx.msk $0xffff, v19  }
0x11e: {  	s6 =	sshrl.u32 s6, $0x3;
	[tilespmem:v29+s15+$0x0] =	vst.idx.msk $0xffff, v17  }
0x11f: {  	s7 =	sadd.s32 s1, s6;
	[tilespmem:v20+s15+$0x0] =	vst.idx.msk $0xffff, v18  }
0x120: {  	[hbm4b:s7+s3] =	stream.linear.scatter [tilespmem:s15], [sflag:$0x6], $0x80, $0x38;
	[tilespmem:$0xDF00] =	vst v63  }
0x121: {  	s20 =	simm.s32 $0xB588;
	s11 =	sadd.s32 $0x10, s7  }
0x122: {  	[hbm4b:s11+s3] =	stream.linear.scatter [tilespmem:s20], [sflag:$0x6], $0x80, $0x38;
	[tilespmem:$0xDF00] =	vst v63  }
0x123: {  	s19 =	sadd.s32 $0x20, s7;
	s20 =	simm.s32 $0xB610  }
0x124: {  	[hbm4b:s19+s3] =	stream.linear.scatter [tilespmem:s20], [sflag:$0x6], $0x80, $0x38;
	[tilespmem:$0xDF00] =	vst v63  }
0x125: {  	s19 =	sadd.s32 $0x30, s7;
	s20 =	simm.s32 $0xB698  }
0x126: {  	[hbm4b:s19+s3] =	stream.linear.scatter [tilespmem:s20], [sflag:$0x6], $0x80, $0x38;
	[tilespmem:$0xDF00] =	vst v63  }
0x127: {  	s19 =	sadd.s32 $0x40, s7;
	s20 =	simm.s32 $0xB720  }
0x128: {  	[hbm4b:s19+s3] =	stream.linear.scatter [tilespmem:s20], [sflag:$0x6], $0x80, $0x38;
	[tilespmem:$0xDF00] =	vst v63  }
0x129: {  	s19 =	sadd.s32 $0x50, s7;
	s20 =	simm.s32 $0xB7A8  }
0x12a: {  	[hbm4b:s19+s3] =	stream.linear.scatter [tilespmem:s20], [sflag:$0x6], $0x80, $0x38;
	[tilespmem:$0xDF00] =	vst v63  }
0x12b: {  	s18 =	sadd.s32 $0x60, s7;
	s19 =	simm.s32 $0xB830  }
0x12c: {  	[hbm4b:s18+s3] =	stream.linear.scatter [tilespmem:s19], [sflag:$0x6], $0x80, $0x38;
	[tilespmem:$0xDF00] =	vst v63  }
0x12d: {  	s7 =	sadd.s32 $0x70, s7;
	s20 =	simm.s32 $0xB8B8  }
0x12e: {  	[hbm4b:s7+s3] =	stream.linear.scatter [tilespmem:s20], [sflag:$0x6], $0x80, $0x38;
	[tilespmem:$0xDF00] =	vst v63  }
0x12f: {  	s18 =	simm.s32 $0xB940;
	s7 =	sadd.s32 s6, s8  }
0x130: {  	[hbm4b:s7+s3] =	stream.linear.scatter [tilespmem:s18], [sflag:$0x6], $0x80, $0x38;
	[tilespmem:$0xDF00] =	vst v63  }
0x131: {  	s20 =	simm.s32 $0xB9C8;
	s19 =	sadd.s32 $0x10, s7  }
0x132: {  	[hbm4b:s19+s3] =	stream.linear.scatter [tilespmem:s20], [sflag:$0x6], $0x80, $0x38;
	[tilespmem:$0xDF00] =	vst v63  }
0x133: {  	s19 =	sadd.s32 $0x20, s7;
	s20 =	simm.s32 $0xBA50  }
0x134: {  	[hbm4b:s19+s3] =	stream.linear.scatter [tilespmem:s20], [sflag:$0x6], $0x80, $0x38;
	[tilespmem:$0xDF00] =	vst v63  }
0x135: {  	s19 =	sadd.s32 $0x30, s7;
	s20 =	simm.s32 $0xBAD8  }
0x136: {  	[hbm4b:s19+s3] =	stream.linear.scatter [tilespmem:s20], [sflag:$0x6], $0x80, $0x38;
	[tilespmem:$0xDF00] =	vst v63  }
0x137: {  	s19 =	sadd.s32 $0x40, s7;
	s20 =	simm.s32 $0xBB60  }
0x138: {  	[hbm4b:s19+s3] =	stream.linear.scatter [tilespmem:s20], [sflag:$0x6], $0x80, $0x38;
	[tilespmem:$0xDF00] =	vst v63  }
0x139: {  	s19 =	sadd.s32 $0x50, s7;
	s20 =	simm.s32 $0xBBE8  }
0x13a: {  	[hbm4b:s19+s3] =	stream.linear.scatter [tilespmem:s20], [sflag:$0x6], $0x80, $0x38;
	[tilespmem:$0xDF00] =	vst v63  }
0x13b: {  	s18 =	sadd.s32 $0x60, s7;
	s19 =	simm.s32 $0xBC70  }
0x13c: {  	[hbm4b:s18+s3] =	stream.linear.scatter [tilespmem:s19], [sflag:$0x6], $0x80, $0x38;
	[tilespmem:$0xDF00] =	vst v63  }
0x13d: {  	s7 =	sadd.s32 $0x70, s7;
	s20 =	simm.s32 $0xBCF8  }
0x13e: {  	[hbm4b:s7+s3] =	stream.linear.scatter [tilespmem:s20], [sflag:$0x6], $0x80, $0x38;
	[tilespmem:$0xDF00] =	vst v63  }
0x13f: {  	s18 =	simm.s32 $0xBD80;
	s7 =	sadd.s32 s6, s9  }
0x140: {  	[hbm4b:s7+s3] =	stream.linear.scatter [tilespmem:s18], [sflag:$0x6], $0x80, $0x38;
	[tilespmem:$0xDF00] =	vst v63  }
0x141: {  	s20 =	simm.s32 $0xBE08;
	s19 =	sadd.s32 $0x10, s7  }
0x142: {  	[hbm4b:s19+s3] =	stream.linear.scatter [tilespmem:s20], [sflag:$0x6], $0x80, $0x38;
	[tilespmem:$0xDF00] =	vst v63  }
0x143: {  	s19 =	sadd.s32 $0x20, s7;
	s20 =	simm.s32 $0xBE90  }
0x144: {  	[hbm4b:s19+s3] =	stream.linear.scatter [tilespmem:s20], [sflag:$0x6], $0x80, $0x38;
	[tilespmem:$0xDF00] =	vst v63  }
0x145: {  	s19 =	sadd.s32 $0x30, s7;
	s20 =	simm.s32 $0xBF18  }
0x146: {  	[hbm4b:s19+s3] =	stream.linear.scatter [tilespmem:s20], [sflag:$0x6], $0x80, $0x38;
	[tilespmem:$0xDF00] =	vst v63  }
0x147: {  	s19 =	sadd.s32 $0x40, s7;
	s20 =	simm.s32 $0xBFA0  }
0x148: {  	[hbm4b:s19+s3] =	stream.linear.scatter [tilespmem:s20], [sflag:$0x6], $0x80, $0x38;
	[tilespmem:$0xDF00] =	vst v63  }
0x149: {  	s19 =	sadd.s32 $0x50, s7;
	s20 =	simm.s32 $0xC028  }
0x14a: {  	[hbm4b:s19+s3] =	stream.linear.scatter [tilespmem:s20], [sflag:$0x6], $0x80, $0x38;
	[tilespmem:$0xDF00] =	vst v63  }
0x14b: {  	s18 =	sadd.s32 $0x60, s7;
	s19 =	simm.s32 $0xC0B0  }
0x14c: {  	[hbm4b:s18+s3] =	stream.linear.scatter [tilespmem:s19], [sflag:$0x6], $0x80, $0x38;
	[tilespmem:$0xDF00] =	vst v63  }
0x14d: {  	s7 =	sadd.s32 $0x70, s7;
	s20 =	simm.s32 $0xC138  }
0x14e: {  	[hbm4b:s7+s3] =	stream.linear.scatter [tilespmem:s20], [sflag:$0x6], $0x80, $0x38;
	[tilespmem:$0xDF00] =	vst v63  }
0x14f: {  	s6 =	sadd.s32 s6, s10;
	s18 =	simm.s32 $0xC1C0  }
0x150: {  	[hbm4b:s6+s3] =	stream.linear.scatter [tilespmem:s18], [sflag:$0x6], $0x80, $0x38;
	[tilespmem:$0xDF00] =	vst v63  }
0x151: {  	s19 =	sadd.s32 $0x10, s6;
	s20 =	simm.s32 $0xC248  }
0x152: {  	[hbm4b:s19+s3] =	stream.linear.scatter [tilespmem:s20], [sflag:$0x6], $0x80, $0x38;
	[tilespmem:$0xDF00] =	vst v63  }
0x153: {  	s18 =	sadd.s32 $0x20, s6  }
0x154: {  	[hbm4b:s18+s3] =	stream.linear.scatter [tilespmem:s14], [sflag:$0x6], $0x80, $0x38;
	[tilespmem:$0xDF00] =	vst v63  }
0x155: {  	s19 =	sadd.s32 $0x30, s6  }
0x156: {  	[hbm4b:s19+s3] =	stream.linear.scatter [tilespmem:s17], [sflag:$0x6], $0x80, $0x38;
	[tilespmem:$0xDF00] =	vst v63  }
0x157: {  	s20 =	sadd.s32 $0x40, s6  }
0x158: {  	[hbm4b:s20+s3] =	stream.linear.scatter [tilespmem:s21], [sflag:$0x6], $0x80, $0x38;
	[tilespmem:$0xDF00] =	vst v63  }
0x159: {  	s11 =	sadd.s32 $0x50, s6  }
0x15a: {  	[hbm4b:s11+s3] =	stream.linear.scatter [tilespmem:s16], [sflag:$0x6], $0x80, $0x38;
	[tilespmem:$0xDF00] =	vst v63  }
0x15b: {  	p0 =	seq.s32 s30, $0x31;
	s18 =	sadd.s32 $0x60, s6  }
0x15c: {  	[hbm4b:s18+s3] =	stream.linear.scatter [tilespmem:s24], [sflag:$0x6], $0x80, $0x38;
	[tilespmem:$0xDF00] =	vst v63  }
0x15d: {  	s6 =	sadd.s32 $0x70, s6;
	s18 =	sshll.u32 @!p0 s2, $0x7  }
0x15e: {  	[hbm4b:s6+s3] =	stream.linear.scatter [tilespmem:s25], [sflag:$0x6], $0x80, $0x38;
	[tilespmem:$0xDF00] =	vst v63  }
0x15f: {  	s6 =	sadd.s32 @!p0 $0x280, s18  }
0x160: {  	s7 =	simm.s32 @!p0 $0x80;
	s11 =	simm.s32 @!p0 $0x7400;
	s6 =	sand.u32 @!p0 $0xFE80, s6  }
0x161: {  	[tilespmem:s11], [sflag:$0x2] =	stream.indirect.gather @!p0 [hbm4b:s4+s7], $0x20, s6, s7, $0xb8;
	[tilespmem:$0xDF00] =	vst v63  }
0x162: {  	_ =	swait.ge [sflag:s26], $0x1000  }
0x163: {  	[sflag:s26] =	ssyncset.done $0x0  }
0x164: {  	[sflag:s26] =	ssyncadd.s32 $0xFFFFF000  }
0x165: {  	_ =	swait.ge [sflag:s28], $0x400  }
0x166: {  	[sflag:s28] =	ssyncset.done $0x0  }
0x167: {  	[sflag:s28] =	ssyncadd.s32 $0xFFFFFC00  }
0x168: {  	_ =	swait.ge [sflag:s28], $0x400  }
0x169: {  	[sflag:s28] =	ssyncset.done $0x0  }
0x16a: {  	[sflag:s28] =	ssyncadd.s32 $0xFFFFFC00  }
0x16b: {  	_ =	swait.ge [sflag:s28], $0x400  }
0x16c: {  	[sflag:s28] =	ssyncset.done $0x0  }
0x16d: {  	s19 =	simm.s32 $0x0;
	[sflag:s28] =	ssyncadd.s32 $0xFFFFFC00  }
0x16e: {  	v17 =	vmov s19;
	s19 =	simm.s32 $0x7;
	s2 =	sor.u32 $0x2, s2;
	_ =	swait.ge [sflag:s28], $0x400  }
0x16f: {  	s20 =	simm.s32 $0x1;
	v19 =	vshrl.u32 v17, $0x3;
	v18 =	vmov s19;
	s7 =	sshll.u32 s2, $0x5;
	[sflag:s28] =	ssyncset.done $0x0  }
0x170: {  	v20 =	vmov s20;
	s20 =	simm.s32 $0x3;
	v25 =	vshrl.u32 v18, $0x3;
	v26 =	vshll.u32 v19, v1;
	s7 =	sand.u32 $0x3FFFFFE0, s7;
	[sflag:s28] =	ssyncadd.s32 $0xFFFFFC00  }
0x171: {  	v22 =	vmov s20;
	s20 =	simm.s32 $0x5;
	v25 =	vshll.u32 v25, v1;
	v20 =	vshrl.u32 v20, $0x3;
	v17 =	vld [tilespmem:s7+$0xC600]  }
0x172: {  	s19 =	simm.s32 $0x84F0;
	v24 =	vmov s20;
	s20 =	simm.s32 $0x6;
	v25 =	vbroadcast v25, $0x0;
	v22 =	vshrl.u32 v22, $0x3;
	v18 =	vld [tilespmem:s7+$0xC610]  }
0x173: {  	v20 =	vshll.u32 v20, v1;
	v19 =	vmov s20;
	v24 =	vshrl.u32 v24, $0x3;
	v27 =	vld [tilespmem:s19+$0xFFFFFFF0]  }
0x174: {  	v20 =	vbroadcast v20, $0x0;
	v22 =	vshll.u32 v22, v1;
	v19 =	vshrl.u32 v19, $0x3;
	s11 =	simm.s32 $0x2;
	v28 =	vld [tilespmem:s19+$0x0]  }
0x175: {  	v30 =	vadd.s32 v15, v25;
	v25 =	vadd.s32 v16, v25;
	v21 =	vmov s11;
	v29 =	vld [tilespmem:s19+$0xFFFFFF20]  }
0x176: {  	v24 =	vshll.u32 v24, v1;
	v22 =	vbroadcast v22, $0x0;
	s11 =	simm.s32 $0x4;
	v21 =	vshrl.u32 v21, $0x3;
	v31 =	vld [tilespmem:s19+$0xFFFFFF30]  }
0x177: {  	v53 =	vadd.s32 v3, v20;
	v23 =	vmov s11;
	v21 =	vshll.u32 v21, v1;
	v52 =	vld [tilespmem:s19+$0xFFFFFF40]  }
0x178: {  	v20 =	vadd.s32 v4, v20;
	v23 =	vshrl.u32 v23, $0x3;
	v21 =	vbroadcast v21, $0x0;
	v54 =	vld [tilespmem:s19+$0xFFFFFF50]  }
0x179: {  	v56 =	vshll.u32 v19, v1;
	v23 =	vshll.u32 v23, v1;
	v55 =	vld [tilespmem:s19+$0xFFFFFF60];
	v27 =	vadd.f32 v27, v17  }
0x17a: {  	v37 =	vld [tilespmem:s19+$0xFFFFFF70];
	v28 =	vadd.f32 v28, v18;
	v19 =	vadd.f32 v29, v18;
	v29 =	vadd.s32 v5, v21  }
0x17b: {  	v21 =	vadd.s32 v6, v21;
	[tilespmem:v30+s23+$0x0] =	vst.idx.msk $0xffff, v27;
	v27 =	vadd.f32 v31, v17;
	v30 =	vld [tilespmem:s19+$0xFFFFFF80]  }
0x17c: {  	v23 =	vbroadcast v23, $0x0;
	v31 =	vld [tilespmem:s19+$0xFFFFFF90];
	[tilespmem:v25+s23+$0x0] =	vst.idx.msk $0xffff, v28;
	v25 =	vadd.f32 v52, v18;
	v28 =	vadd.s32 v7, v22  }
0x17d: {  	v57 =	vld [tilespmem:s19+$0xFFFFFFA0];
	v22 =	vadd.s32 v8, v22;
	[tilespmem:v53+s23+$0x0] =	vst.idx.msk $0xffff, v27;
	v27 =	vadd.f32 v54, v17  }
0x17e: {  	v58 =	vadd.s32 v9, v23;
	v59 =	vld [tilespmem:s19+$0xFFFFFFB0];
	[tilespmem:v20+s23+$0x0] =	vst.idx.msk $0xffff, v25;
	v20 =	vadd.f32 v55, v18  }
0x17f: {  	[tilespmem:v29+s23+$0x0] =	vst.idx.msk $0xffff, v27;
	v27 =	vadd.f32 v37, v17;
	v29 =	vadd.s32 v10, v23  }
0x180: {  	v24 =	vbroadcast v24, $0x0;
	v60 =	vld [tilespmem:s19+$0xFFFFFFC0];
	[tilespmem:v21+s23+$0x0] =	vst.idx.msk $0xffff, v20;
	v21 =	vadd.f32 v30, v18  }
0x181: {  	[tilespmem:v28+s23+$0x0] =	vst.idx.msk $0xffff, v27;
	v27 =	vadd.f32 v31, v17  }
0x182: {  	v36 =	vbroadcast v56, $0x0;
	v61 =	vld [tilespmem:s19+$0xFFFFFFD0];
	v30 =	vadd.s32 v11, v24;
	[tilespmem:v22+s23+$0x0] =	vst.idx.msk $0xffff, v21;
	v21 =	vadd.f32 v57, v18  }
0x183: {  	s20 =	simm.s32 $0x8;
	v38 =	vld [tilespmem:s19+$0xFFFFFFE0];
	v62 =	vadd.f32 v59, v17;
	v31 =	vadd.s32 v12, v24;
	[tilespmem:v58+s23+$0x0] =	vst.idx.msk $0xffff, v27  }
0x184: {  	v25 =	vmov s20;
	v23 =	vadd.s32 v13, v36;
	v28 =	vbroadcast v26, $0x0;
	[tilespmem:v29+s23+$0x0] =	vst.idx.msk $0xffff, v21;
	v29 =	vld [tilespmem:s19+$0xFFFFFF10]  }
0x185: {  	s11 =	simm.s32 $0x9;
	s7 =	simm.s32 $0xA;
	v63 =	vadd.f32 v60, v18;
	v20 =	vshrl.u32 v25, $0x3;
	v24 =	vadd.s32 v14, v36  }
0x186: {  	v25 =	vmov s11;
	s11 =	simm.s32 $0xB;
	v26 =	vmov s7;
	v22 =	vadd.s32 v0, v28  }
0x187: {  	s7 =	simm.s32 $0xC;
	v27 =	vmov s11;
	s11 =	simm.s32 $0xF;
	v21 =	vadd.s32 v2, v28;
	[tilespmem:v30+s23+$0x0] =	vst.idx.msk $0xffff, v62;
	v30 =	vadd.f32 v61, v17  }
0x188: {  	s6 =	simm.s32 $0x10;
	v28 =	vmov s7;
	s7 =	simm.s32 $0xD;
	v32 =	vmov s11;
	[tilespmem:v31+s23+$0x0] =	vst.idx.msk $0xffff, v63;
	v31 =	vadd.f32 v38, v18  }
.LBB2_11:
0x189: {  	p1 =	slt.u32 s6, $0x78;
	v33 =	vmov s7;
	s7 =	sadd.s32 $0x6, s20;
	v32 =	vshrl.u32 v32, $0x3;
	v29 =	vadd.f32 v29, v17;
	[tilespmem:v23+s23+$0x0] =	vst.idx.msk $0xffff, v30;
	s20 =	smov.u32 s6  }
0x18a: {  	v23 =	vshll.u32 v20, v1;
	s19 =	sadd.s32 $0x100, s19;
	v20 =	vmov s7;
	v30 =	vshll.u32 v32, v1;
	[tilespmem:v24+s23+$0x0] =	vst.idx.msk $0xffff, v31  }
0x18b: {  	v24 =	vshrl.u32 v25, $0x3;
	v25 =	vshrl.u32 v26, $0x3;
	v26 =	vld [tilespmem:s19+$0xFFFFFFF0];
	v30 =	vbroadcast v30, $0x0;
	[tilespmem:v22+s23+$0x0] =	vst.idx.msk $0xffff, v29  }
0x18c: {  	v22 =	vshrl.u32 v27, $0x3;
	v27 =	vshrl.u32 v28, $0x3;
	v28 =	vshrl.u32 v33, $0x3;
	v29 =	vld [tilespmem:s19+$0x0];
	[tilespmem:v21+s23+$0x0] =	vst.idx.msk $0xffff, v19  }
0x18d: {  	v20 =	vshrl.u32 v20, $0x3;
	v21 =	vshll.u32 v24, v1;
	v19 =	vld [tilespmem:s19+$0xFFFFFF20];
	v24 =	vadd.s32 v15, v30  }
0x18e: {  	v25 =	vshll.u32 v25, v1;
	v21 =	vbroadcast v21, $0x0;
	v30 =	vadd.s32 v16, v30;
	v31 =	vld [tilespmem:s19+$0xFFFFFF30]  }
0x18f: {  	v22 =	vshll.u32 v22, v1;
	v27 =	vshll.u32 v27, v1;
	v28 =	vshll.u32 v28, v1;
	v32 =	vld [tilespmem:s19+$0xFFFFFF40]  }
0x190: {  	v25 =	vbroadcast v25, $0x0;
	v33 =	vadd.s32 v3, v21;
	v34 =	vld [tilespmem:s19+$0xFFFFFF50];
	v26 =	vadd.f32 v26, v17  }
0x191: {  	v20 =	vshll.u32 v20, v1;
	v21 =	vadd.s32 v4, v21;
	v35 =	vld [tilespmem:s19+$0xFFFFFF60];
	v29 =	vadd.f32 v29, v18  }
0x192: {  	v22 =	vbroadcast v22, $0x0;
	v36 =	vadd.s32 v5, v25;
	v19 =	vadd.f32 v19, v18;
	v37 =	vld [tilespmem:s19+$0xFFFFFF70];
	[tilespmem:v24+s23+$0x0] =	vst.idx.msk $0xffff, v26  }
0x193: {  	v25 =	vadd.s32 v6, v25;
	v24 =	vadd.f32 v31, v17;
	v26 =	vld [tilespmem:s19+$0xFFFFFF80];
	[tilespmem:v30+s23+$0x0] =	vst.idx.msk $0xffff, v29  }
0x194: {  	v27 =	vbroadcast v27, $0x0;
	v30 =	vadd.s32 v7, v22;
	v29 =	vadd.f32 v32, v18;
	v31 =	vld [tilespmem:s19+$0xFFFFFF90]  }
0x195: {  	v22 =	vadd.s32 v8, v22;
	[tilespmem:v33+s23+$0x0] =	vst.idx.msk $0xffff, v24;
	v24 =	vadd.f32 v34, v17;
	v32 =	vld [tilespmem:s19+$0xFFFFFFA0]  }
0x196: {  	v28 =	vbroadcast v28, $0x0;
	v33 =	vadd.s32 v9, v27;
	[tilespmem:v21+s23+$0x0] =	vst.idx.msk $0xffff, v29;
	v21 =	vadd.f32 v35, v18;
	v34 =	vld [tilespmem:s19+$0xFFFFFFB0]  }
0x197: {  	v27 =	vadd.s32 v10, v27;
	v29 =	vmov s6;
	[tilespmem:v36+s23+$0x0] =	vst.idx.msk $0xffff, v24;
	v24 =	vadd.f32 v37, v17;
	v35 =	vld [tilespmem:s19+$0xFFFFFFC0]  }
0x198: {  	v36 =	vadd.s32 v11, v28;
	[tilespmem:v25+s23+$0x0] =	vst.idx.msk $0xffff, v21;
	v21 =	vadd.f32 v26, v18;
	v37 =	vld [tilespmem:s19+$0xFFFFFFD0];
	v26 =	vbroadcast v20, $0x0  }
0x199: {  	v20 =	vshrl.u32 v29, $0x3;
	[tilespmem:v30+s23+$0x0] =	vst.idx.msk $0xffff, v24;
	v24 =	vadd.f32 v31, v17;
	v31 =	vadd.s32 v12, v28;
	v38 =	vld [tilespmem:s19+$0xFFFFFFE0]  }
.Ltmp5:
0x19a: {  	s7 =	sadd.s32 $0x1, s6;
	v28 =	vbroadcast v23, $0x0;
	v29 =	vld [tilespmem:s19+$0xFFFFFF10];
	[tilespmem:v22+s23+$0x0] =	vst.idx.msk $0xffff, v21;
	v21 =	vadd.f32 v32, v18;
	v23 =	vadd.s32 v13, v26;
	(pc) =	sbr.rel @p1 .LBB2_11-.Ltmp5, $4  }
0x19b: {  	v25 =	vmov s7;
	s7 =	sadd.s32 $0x2, s6;
	[tilespmem:v33+s23+$0x0] =	vst.idx.msk $0xffff, v24;
	v30 =	vadd.f32 v34, v17;
	v24 =	vadd.s32 v14, v26  }
0x19c: {  	v26 =	vmov s7;
	s7 =	sadd.s32 $0x3, s6;
	v22 =	vadd.s32 v0, v28;
	[tilespmem:v27+s23+$0x0] =	vst.idx.msk $0xffff, v21;
	v33 =	vadd.f32 v35, v18  }
0x19d: {  	s11 =	sadd.s32 $0x7, s6;
	v27 =	vmov s7;
	s7 =	sadd.s32 $0x4, s6;
	v21 =	vadd.s32 v2, v28;
	[tilespmem:v36+s23+$0x0] =	vst.idx.msk $0xffff, v30;
	v30 =	vadd.f32 v37, v17  }
0x19e: {  	v32 =	vmov s11;
	s6 =	sadd.s32 $0x8, s6;
	v28 =	vmov s7;
	s7 =	sadd.s32 $0x5, s20;
	[tilespmem:v31+s23+$0x0] =	vst.idx.msk $0xffff, v33;
	v31 =	vadd.f32 v38, v18  }
0x19f: {  	v33 =	vmov s7;
	v32 =	vshrl.u32 v32, $0x3  }
0x1a0: {  	v29 =	vadd.f32 v29, v17;
	v20 =	vshll.u32 v20, v1;
	v25 =	vshrl.u32 v25, $0x3  }
0x1a1: {  	s6 =	sadd.s32 $0x6, s20;
	s19 =	sadd.s32 $0x100, s19;
	v26 =	vshrl.u32 v26, $0x3;
	v27 =	vshrl.u32 v27, $0x3;
	v32 =	vshll.u32 v32, v1  }
0x1a2: {  	v28 =	vshrl.u32 v28, $0x3;
	v34 =	vmov s6;
	v35 =	vld [tilespmem:s19+$0xFFFFFFF0];
	v32 =	vbroadcast v32, $0x0  }
0x1a3: {  	[tilespmem:v23+s23+$0x0] =	vst.idx.msk $0xffff, v30;
	v23 =	vshrl.u32 v33, $0x3;
	v30 =	vld [tilespmem:s19+$0x0];
	v25 =	vshll.u32 v25, v1;
	v26 =	vshll.u32 v26, v1  }
0x1a4: {  	[tilespmem:v24+s23+$0x0] =	vst.idx.msk $0xffff, v31;
	v31 =	vld [tilespmem:s19+$0xFFFFFF30];
	v27 =	vshll.u32 v27, v1;
	v25 =	vbroadcast v25, $0x0;
	v24 =	vadd.s32 v15, v32  }
0x1a5: {  	v47 =	vld [tilespmem:s19+$0xFFFFFF40];
	v28 =	vshll.u32 v28, v1;
	v46 =	vshrl.u32 v34, $0x3;
	v32 =	vadd.s32 v16, v32  }
0x1a6: {  	[tilespmem:v22+s23+$0x0] =	vst.idx.msk $0xffff, v29;
	v22 =	vshll.u32 v23, v1;
	v29 =	vld [tilespmem:s19+$0xFFFFFF50];
	v26 =	vbroadcast v26, $0x0;
	v23 =	vadd.s32 v3, v25  }
0x1a7: {  	v36 =	vld [tilespmem:s19+$0xFFFFFF60];
	v33 =	vshll.u32 v46, v1;
	v25 =	vadd.s32 v4, v25;
	v35 =	vadd.f32 v35, v17  }
0x1a8: {  	v27 =	vbroadcast v27, $0x0;
	[tilespmem:v21+s23+$0x0] =	vst.idx.msk $0xffff, v19;
	v21 =	vadd.s32 v5, v26;
	v19 =	vadd.f32 v30, v18;
	v30 =	vld [tilespmem:s19+$0xFFFFFF70]  }
0x1a9: {  	v26 =	vadd.s32 v6, v26;
	[tilespmem:v24+s23+$0x0] =	vst.idx.msk $0xffff, v35;
	v24 =	vadd.f32 v31, v17;
	v31 =	vld [tilespmem:s19+$0xFFFFFF80]  }
0x1aa: {  	v49 =	vld [tilespmem:s19+$0xFFFFFF90];
	v28 =	vbroadcast v28, $0x0;
	v48 =	vadd.s32 v7, v27;
	[tilespmem:v32+s23+$0x0] =	vst.idx.msk $0xffff, v19;
	v19 =	vadd.f32 v47, v18  }
0x1ab: {  	[tilespmem:v23+s23+$0x0] =	vst.idx.msk $0xffff, v24;
	v23 =	vadd.f32 v29, v17;
	v24 =	vadd.s32 v8, v27;
	v27 =	vld [tilespmem:s19+$0xFFFFFFA0]  }
0x1ac: {  	v22 =	vbroadcast v22, $0x0;
	v29 =	vld [tilespmem:s19+$0xFFFFFFB0];
	[tilespmem:v25+s23+$0x0] =	vst.idx.msk $0xffff, v19;
	v19 =	vadd.f32 v36, v18;
	v25 =	vadd.s32 v9, v28  }
0x1ad: {  	[tilespmem:v21+s23+$0x0] =	vst.idx.msk $0xffff, v23;
	v21 =	vadd.f32 v30, v17;
	v23 =	vadd.s32 v10, v28;
	v28 =	vld [tilespmem:s19+$0xFFFFFFC0]  }
0x1ae: {  	v30 =	vld [tilespmem:s19+$0xFFFFFFD0];
	[tilespmem:v26+s23+$0x0] =	vst.idx.msk $0xffff, v19;
	v19 =	vadd.f32 v31, v18;
	v26 =	vadd.s32 v11, v22;
	v31 =	vbroadcast v33, $0x0  }
0x1af: {  	v50 =	vld [tilespmem:s19+$0xFFFFFFE0];
	v22 =	vadd.s32 v12, v22;
	[tilespmem:v48+s23+$0x0] =	vst.idx.msk $0xffff, v21;
	v21 =	vadd.f32 v49, v17  }
0x1b0: {  	v51 =	vld [tilespmem:s19+$0xFFFFFF10];
	v20 =	vbroadcast v20, $0x0;
	[tilespmem:v24+s23+$0x0] =	vst.idx.msk $0xffff, v19;
	v19 =	vadd.f32 v27, v18;
	v24 =	vadd.s32 v13, v31  }
0x1b1: {  	v27 =	vld [tilespmem:s19+$0xFFFFFF20];
	[tilespmem:v25+s23+$0x0] =	vst.idx.msk $0xffff, v21;
	v21 =	vadd.f32 v29, v17;
	v25 =	vadd.s32 v14, v31  }
0x1b2: {  	v29 =	vadd.s32 v0, v20;
	[tilespmem:v23+s23+$0x0] =	vst.idx.msk $0xffff, v19;
	v19 =	vadd.f32 v28, v18  }
0x1b3: {  	v20 =	vadd.s32 v2, v20;
	[tilespmem:v26+s23+$0x0] =	vst.idx.msk $0xffff, v21;
	v21 =	vadd.f32 v30, v17  }
0x1b4: {  	[tilespmem:v22+s23+$0x0] =	vst.idx.msk $0xffff, v19;
	v19 =	vadd.f32 v50, v18  }
0x1b5: {  	s2 =	sshll.u32 s2, $0x11;
	v17 =	vadd.f32 v51, v17;
	[tilespmem:v24+s23+$0x0] =	vst.idx.msk $0xffff, v21  }
0x1b6: {  	s2 =	sor.u32 s5, s2;
	v18 =	vadd.f32 v27, v18;
	[tilespmem:v25+s23+$0x0] =	vst.idx.msk $0xffff, v19  }
0x1b7: {  	s2 =	sshrl.u32 s2, $0x3;
	[tilespmem:v29+s23+$0x0] =	vst.idx.msk $0xffff, v17  }
0x1b8: {  	s6 =	sadd.s32 s1, s2;
	[tilespmem:v20+s23+$0x0] =	vst.idx.msk $0xffff, v18  }
0x1b9: {  	[hbm4b:s6+s3] =	stream.linear.scatter [tilespmem:s23], [sflag:$0x5], $0x80, $0x38;
	[tilespmem:$0xDF00] =	vst v63  }
0x1ba: {  	s11 =	simm.s32 $0xA488;
	s20 =	sadd.s32 $0x10, s6  }
0x1bb: {  	[hbm4b:s20+s3] =	stream.linear.scatter [tilespmem:s11], [sflag:$0x5], $0x80, $0x38;
	[tilespmem:$0xDF00] =	vst v63  }
0x1bc: {  	s19 =	sadd.s32 $0x20, s6;
	s20 =	simm.s32 $0xA510  }
0x1bd: {  	[hbm4b:s19+s3] =	stream.linear.scatter [tilespmem:s20], [sflag:$0x5], $0x80, $0x38;
	[tilespmem:$0xDF00] =	vst v63  }
0x1be: {  	s19 =	sadd.s32 $0x30, s6;
	s20 =	simm.s32 $0xA598  }
0x1bf: {  	[hbm4b:s19+s3] =	stream.linear.scatter [tilespmem:s20], [sflag:$0x5], $0x80, $0x38;
	[tilespmem:$0xDF00] =	vst v63  }
0x1c0: {  	s19 =	sadd.s32 $0x40, s6;
	s20 =	simm.s32 $0xA620  }
0x1c1: {  	[hbm4b:s19+s3] =	stream.linear.scatter [tilespmem:s20], [sflag:$0x5], $0x80, $0x38;
	[tilespmem:$0xDF00] =	vst v63  }
0x1c2: {  	s19 =	sadd.s32 $0x50, s6;
	s20 =	simm.s32 $0xA6A8  }
0x1c3: {  	[hbm4b:s19+s3] =	stream.linear.scatter [tilespmem:s20], [sflag:$0x5], $0x80, $0x38;
	[tilespmem:$0xDF00] =	vst v63  }
0x1c4: {  	s11 =	sadd.s32 $0x60, s6;
	s19 =	simm.s32 $0xA730  }
0x1c5: {  	[hbm4b:s11+s3] =	stream.linear.scatter [tilespmem:s19], [sflag:$0x5], $0x80, $0x38;
	[tilespmem:$0xDF00] =	vst v63  }
0x1c6: {  	s6 =	sadd.s32 $0x70, s6;
	s20 =	simm.s32 $0xA7B8  }
0x1c7: {  	[hbm4b:s6+s3] =	stream.linear.scatter [tilespmem:s20], [sflag:$0x5], $0x80, $0x38;
	[tilespmem:$0xDF00] =	vst v63  }
0x1c8: {  	s11 =	simm.s32 $0xA840;
	s6 =	sadd.s32 s2, s8  }
0x1c9: {  	[hbm4b:s6+s3] =	stream.linear.scatter [tilespmem:s11], [sflag:$0x5], $0x80, $0x38;
	[tilespmem:$0xDF00] =	vst v63  }
0x1ca: {  	s20 =	simm.s32 $0xA8C8;
	s19 =	sadd.s32 $0x10, s6  }
0x1cb: {  	[hbm4b:s19+s3] =	stream.linear.scatter [tilespmem:s20], [sflag:$0x5], $0x80, $0x38;
	[tilespmem:$0xDF00] =	vst v63  }
0x1cc: {  	s19 =	sadd.s32 $0x20, s6;
	s20 =	simm.s32 $0xA950  }
0x1cd: {  	[hbm4b:s19+s3] =	stream.linear.scatter [tilespmem:s20], [sflag:$0x5], $0x80, $0x38;
	[tilespmem:$0xDF00] =	vst v63  }
0x1ce: {  	s19 =	sadd.s32 $0x30, s6;
	s20 =	simm.s32 $0xA9D8  }
0x1cf: {  	[hbm4b:s19+s3] =	stream.linear.scatter [tilespmem:s20], [sflag:$0x5], $0x80, $0x38;
	[tilespmem:$0xDF00] =	vst v63  }
0x1d0: {  	s19 =	sadd.s32 $0x40, s6;
	s20 =	simm.s32 $0xAA60  }
0x1d1: {  	[hbm4b:s19+s3] =	stream.linear.scatter [tilespmem:s20], [sflag:$0x5], $0x80, $0x38;
	[tilespmem:$0xDF00] =	vst v63  }
0x1d2: {  	s19 =	sadd.s32 $0x50, s6;
	s20 =	simm.s32 $0xAAE8  }
0x1d3: {  	[hbm4b:s19+s3] =	stream.linear.scatter [tilespmem:s20], [sflag:$0x5], $0x80, $0x38;
	[tilespmem:$0xDF00] =	vst v63  }
0x1d4: {  	s11 =	sadd.s32 $0x60, s6;
	s19 =	simm.s32 $0xAB70  }
0x1d5: {  	[hbm4b:s11+s3] =	stream.linear.scatter [tilespmem:s19], [sflag:$0x5], $0x80, $0x38;
	[tilespmem:$0xDF00] =	vst v63  }
0x1d6: {  	s6 =	sadd.s32 $0x70, s6;
	s20 =	simm.s32 $0xABF8  }
0x1d7: {  	[hbm4b:s6+s3] =	stream.linear.scatter [tilespmem:s20], [sflag:$0x5], $0x80, $0x38;
	[tilespmem:$0xDF00] =	vst v63  }
0x1d8: {  	s11 =	simm.s32 $0xAC80;
	s6 =	sadd.s32 s2, s9  }
0x1d9: {  	[hbm4b:s6+s3] =	stream.linear.scatter [tilespmem:s11], [sflag:$0x5], $0x80, $0x38;
	[tilespmem:$0xDF00] =	vst v63  }
0x1da: {  	s20 =	simm.s32 $0xAD08;
	s19 =	sadd.s32 $0x10, s6  }
0x1db: {  	[hbm4b:s19+s3] =	stream.linear.scatter [tilespmem:s20], [sflag:$0x5], $0x80, $0x38;
	[tilespmem:$0xDF00] =	vst v63  }
0x1dc: {  	s19 =	sadd.s32 $0x20, s6;
	s20 =	simm.s32 $0xAD90  }
0x1dd: {  	[hbm4b:s19+s3] =	stream.linear.scatter [tilespmem:s20], [sflag:$0x5], $0x80, $0x38;
	[tilespmem:$0xDF00] =	vst v63  }
0x1de: {  	s19 =	sadd.s32 $0x30, s6;
	s20 =	simm.s32 $0xAE18  }
0x1df: {  	[hbm4b:s19+s3] =	stream.linear.scatter [tilespmem:s20], [sflag:$0x5], $0x80, $0x38;
	[tilespmem:$0xDF00] =	vst v63  }
0x1e0: {  	s19 =	sadd.s32 $0x40, s6;
	s20 =	simm.s32 $0xAEA0  }
0x1e1: {  	[hbm4b:s19+s3] =	stream.linear.scatter [tilespmem:s20], [sflag:$0x5], $0x80, $0x38;
	[tilespmem:$0xDF00] =	vst v63  }
0x1e2: {  	s19 =	sadd.s32 $0x50, s6;
	s20 =	simm.s32 $0xAF28  }
0x1e3: {  	[hbm4b:s19+s3] =	stream.linear.scatter [tilespmem:s20], [sflag:$0x5], $0x80, $0x38;
	[tilespmem:$0xDF00] =	vst v63  }
0x1e4: {  	s11 =	sadd.s32 $0x60, s6;
	s19 =	simm.s32 $0xAFB0  }
0x1e5: {  	[hbm4b:s11+s3] =	stream.linear.scatter [tilespmem:s19], [sflag:$0x5], $0x80, $0x38;
	[tilespmem:$0xDF00] =	vst v63  }
0x1e6: {  	s6 =	sadd.s32 $0x70, s6;
	s20 =	simm.s32 $0xB038  }
0x1e7: {  	[hbm4b:s6+s3] =	stream.linear.scatter [tilespmem:s20], [sflag:$0x5], $0x80, $0x38;
	[tilespmem:$0xDF00] =	vst v63  }
0x1e8: {  	s2 =	sadd.s32 s2, s10;
	s11 =	simm.s32 $0xB0C0  }
0x1e9: {  	[hbm4b:s2+s3] =	stream.linear.scatter [tilespmem:s11], [sflag:$0x5], $0x80, $0x38;
	[tilespmem:$0xDF00] =	vst v63  }
0x1ea: {  	s19 =	sadd.s32 $0x10, s2;
	s20 =	simm.s32 $0xB148  }
0x1eb: {  	[hbm4b:s19+s3] =	stream.linear.scatter [tilespmem:s20], [sflag:$0x5], $0x80, $0x38;
	[tilespmem:$0xDF00] =	vst v63  }
0x1ec: {  	s7 =	sadd.s32 $0x20, s2;
	s11 =	simm.s32 $0xB1D0  }
0x1ed: {  	[hbm4b:s7+s3] =	stream.linear.scatter [tilespmem:s11], [sflag:$0x5], $0x80, $0x38;
	[tilespmem:$0xDF00] =	vst v63  }
0x1ee: {  	s19 =	sadd.s32 $0x30, s2;
	s20 =	simm.s32 $0xB258  }
0x1ef: {  	[hbm4b:s19+s3] =	stream.linear.scatter [tilespmem:s20], [sflag:$0x5], $0x80, $0x38;
	[tilespmem:$0xDF00] =	vst v63  }
0x1f0: {  	s7 =	sadd.s32 $0x40, s2;
	s11 =	simm.s32 $0xB2E0  }
0x1f1: {  	[hbm4b:s7+s3] =	stream.linear.scatter [tilespmem:s11], [sflag:$0x5], $0x80, $0x38;
	[tilespmem:$0xDF00] =	vst v63  }
0x1f2: {  	s19 =	sadd.s32 $0x50, s2;
	s20 =	simm.s32 $0xB368  }
0x1f3: {  	[hbm4b:s19+s3] =	stream.linear.scatter [tilespmem:s20], [sflag:$0x5], $0x80, $0x38;
	[tilespmem:$0xDF00] =	vst v63  }
0x1f4: {  	s7 =	sadd.s32 $0x60, s2;
	s11 =	simm.s32 $0xB3F0  }
0x1f5: {  	[hbm4b:s7+s3] =	stream.linear.scatter [tilespmem:s11], [sflag:$0x5], $0x80, $0x38;
	[tilespmem:$0xDF00] =	vst v63  }
0x1f6: {  	s2 =	sadd.s32 $0x70, s2;
	s19 =	simm.s32 $0xB478  }
0x1f7: {  	[hbm4b:s2+s3] =	stream.linear.scatter [tilespmem:s19], [sflag:$0x5], $0x80, $0x38;
	[tilespmem:$0xDF00] =	vst v63  }
0x1f8: {  	s2 =	sadd.s32 @!p0 $0x300, s18  }
0x1f9: {  	s6 =	simm.s32 @!p0 $0x80;
	s7 =	simm.s32 @!p0 $0x8400;
	s2 =	sand.u32 @!p0 $0xFF00, s2  }
0x1fa: {  	[tilespmem:s7], [sflag:$0x3] =	stream.indirect.gather @!p0 [hbm4b:s4+s6], $0x20, s2, s6, $0xb8;
	[tilespmem:$0xDF00] =	vst v63  }
0x1fb: {  	_ =	swait.ge [sflag:s29], $0x1000  }
0x1fc: {  	[sflag:s29] =	ssyncset.done $0x0  }
0x1fd: {  	[sflag:s29] =	ssyncadd.s32 $0xFFFFF000  }
0x1fe: {  	_ =	swait.ge [sflag:s13], $0x400  }
0x1ff: {  	[sflag:s13] =	ssyncset.done $0x0  }
0x200: {  	[sflag:s13] =	ssyncadd.s32 $0xFFFFFC00  }
0x201: {  	_ =	swait.ge [sflag:s13], $0x400  }
0x202: {  	[sflag:s13] =	ssyncset.done $0x0  }
0x203: {  	[sflag:s13] =	ssyncadd.s32 $0xFFFFFC00  }
0x204: {  	_ =	swait.ge [sflag:s13], $0x400  }
0x205: {  	[sflag:s13] =	ssyncset.done $0x0  }
0x206: {  	s20 =	simm.s32 $0x0;
	[sflag:s13] =	ssyncadd.s32 $0xFFFFFC00  }
0x207: {  	v17 =	vmov s20;
	s20 =	simm.s32 $0x5;
	_ =	swait.ge [sflag:s13], $0x400  }
0x208: {  	v19 =	vshrl.u32 v17, $0x3;
	s11 =	simm.s32 $0x3;
	v24 =	vmov s20;
	[sflag:s13] =	ssyncset.done $0x0  }
0x209: {  	s0 =	sshrl.u32 s0, $0x2;
	v22 =	vmov s11;
	v26 =	vshll.u32 v19, v1;
	v24 =	vshrl.u32 v24, $0x3;
	s18 =	simm.s32 $0x7;
	[sflag:s13] =	ssyncadd.s32 $0xFFFFFC00  }
0x20a: {  	s19 =	simm.s32 $0x4;
	v22 =	vshrl.u32 v22, $0x3;
	v24 =	vshll.u32 v24, v1;
	v18 =	vmov s18;
	v17 =	vld [tilespmem:s0+$0xC600]  }
0x20b: {  	v23 =	vmov s19;
	v22 =	vshll.u32 v22, v1;
	s6 =	simm.s32 $0x1;
	v25 =	vshrl.u32 v18, $0x3;
	v18 =	vld [tilespmem:s0+$0xC610];
	s0 =	simm.s32 $0x94F0  }
0x20c: {  	v23 =	vshrl.u32 v23, $0x3;
	v20 =	vmov s6;
	v25 =	vshll.u32 v25, v1;
	v27 =	vld [tilespmem:s0+$0xFFFFFFF0]  }
0x20d: {  	s7 =	simm.s32 $0x2;
	v22 =	vbroadcast v22, $0x0;
	v20 =	vshrl.u32 v20, $0x3;
	v25 =	vbroadcast v25, $0x0;
	v28 =	vld [tilespmem:s0+$0x0]  }
0x20e: {  	v21 =	vmov s7;
	v23 =	vshll.u32 v23, v1;
	v20 =	vshll.u32 v20, v1;
	v29 =	vld [tilespmem:s0+$0xFFFFFF20]  }
0x20f: {  	s6 =	simm.s32 $0x6;
	v21 =	vshrl.u32 v21, $0x3;
	v30 =	vadd.s32 v15, v25;
	v20 =	vbroadcast v20, $0x0;
	v31 =	vld [tilespmem:s0+$0xFFFFFF30]  }
0x210: {  	v19 =	vmov s6;
	v21 =	vshll.u32 v21, v1;
	v25 =	vadd.s32 v16, v25;
	v52 =	vld [tilespmem:s0+$0xFFFFFF40]  }
0x211: {  	v19 =	vshrl.u32 v19, $0x3;
	v21 =	vbroadcast v21, $0x0;
	v53 =	vadd.s32 v3, v20;
	v54 =	vld [tilespmem:s0+$0xFFFFFF50]  }
0x212: {  	v56 =	vshll.u32 v19, v1;
	v20 =	vadd.s32 v4, v20;
	v55 =	vld [tilespmem:s0+$0xFFFFFF60];
	v27 =	vadd.f32 v27, v17  }
0x213: {  	v37 =	vld [tilespmem:s0+$0xFFFFFF70];
	v28 =	vadd.f32 v28, v18;
	v19 =	vadd.f32 v29, v18;
	v29 =	vadd.s32 v5, v21  }
0x214: {  	v21 =	vadd.s32 v6, v21;
	[tilespmem:v30+s15+$0x0] =	vst.idx.msk $0xffff, v27;
	v27 =	vadd.f32 v31, v17;
	v30 =	vld [tilespmem:s0+$0xFFFFFF80]  }
0x215: {  	v23 =	vbroadcast v23, $0x0;
	v31 =	vld [tilespmem:s0+$0xFFFFFF90];
	[tilespmem:v25+s15+$0x0] =	vst.idx.msk $0xffff, v28;
	v25 =	vadd.f32 v52, v18;
	v28 =	vadd.s32 v7, v22  }
0x216: {  	v57 =	vld [tilespmem:s0+$0xFFFFFFA0];
	v22 =	vadd.s32 v8, v22;
	[tilespmem:v53+s15+$0x0] =	vst.idx.msk $0xffff, v27;
	v27 =	vadd.f32 v54, v17  }
0x217: {  	v58 =	vadd.s32 v9, v23;
	[tilespmem:v20+s15+$0x0] =	vst.idx.msk $0xffff, v25;
	v20 =	vadd.f32 v55, v18  }
0x218: {  	v59 =	vld [tilespmem:s0+$0xFFFFFFB0];
	[tilespmem:v29+s15+$0x0] =	vst.idx.msk $0xffff, v27;
	v27 =	vadd.f32 v37, v17;
	v29 =	vadd.s32 v10, v23  }
0x219: {  	v24 =	vbroadcast v24, $0x0;
	v60 =	vld [tilespmem:s0+$0xFFFFFFC0];
	[tilespmem:v21+s15+$0x0] =	vst.idx.msk $0xffff, v20;
	v21 =	vadd.f32 v30, v18  }
0x21a: {  	[tilespmem:v28+s15+$0x0] =	vst.idx.msk $0xffff, v27;
	v27 =	vadd.f32 v31, v17  }
0x21b: {  	s20 =	simm.s32 $0xF;
	v36 =	vbroadcast v56, $0x0;
	v61 =	vld [tilespmem:s0+$0xFFFFFFD0];
	v30 =	vadd.s32 v11, v24;
	[tilespmem:v22+s15+$0x0] =	vst.idx.msk $0xffff, v21;
	v21 =	vadd.f32 v57, v18  }
0x21c: {  	v32 =	vmov s20;
	v38 =	vld [tilespmem:s0+$0xFFFFFFE0];
	v31 =	vadd.s32 v12, v24;
	[tilespmem:v58+s15+$0x0] =	vst.idx.msk $0xffff, v27  }
0x21d: {  	s2 =	simm.s32 $0x8;
	v62 =	vadd.f32 v59, v17;
	v23 =	vadd.s32 v13, v36;
	v28 =	vbroadcast v26, $0x0;
	[tilespmem:v29+s15+$0x0] =	vst.idx.msk $0xffff, v21;
	v29 =	vld [tilespmem:s0+$0xFFFFFF10]  }
0x21e: {  	s7 =	simm.s32 $0x9;
	v63 =	vadd.f32 v60, v18;
	v25 =	vmov s2;
	v24 =	vadd.s32 v14, v36  }
0x21f: {  	s11 =	simm.s32 $0xA;
	v20 =	vshrl.u32 v25, $0x3;
	v25 =	vmov s7;
	v22 =	vadd.s32 v0, v28  }
0x220: {  	s18 =	simm.s32 $0xB;
	s19 =	simm.s32 $0xC;
	v26 =	vmov s11;
	v21 =	vadd.s32 v2, v28;
	[tilespmem:v30+s15+$0x0] =	vst.idx.msk $0xffff, v62;
	v30 =	vadd.f32 v61, v17  }
0x221: {  	s6 =	simm.s32 $0x10;
	s7 =	simm.s32 $0xD;
	v27 =	vmov s18;
	v28 =	vmov s19;
	[tilespmem:v31+s15+$0x0] =	vst.idx.msk $0xffff, v63;
	v31 =	vadd.f32 v38, v18  }
.LBB2_13:
0x222: {  	p0 =	slt.u32 s6, $0x78;
	v33 =	vmov s7;
	s7 =	sadd.s32 $0x6, s2;
	v32 =	vshrl.u32 v32, $0x3;
	v29 =	vadd.f32 v29, v17;
	[tilespmem:v23+s15+$0x0] =	vst.idx.msk $0xffff, v30;
	s2 =	smov.u32 s6  }
0x223: {  	v23 =	vshll.u32 v20, v1;
	s0 =	sadd.s32 $0x100, s0;
	v20 =	vmov s7;
	v30 =	vshll.u32 v32, v1;
	[tilespmem:v24+s15+$0x0] =	vst.idx.msk $0xffff, v31  }
0x224: {  	v24 =	vshrl.u32 v25, $0x3;
	v25 =	vshrl.u32 v26, $0x3;
	v26 =	vld [tilespmem:s0+$0xFFFFFFF0];
	v30 =	vbroadcast v30, $0x0;
	[tilespmem:v22+s15+$0x0] =	vst.idx.msk $0xffff, v29  }
0x225: {  	v22 =	vshrl.u32 v27, $0x3;
	v27 =	vshrl.u32 v28, $0x3;
	v28 =	vshrl.u32 v33, $0x3;
	v29 =	vld [tilespmem:s0+$0x0];
	[tilespmem:v21+s15+$0x0] =	vst.idx.msk $0xffff, v19  }
0x226: {  	v20 =	vshrl.u32 v20, $0x3;
	v21 =	vshll.u32 v24, v1;
	v19 =	vld [tilespmem:s0+$0xFFFFFF20];
	v24 =	vadd.s32 v15, v30  }
0x227: {  	v25 =	vshll.u32 v25, v1;
	v21 =	vbroadcast v21, $0x0;
	v30 =	vadd.s32 v16, v30;
	v31 =	vld [tilespmem:s0+$0xFFFFFF30]  }
0x228: {  	v22 =	vshll.u32 v22, v1;
	v27 =	vshll.u32 v27, v1;
	v28 =	vshll.u32 v28, v1;
	v32 =	vld [tilespmem:s0+$0xFFFFFF40]  }
0x229: {  	v25 =	vbroadcast v25, $0x0;
	v33 =	vadd.s32 v3, v21;
	v34 =	vld [tilespmem:s0+$0xFFFFFF50];
	v26 =	vadd.f32 v26, v17  }
0x22a: {  	v20 =	vshll.u32 v20, v1;
	v21 =	vadd.s32 v4, v21;
	v35 =	vld [tilespmem:s0+$0xFFFFFF60];
	v29 =	vadd.f32 v29, v18  }
0x22b: {  	v22 =	vbroadcast v22, $0x0;
	v36 =	vadd.s32 v5, v25;
	v19 =	vadd.f32 v19, v18;
	v37 =	vld [tilespmem:s0+$0xFFFFFF70];
	[tilespmem:v24+s15+$0x0] =	vst.idx.msk $0xffff, v26  }
0x22c: {  	v25 =	vadd.s32 v6, v25;
	v24 =	vadd.f32 v31, v17;
	v26 =	vld [tilespmem:s0+$0xFFFFFF80];
	[tilespmem:v30+s15+$0x0] =	vst.idx.msk $0xffff, v29  }
0x22d: {  	v27 =	vbroadcast v27, $0x0;
	v30 =	vadd.s32 v7, v22;
	v29 =	vadd.f32 v32, v18;
	v31 =	vld [tilespmem:s0+$0xFFFFFF90]  }
0x22e: {  	v22 =	vadd.s32 v8, v22;
	[tilespmem:v33+s15+$0x0] =	vst.idx.msk $0xffff, v24;
	v24 =	vadd.f32 v34, v17;
	v32 =	vld [tilespmem:s0+$0xFFFFFFA0]  }
0x22f: {  	v28 =	vbroadcast v28, $0x0;
	v33 =	vadd.s32 v9, v27;
	[tilespmem:v21+s15+$0x0] =	vst.idx.msk $0xffff, v29;
	v21 =	vadd.f32 v35, v18;
	v34 =	vld [tilespmem:s0+$0xFFFFFFB0]  }
0x230: {  	v27 =	vadd.s32 v10, v27;
	v29 =	vmov s6;
	[tilespmem:v36+s15+$0x0] =	vst.idx.msk $0xffff, v24;
	v24 =	vadd.f32 v37, v17;
	v35 =	vld [tilespmem:s0+$0xFFFFFFC0]  }
0x231: {  	v36 =	vadd.s32 v11, v28;
	[tilespmem:v25+s15+$0x0] =	vst.idx.msk $0xffff, v21;
	v21 =	vadd.f32 v26, v18;
	v37 =	vld [tilespmem:s0+$0xFFFFFFD0];
	v26 =	vbroadcast v20, $0x0  }
0x232: {  	v20 =	vshrl.u32 v29, $0x3;
	[tilespmem:v30+s15+$0x0] =	vst.idx.msk $0xffff, v24;
	v24 =	vadd.f32 v31, v17;
	v31 =	vadd.s32 v12, v28;
	v38 =	vld [tilespmem:s0+$0xFFFFFFE0]  }
.Ltmp6:
0x233: {  	s7 =	sadd.s32 $0x1, s6;
	v28 =	vbroadcast v23, $0x0;
	v29 =	vld [tilespmem:s0+$0xFFFFFF10];
	[tilespmem:v22+s15+$0x0] =	vst.idx.msk $0xffff, v21;
	v21 =	vadd.f32 v32, v18;
	v23 =	vadd.s32 v13, v26;
	(pc) =	sbr.rel @p0 .LBB2_13-.Ltmp6, $4  }
0x234: {  	v25 =	vmov s7;
	s7 =	sadd.s32 $0x2, s6;
	[tilespmem:v33+s15+$0x0] =	vst.idx.msk $0xffff, v24;
	v30 =	vadd.f32 v34, v17;
	v24 =	vadd.s32 v14, v26  }
0x235: {  	v26 =	vmov s7;
	s7 =	sadd.s32 $0x3, s6;
	v22 =	vadd.s32 v0, v28;
	[tilespmem:v27+s15+$0x0] =	vst.idx.msk $0xffff, v21;
	v33 =	vadd.f32 v35, v18  }
0x236: {  	s11 =	sadd.s32 $0x7, s6;
	v27 =	vmov s7;
	s7 =	sadd.s32 $0x4, s6;
	v21 =	vadd.s32 v2, v28;
	[tilespmem:v36+s15+$0x0] =	vst.idx.msk $0xffff, v30;
	v30 =	vadd.f32 v37, v17  }
0x237: {  	v32 =	vmov s11;
	s6 =	sadd.s32 $0x8, s6;
	v28 =	vmov s7;
	s7 =	sadd.s32 $0x5, s2;
	[tilespmem:v31+s15+$0x0] =	vst.idx.msk $0xffff, v33;
	v31 =	vadd.f32 v38, v18  }
0x238: {  	v33 =	vmov s7;
	v32 =	vshrl.u32 v32, $0x3;
	v29 =	vadd.f32 v29, v17  }
0x239: {  	v20 =	vshll.u32 v20, v1;
	v25 =	vshrl.u32 v25, $0x3;
	v26 =	vshrl.u32 v26, $0x3  }
0x23a: {  	s2 =	sadd.s32 $0x6, s2;
	s0 =	sadd.s32 $0x100, s0;
	v27 =	vshrl.u32 v27, $0x3;
	v28 =	vshrl.u32 v28, $0x3;
	v32 =	vshll.u32 v32, v1  }
0x23b: {  	v34 =	vmov s2;
	v35 =	vld [tilespmem:s0+$0xFFFFFFF0];
	v25 =	vshll.u32 v25, v1;
	v32 =	vbroadcast v32, $0x0  }
0x23c: {  	[tilespmem:v23+s15+$0x0] =	vst.idx.msk $0xffff, v30;
	v55 =	vshrl.u32 v33, $0x3;
	v59 =	vld [tilespmem:s0+$0xFFFFFF30];
	v26 =	vshll.u32 v26, v1;
	v25 =	vbroadcast v25, $0x0  }
0x23d: {  	v56 =	vld [tilespmem:s0+$0x0];
	v27 =	vshll.u32 v27, v1;
	v28 =	vshll.u32 v28, v1;
	v58 =	vadd.s32 v15, v32  }
0x23e: {  	[tilespmem:v24+s15+$0x0] =	vst.idx.msk $0xffff, v31;
	v63 =	vld [tilespmem:s0+$0xFFFFFF50];
	v57 =	vshrl.u32 v34, $0x3;
	v26 =	vbroadcast v26, $0x0;
	v62 =	vadd.s32 v3, v25  }
0x23f: {  	v60 =	vld [tilespmem:s0+$0xFFFFFF40];
	[tilespmem:v22+s15+$0x0] =	vst.idx.msk $0xffff, v29;
	v61 =	vshll.u32 v55, v1;
	v27 =	vbroadcast v27, $0x0;
	v32 =	vadd.s32 v16, v32  }
0x240: {  	v39 =	vld [tilespmem:s0+$0xFFFFFF70];
	v33 =	vshll.u32 v57, v1;
	v38 =	vadd.s32 v5, v26;
	v35 =	vadd.f32 v35, v17  }
0x241: {  	v36 =	vld [tilespmem:s0+$0xFFFFFF60];
	[tilespmem:v21+s15+$0x0] =	vst.idx.msk $0xffff, v19;
	v25 =	vadd.s32 v4, v25;
	v40 =	vadd.f32 v59, v17  }
0x242: {  	v43 =	vld [tilespmem:s0+$0xFFFFFF90];
	v28 =	vbroadcast v28, $0x0;
	v42 =	vadd.s32 v7, v27;
	v19 =	vadd.f32 v56, v18;
	[tilespmem:v58+s15+$0x0] =	vst.idx.msk $0xffff, v35  }
0x243: {  	v41 =	vld [tilespmem:s0+$0xFFFFFF80];
	v26 =	vadd.s32 v6, v26;
	v44 =	vadd.f32 v63, v17;
	[tilespmem:v62+s15+$0x0] =	vst.idx.msk $0xffff, v40  }
0x244: {  	v48 =	vld [tilespmem:s0+$0xFFFFFFB0];
	v22 =	vbroadcast v61, $0x0;
	v47 =	vadd.s32 v9, v28;
	[tilespmem:v32+s15+$0x0] =	vst.idx.msk $0xffff, v19;
	v19 =	vadd.f32 v60, v18  }
0x245: {  	v46 =	vld [tilespmem:s0+$0xFFFFFFA0];
	v45 =	vadd.s32 v8, v27;
	v49 =	vadd.f32 v39, v17;
	[tilespmem:v38+s15+$0x0] =	vst.idx.msk $0xffff, v44  }
0x246: {  	v53 =	vld [tilespmem:s0+$0xFFFFFFD0];
	v54 =	vbroadcast v33, $0x0;
	v52 =	vadd.s32 v11, v22;
	[tilespmem:v25+s15+$0x0] =	vst.idx.msk $0xffff, v19;
	v19 =	vadd.f32 v36, v18  }
0x247: {  	v51 =	vld [tilespmem:s0+$0xFFFFFFC0];
	v50 =	vadd.s32 v10, v28;
	v55 =	vadd.f32 v43, v17;
	[tilespmem:v42+s15+$0x0] =	vst.idx.msk $0xffff, v49  }
0x248: {  	v20 =	vbroadcast v20, $0x0;
	v57 =	vld [tilespmem:s0+$0xFFFFFF10];
	v58 =	vadd.s32 v13, v54;
	[tilespmem:v26+s15+$0x0] =	vst.idx.msk $0xffff, v19;
	v19 =	vadd.f32 v41, v18  }
0x249: {  	v22 =	vadd.s32 v12, v22;
	v56 =	vld [tilespmem:s0+$0xFFFFFFE0];
	[tilespmem:v47+s15+$0x0] =	vst.idx.msk $0xffff, v55;
	v60 =	vadd.f32 v48, v17  }
0x24a: {  	v59 =	vld [tilespmem:s0+$0xFFFFFF20];
	v62 =	vadd.s32 v0, v20;
	[tilespmem:v45+s15+$0x0] =	vst.idx.msk $0xffff, v19;
	v19 =	vadd.f32 v46, v18  }
0x24b: {  	v61 =	vadd.s32 v14, v54;
	v63 =	vadd.f32 v53, v17;
	[tilespmem:v52+s15+$0x0] =	vst.idx.msk $0xffff, v60  }
0x24c: {  	v20 =	vadd.s32 v2, v20;
	[tilespmem:v50+s15+$0x0] =	vst.idx.msk $0xffff, v19;
	v19 =	vadd.f32 v51, v18  }
0x24d: {  	v17 =	vadd.f32 v57, v17;
	[tilespmem:v58+s15+$0x0] =	vst.idx.msk $0xffff, v63  }
0x24e: {  	s7 =	sshll.u32 s31, $0x11;
	[tilespmem:v22+s15+$0x0] =	vst.idx.msk $0xffff, v19;
	v19 =	vadd.f32 v56, v18  }
0x24f: {  	s0 =	sor.u32 s5, s7;
	[tilespmem:v62+s15+$0x0] =	vst.idx.msk $0xffff, v17;
	v18 =	vadd.f32 v59, v18  }
0x250: {  	s0 =	sshrl.u32 s0, $0x3;
	[tilespmem:v61+s15+$0x0] =	vst.idx.msk $0xffff, v19  }
0x251: {  	s2 =	sadd.s32 s1, s0;
	[tilespmem:v20+s15+$0x0] =	vst.idx.msk $0xffff, v18  }
0x252: {  	[hbm4b:s2+s3] =	stream.linear.scatter [tilespmem:s15], [sflag:$0x6], $0x80, $0x38;
	[tilespmem:$0xDF00] =	vst v63  }
0x253: {  	s11 =	simm.s32 $0xB588;
	s6 =	sadd.s32 $0x10, s2  }
0x254: {  	[hbm4b:s6+s3] =	stream.linear.scatter [tilespmem:s11], [sflag:$0x6], $0x80, $0x38;
	[tilespmem:$0xDF00] =	vst v63  }
0x255: {  	s19 =	simm.s32 $0xB610;
	s18 =	sadd.s32 $0x20, s2  }
0x256: {  	[hbm4b:s18+s3] =	stream.linear.scatter [tilespmem:s19], [sflag:$0x6], $0x80, $0x38;
	[tilespmem:$0xDF00] =	vst v63  }
0x257: {  	s31 =	simm.s32 $0xB698;
	s20 =	sadd.s32 $0x30, s2  }
0x258: {  	[hbm4b:s20+s3] =	stream.linear.scatter [tilespmem:s31], [sflag:$0x6], $0x80, $0x38;
	[tilespmem:$0xDF00] =	vst v63  }
0x259: {  	s7 =	sadd.s32 $0x40, s2;
	s11 =	simm.s32 $0xB720  }
0x25a: {  	[hbm4b:s7+s3] =	stream.linear.scatter [tilespmem:s11], [sflag:$0x6], $0x80, $0x38;
	[tilespmem:$0xDF00] =	vst v63  }
0x25b: {  	s18 =	sadd.s32 $0x50, s2;
	s19 =	simm.s32 $0xB7A8  }
0x25c: {  	[hbm4b:s18+s3] =	stream.linear.scatter [tilespmem:s19], [sflag:$0x6], $0x80, $0x38;
	[tilespmem:$0xDF00] =	vst v63  }
0x25d: {  	s20 =	sadd.s32 $0x60, s2;
	s31 =	simm.s32 $0xB830  }
0x25e: {  	[hbm4b:s20+s3] =	stream.linear.scatter [tilespmem:s31], [sflag:$0x6], $0x80, $0x38;
	[tilespmem:$0xDF00] =	vst v63  }
0x25f: {  	s2 =	sadd.s32 $0x70, s2;
	s7 =	simm.s32 $0xB8B8  }
0x260: {  	[hbm4b:s2+s3] =	stream.linear.scatter [tilespmem:s7], [sflag:$0x6], $0x80, $0x38;
	[tilespmem:$0xDF00] =	vst v63  }
0x261: {  	s11 =	simm.s32 $0xB940;
	s2 =	sadd.s32 s0, s8  }
0x262: {  	[hbm4b:s2+s3] =	stream.linear.scatter [tilespmem:s11], [sflag:$0x6], $0x80, $0x38;
	[tilespmem:$0xDF00] =	vst v63  }
0x263: {  	s19 =	simm.s32 $0xB9C8;
	s18 =	sadd.s32 $0x10, s2  }
0x264: {  	[hbm4b:s18+s3] =	stream.linear.scatter [tilespmem:s19], [sflag:$0x6], $0x80, $0x38;
	[tilespmem:$0xDF00] =	vst v63  }
0x265: {  	s31 =	simm.s32 $0xBA50;
	s20 =	sadd.s32 $0x20, s2  }
0x266: {  	[hbm4b:s20+s3] =	stream.linear.scatter [tilespmem:s31], [sflag:$0x6], $0x80, $0x38;
	[tilespmem:$0xDF00] =	vst v63  }
0x267: {  	s7 =	sadd.s32 $0x30, s2;
	s11 =	simm.s32 $0xBAD8  }
0x268: {  	[hbm4b:s7+s3] =	stream.linear.scatter [tilespmem:s11], [sflag:$0x6], $0x80, $0x38;
	[tilespmem:$0xDF00] =	vst v63  }
0x269: {  	s18 =	sadd.s32 $0x40, s2;
	s19 =	simm.s32 $0xBB60  }
0x26a: {  	[hbm4b:s18+s3] =	stream.linear.scatter [tilespmem:s19], [sflag:$0x6], $0x80, $0x38;
	[tilespmem:$0xDF00] =	vst v63  }
0x26b: {  	s20 =	sadd.s32 $0x50, s2;
	s31 =	simm.s32 $0xBBE8  }
0x26c: {  	[hbm4b:s20+s3] =	stream.linear.scatter [tilespmem:s31], [sflag:$0x6], $0x80, $0x38;
	[tilespmem:$0xDF00] =	vst v63  }
0x26d: {  	s7 =	sadd.s32 $0x60, s2;
	s11 =	simm.s32 $0xBC70  }
0x26e: {  	[hbm4b:s7+s3] =	stream.linear.scatter [tilespmem:s11], [sflag:$0x6], $0x80, $0x38;
	[tilespmem:$0xDF00] =	vst v63  }
0x26f: {  	s2 =	sadd.s32 $0x70, s2;
	s18 =	simm.s32 $0xBCF8  }
0x270: {  	[hbm4b:s2+s3] =	stream.linear.scatter [tilespmem:s18], [sflag:$0x6], $0x80, $0x38;
	[tilespmem:$0xDF00] =	vst v63  }
0x271: {  	s19 =	simm.s32 $0xBD80;
	s2 =	sadd.s32 s0, s9  }
0x272: {  	[hbm4b:s2+s3] =	stream.linear.scatter [tilespmem:s19], [sflag:$0x6], $0x80, $0x38;
	[tilespmem:$0xDF00] =	vst v63  }
0x273: {  	s31 =	simm.s32 $0xBE08;
	s20 =	sadd.s32 $0x10, s2  }
0x274: {  	[hbm4b:s20+s3] =	stream.linear.scatter [tilespmem:s31], [sflag:$0x6], $0x80, $0x38;
	[tilespmem:$0xDF00] =	vst v63  }
0x275: {  	s11 =	simm.s32 $0xBE90;
	s7 =	sadd.s32 $0x20, s2  }
0x276: {  	[hbm4b:s7+s3] =	stream.linear.scatter [tilespmem:s11], [sflag:$0x6], $0x80, $0x38;
	[tilespmem:$0xDF00] =	vst v63  }
0x277: {  	s18 =	sadd.s32 $0x30, s2;
	s19 =	simm.s32 $0xBF18  }
0x278: {  	[hbm4b:s18+s3] =	stream.linear.scatter [tilespmem:s19], [sflag:$0x6], $0x80, $0x38;
	[tilespmem:$0xDF00] =	vst v63  }
0x279: {  	s20 =	sadd.s32 $0x40, s2;
	s31 =	simm.s32 $0xBFA0  }
0x27a: {  	[hbm4b:s20+s3] =	stream.linear.scatter [tilespmem:s31], [sflag:$0x6], $0x80, $0x38;
	[tilespmem:$0xDF00] =	vst v63  }
0x27b: {  	s7 =	sadd.s32 $0x50, s2;
	s11 =	simm.s32 $0xC028  }
0x27c: {  	[hbm4b:s7+s3] =	stream.linear.scatter [tilespmem:s11], [sflag:$0x6], $0x80, $0x38;
	[tilespmem:$0xDF00] =	vst v63  }
0x27d: {  	s18 =	sadd.s32 $0x60, s2;
	s19 =	simm.s32 $0xC0B0  }
0x27e: {  	[hbm4b:s18+s3] =	stream.linear.scatter [tilespmem:s19], [sflag:$0x6], $0x80, $0x38;
	[tilespmem:$0xDF00] =	vst v63  }
0x27f: {  	s2 =	sadd.s32 $0x70, s2;
	s20 =	simm.s32 $0xC138  }
0x280: {  	[hbm4b:s2+s3] =	stream.linear.scatter [tilespmem:s20], [sflag:$0x6], $0x80, $0x38;
	[tilespmem:$0xDF00] =	vst v63  }
0x281: {  	s0 =	sadd.s32 s0, s10;
	s31 =	simm.s32 $0xC1C0  }
0x282: {  	[hbm4b:s0+s3] =	stream.linear.scatter [tilespmem:s31], [sflag:$0x6], $0x80, $0x38;
	[tilespmem:$0xDF00] =	vst v63  }
0x283: {  	s6 =	sadd.s32 $0x10, s0;
	s7 =	simm.s32 $0xC248  }
0x284: {  	[hbm4b:s6+s3] =	stream.linear.scatter [tilespmem:s7], [sflag:$0x6], $0x80, $0x38;
	[tilespmem:$0xDF00] =	vst v63  }
0x285: {  	s11 =	sadd.s32 $0x20, s0  }
0x286: {  	[hbm4b:s11+s3] =	stream.linear.scatter [tilespmem:s14], [sflag:$0x6], $0x80, $0x38;
	[tilespmem:$0xDF00] =	vst v63  }
0x287: {  	s18 =	sadd.s32 $0x30, s0  }
0x288: {  	[hbm4b:s18+s3] =	stream.linear.scatter [tilespmem:s17], [sflag:$0x6], $0x80, $0x38;
	[tilespmem:$0xDF00] =	vst v63  }
0x289: {  	s30 =	sadd.s32 $0x1, s30;
	s19 =	sadd.s32 $0x40, s0  }
0x28a: {  	[hbm4b:s19+s3] =	stream.linear.scatter [tilespmem:s21], [sflag:$0x6], $0x80, $0x38;
	[tilespmem:$0xDF00] =	vst v63  }
0x28b: {  	p0 =	sne.s32 s30, $0x32;
	s20 =	sadd.s32 $0x50, s0  }
0x28c: {  	[hbm4b:s20+s3] =	stream.linear.scatter [tilespmem:s16], [sflag:$0x6], $0x80, $0x38;
	[tilespmem:$0xDF00] =	vst v63  }
.Ltmp7:
0x28d: {  	_ = 	snop;
	(pc) =	sbr.rel @p0 .LBB2_2-.Ltmp7, $4  }
0x28e: {  	s31 =	sadd.s32 $0x60, s0  }
0x28f: {  	[hbm4b:s31+s3] =	stream.linear.scatter [tilespmem:s24], [sflag:$0x6], $0x80, $0x38;
	[tilespmem:$0xDF00] =	vst v63  }
0x290: {  	s0 =	sadd.s32 $0x70, s0  }
0x291: {  	[hbm4b:s0+s3] =	stream.linear.scatter [tilespmem:s25], [sflag:$0x6], $0x80, $0x38;
	[tilespmem:$0xDF00] =	vst v63  }
0x292: {  	_ =	swait.ge [sflag:s28], $0x400  }
0x293: {  	[sflag:s28] =	ssyncset.done $0x0  }
0x294: {  	[sflag:s28] =	ssyncadd.s32 $0xFFFFFC00  }
0x295: {  	_ =	swait.ge [sflag:s28], $0x400  }
0x296: {  	[sflag:s28] =	ssyncset.done $0x0  }
0x297: {  	[sflag:s28] =	ssyncadd.s32 $0xFFFFFC00  }
0x298: {  	_ =	swait.ge [sflag:s28], $0x400  }
0x299: {  	[sflag:s28] =	ssyncset.done $0x0  }
0x29a: {  	[sflag:s28] =	ssyncadd.s32 $0xFFFFFC00  }
0x29b: {  	_ =	swait.ge [sflag:s28], $0x400  }
0x29c: {  	[sflag:s28] =	ssyncset.done $0x0  }
0x29d: {  	[sflag:s28] =	ssyncadd.s32 $0xFFFFFC00  }
0x29e: {  	_ =	swait.ge [sflag:s13], $0x400  }
0x29f: {  	[sflag:s13] =	ssyncset.done $0x0  }
0x2a0: {  	[sflag:s13] =	ssyncadd.s32 $0xFFFFFC00  }
0x2a1: {  	_ =	swait.ge [sflag:s13], $0x400  }
0x2a2: {  	[sflag:s13] =	ssyncset.done $0x0  }
0x2a3: {  	[sflag:s13] =	ssyncadd.s32 $0xFFFFFC00  }
0x2a4: {  	_ =	swait.ge [sflag:s13], $0x400  }
0x2a5: {  	[sflag:s13] =	ssyncset.done $0x0  }
0x2a6: {  	[sflag:s13] =	ssyncadd.s32 $0xFFFFFC00  }
0x2a7: {  	_ =	swait.ge [sflag:s13], $0x400  }
0x2a8: {  	s2 =	rddreg [dreg:$0x7]  }
0x2a9: {  	s0 =	rddreg [dreg:$0x6];
	s2 =	sadd.s32 $0x1, s2  }
0x2aa: {  	p0 =	sne.s32 s2, s0  }
.Ltmp8:
0x2ab: {  	_ = 	snop;
	(pc) =	sbr.rel @p0 .LBB2_1-.Ltmp8, $3  }
0x2ac: {  	_ =	sdelay $0x1  }
0x2ad: {  	[sflag:s13] =	ssyncset.done $0x0  }
0x2ae: {  	[sflag:s13] =	ssyncadd.s32 $0xFFFFFC00  }
0x2af: {  	_ =	sfence.sel $0x180000  }
0x2b0: {  	[bflag:$0x0] =	sbarrier.arrive $0xFFFF  }
0x2b1: {  	_ =	strace $0x90000047  }
0x2b2: {  	s0 =	stileid.u32;
	[bflag:$0x2] =	sbarrier.arrive $0xFFFF  }
0x2b3: {  	p0 =	sne.s32 s0, $0x0;
	s0 =	rddreg [dreg:$0x3]  }
0x2b4: {  	s0 =	sadd.s32 @!p0 $0x100000, s0  }
0x2b5: {  	[sflag:s0] =	ssyncadd.tile.s32 @!p0 $0x1;
	_ =	shalt  }
.Lfunc_end2:
_tile_overlayer_lowered:
.L_overlay_start_2:
0x2b6: {  	(tag) =	ssettag $0x2  }
0x2b7: {  	s0 =	rddreg [dreg:$0x0];
	s2 =	stileid.u32  }
0x2b8: {  	s1 =	rddreg [dreg:$0x1];
	p0 =	sne.s32 s2, $0x0  }
0x2b9: {  	s3 =	rddreg [dreg:$0x2];
	[bflag:$0x3] =	sbarrier.arrive $0xFFFF;
	s2 =	simm.s32 @!p0 $0x1C07  }
0x2ba: {  	[timem:s3], [sflag:s2] =	dma.local @!p0 [hbm:s0], s1  }
0x2bb: {  	s0 =	simm.s32 @!p0 $0x7  }
0x2bc: {  	_ =	swait.ge @!p0 [sflag:s0], s1  }
0x2bd: {  	s1 =	ssub.s32 @!p0 $0x0, s1;
	[sflag:s0] =	ssyncset.done @!p0 $0x0  }
0x2be: {  	[sflag:s0] =	ssyncadd.s32 @!p0 s1  }
0x2bf: {  	[bflag:$0x3] =	sbarrier.arrive $0xFFFF  }
0x2c0: {  	_ =	shalt  }

</sc_bundles>
